<compile_context>
chip_gen: v7x
topology: tpu7x:2x2x1
jax: 0.10.2.dev20260603
libtpu: 0.0.44.dev20260713+nightly
codegen_flags: <defaults>
</compile_context>

<pallas_src>
import jax
import jax.numpy as jnp
from jax import lax
from jax.experimental import pallas as pl
from jax.experimental.pallas import tpu as pltpu
from jax.experimental.pallas import tpu_sc as plsc

NENTITY = 100000
NRELATION = 1000
HIDDEN_DIM = 64
TIME_DIM = 32
REL_DIM = HIDDEN_DIM + TIME_DIM
GAMMA = 12.0
BATCH = 16384

NC = 2
NS = 16
L = 16
NW = NC * NS
BPW = BATCH // NW
CH = 128
NCHUNK = BPW // CH

_S = (9.9999999598e-01, -1.6666665044e-01, 8.3333145094e-03,
      -1.9840311065e-04, 2.7532291772e-06, -2.4701608775e-08,
      1.3533267342e-10)
_INV2PI = 0.15915494309189535
_TWOPI = 6.283185307179586


def _sin16(x):
  t = x * jnp.float32(_INV2PI)
  half = jnp.where(t >= 0, jnp.float32(0.5), jnp.float32(-0.5))
  k = (t + half).astype(jnp.int32).astype(jnp.float32)
  r = x - k * jnp.float32(_TWOPI)
  r2 = r * r
  p = jnp.float32(_S[6])
  for c in (_S[5], _S[4], _S[3], _S[2], _S[1], _S[0]):
    p = p * r2 + jnp.float32(c)
  return p * r


def _score_kernel(heads, rels, tails, dayflat, t1, t2, rel,
                  out, hidx, tidx, ridx, dayv, h1, tt1, ha, ta, rrow,
                  outv, sem):
  wid = lax.axis_index("s") * NC + lax.axis_index("c")
  base_w = wid * BPW
  for c in range(NCHUNK):
    base = base_w + c * CH
    pltpu.sync_copy(heads.at[pl.ds(base, CH)], hidx)
    pltpu.sync_copy(tails.at[pl.ds(base, CH)], tidx)
    pltpu.sync_copy(rels.at[pl.ds(base, CH)], ridx)
    pltpu.sync_copy(dayflat.at[pl.ds(base * L, CH * L)], dayv)
    copies = [
        pltpu.async_copy(t1.at[hidx], h1, sem),
        pltpu.async_copy(t1.at[tidx], tt1, sem),
        pltpu.async_copy(t2.at[hidx], ha, sem),
        pltpu.async_copy(t2.at[tidx], ta, sem),
        pltpu.async_copy(rel.at[ridx], rrow, sem),
    ]
    for cp in copies:
      cp.wait()

    lanes = lax.iota(jnp.int32, L)

    def sample_body(i, scorev):
      day = dayv[pl.ds(i * L, L)]
      acc = jnp.abs(h1[i, pl.ds(0, L)] + rrow[i, pl.ds(0, L)]
                    - tt1[i, pl.ds(0, L)])
      for k in range(1, HIDDEN_DIM // L):
        acc = acc + jnp.abs(h1[i, pl.ds(k * L, L)]
                            + rrow[i, pl.ds(k * L, L)]
                            - tt1[i, pl.ds(k * L, L)])
      for k in range(TIME_DIM // L):
        fs = pl.ds(HIDDEN_DIM + k * L, L)
        ps = pl.ds(HIDDEN_DIM + TIME_DIM + k * L, L)
        as_ = pl.ds(k * L, L)
        hs = _sin16(day * h1[i, fs] + h1[i, ps]) * ha[i, as_]
        ts = _sin16(day * tt1[i, fs] + tt1[i, ps]) * ta[i, as_]
        acc = acc + jnp.abs(hs + rrow[i, fs] - ts)
      parts = [acc[j] for j in range(L)]
      while len(parts) > 1:
        parts = [a + b for a, b in zip(parts[::2], parts[1::2])]
      score = jnp.float32(GAMMA) - parts[0]
      il = i & (L - 1)
      scorev = jnp.where(lanes == il, score, scorev)
      flush = il == (L - 1)

      @pl.when(flush)
      def _():
        outv[pl.ds(c * CH + i - (L - 1), L)] = scorev

      return scorev

    lax.fori_loop(0, CH, sample_body, jnp.zeros((L,), jnp.float32))

  pltpu.sync_copy(outv, out.at[pl.ds(base_w, BPW)])


@jax.jit
def kernel(sample, entity_embedding, relation_embedding, d_frq_embedding,
           d_phi_embedding, d_amp_embedding):
  heads = sample[:, 0]
  rels = sample[:, 1]
  tails = sample[:, 2]
  dayflat = jnp.broadcast_to(
      sample[:, 3].astype(jnp.float32)[:, None], (BATCH, L)).reshape(BATCH * L)

  t1 = jnp.concatenate([entity_embedding, d_frq_embedding, d_phi_embedding],
                       axis=1)
  t2 = jnp.pad(d_amp_embedding, ((0, 0), (0, 128 - TIME_DIM)))

  mesh = plsc.VectorSubcoreMesh(core_axis_name="c", subcore_axis_name="s")
  score = pl.kernel(
      _score_kernel,
      out_type=jax.ShapeDtypeStruct((BATCH,), jnp.float32),
      mesh=mesh,
      compiler_params=pltpu.CompilerParams(use_tc_tiling_on_sc=False),
      scratch_types=[
          pltpu.VMEM((CH,), jnp.int32),
          pltpu.VMEM((CH,), jnp.int32),
          pltpu.VMEM((CH,), jnp.int32),
          pltpu.VMEM((CH * L,), jnp.float32),
          pltpu.VMEM((CH, 128), jnp.float32),
          pltpu.VMEM((CH, 128), jnp.float32),
          pltpu.VMEM((CH, 128), jnp.float32),
          pltpu.VMEM((CH, 128), jnp.float32),
          pltpu.VMEM((CH, REL_DIM), jnp.float32),
          pltpu.VMEM((BPW,), jnp.float32),
          pltpu.SemaphoreType.DMA,
      ],
  )(heads, rels, tails, dayflat, t1, t2, relation_embedding)
  return score.reshape(BATCH, 1)

# --- scband reference (transcript-rebuilt; emitter-appended) ---
"""Pipeline reference for scband-kgemodel-25108378812732 (READ-ONLY COPY).

The authoritative reference and input builder live on the scoring server;
editing this copy changes nothing except your own understanding.
"""

import jax, jax.numpy as jnp
import numpy as np

NENTITY = 100000
NRELATION = 1000
HIDDEN_DIM = 64
TIME_DIM = 32
ENT_DIM = HIDDEN_DIM
REL_DIM = HIDDEN_DIM + TIME_DIM
GAMMA = 12.0
EPSILON = 2.0
EMB_RANGE = (GAMMA + EPSILON) / REL_DIM
BATCH = 16384


def setup_inputs(seed: int = 0) -> dict:
    key = jax.random.key(seed)
    ks = jax.random.split(key, 9)
    heads = jax.random.randint(ks[0], (BATCH,), 0, NENTITY, dtype=jnp.int32)
    rels = jax.random.randint(ks[1], (BATCH,), 0, NRELATION, dtype=jnp.int32)
    tails = jax.random.randint(ks[2], (BATCH,), 0, NENTITY, dtype=jnp.int32)
    days = jax.random.randint(ks[3], (BATCH,), 0, 365, dtype=jnp.int32)
    sample = jnp.stack([heads, rels, tails, days], axis=1)
    entity_embedding = jax.random.uniform(ks[4], (NENTITY, ENT_DIM), minval=-EMB_RANGE, maxval=EMB_RANGE, dtype=jnp.float32)
    relation_embedding = jax.random.uniform(ks[5], (NRELATION, REL_DIM), minval=-EMB_RANGE, maxval=EMB_RANGE, dtype=jnp.float32)
    d_frq_embedding = jax.random.uniform(ks[6], (NENTITY, TIME_DIM), minval=-EMB_RANGE, maxval=EMB_RANGE, dtype=jnp.float32)
    d_phi_embedding = jax.random.uniform(ks[7], (NENTITY, TIME_DIM), minval=-EMB_RANGE, maxval=EMB_RANGE, dtype=jnp.float32)
    d_amp_embedding = jax.random.uniform(ks[8], (NENTITY, TIME_DIM), minval=-EMB_RANGE, maxval=EMB_RANGE, dtype=jnp.float32)
    return {
        "sample": sample,
        "entity_embedding": entity_embedding,
        "relation_embedding": relation_embedding,
        "d_frq_embedding": d_frq_embedding,
        "d_phi_embedding": d_phi_embedding,
        "d_amp_embedding": d_amp_embedding,
    }


def _time_embedding(d_amp_table, d_frq_table, d_phi_table, entity_idx, day):
    # day: [B, 1] float; entity_idx: [B] int
    d_amp = jnp.take(d_amp_table, entity_idx, axis=0)
    d_frq = jnp.take(d_frq_table, entity_idx, axis=0)
    d_phi = jnp.take(d_phi_table, entity_idx, axis=0)
    return d_amp * jnp.sin(day * d_frq + d_phi)


def reference(sample, entity_embedding, relation_embedding, d_frq_embedding, d_phi_embedding, d_amp_embedding):
    # mode == 'single'
    day = sample[:, 3].astype(jnp.float32).reshape(-1, 1)  # [B, 1]
    head = jnp.take(entity_embedding, sample[:, 0], axis=0)[:, None, :]
    head_time = _time_embedding(d_amp_embedding, d_frq_embedding, d_phi_embedding, sample[:, 0], day)[:, None, :]
    relation = jnp.take(relation_embedding, sample[:, 1], axis=0)[:, None, :]
    tail = jnp.take(entity_embedding, sample[:, 2], axis=0)[:, None, :]
    tail_time = _time_embedding(d_amp_embedding, d_frq_embedding, d_phi_embedding, sample[:, 2], day)[:, None, :]
    # TransE score with time-augmented entity embeddings (entity || time)
    h = jnp.concatenate([head, head_time], axis=2)
    t = jnp.concatenate([tail, tail_time], axis=2)
    score = GAMMA - jnp.sum(jnp.abs(h + relation - t), axis=2)
    return score  # [B, 1]

if __name__ == "__main__":
    import jax
    _d = setup_inputs()
    print(jax.jit(kernel)(*tuple(_d.values())))

</pallas_src>

<mosaic_0001>
#map = affine_map<(d0, d1) -> (0)>
#map1 = affine_map<(d0, d1) -> (0, 0)>
module attributes {stable_mosaic.version = 14 : i64} {
  func.func @_score_kernel(%arg0: i32, %arg1: i32, %arg2: memref<16384xi32, #tpu.memory_space<hbm>>, %arg3: memref<16384xi32, #tpu.memory_space<hbm>>, %arg4: memref<16384xi32, #tpu.memory_space<hbm>>, %arg5: memref<262144xf32, #tpu.memory_space<hbm>>, %arg6: memref<100000x128xf32, #tpu.memory_space<hbm>>, %arg7: memref<100000x128xf32, #tpu.memory_space<hbm>>, %arg8: memref<1000x96xf32, #tpu.memory_space<hbm>>, %arg9: memref<16384xf32, #tpu.memory_space<hbm>>, %arg10: memref<128xi32, #tpu.memory_space<vmem>>, %arg11: memref<128xi32, #tpu.memory_space<vmem>>, %arg12: memref<128xi32, #tpu.memory_space<vmem>>, %arg13: memref<2048xf32, #tpu.memory_space<vmem>>, %arg14: memref<128x128xf32, #tpu.memory_space<vmem>>, %arg15: memref<128x128xf32, #tpu.memory_space<vmem>>, %arg16: memref<128x128xf32, #tpu.memory_space<vmem>>, %arg17: memref<128x128xf32, #tpu.memory_space<vmem>>, %arg18: memref<128x96xf32, #tpu.memory_space<vmem>>, %arg19: memref<512xf32, #tpu.memory_space<vmem>>, %arg20: memref<!tpu.dma_semaphore, #tpu.memory_space<semaphore_mem>>) attributes {dimension_semantics = [#tpu.dimension_semantics<core_parallel>, #tpu.dimension_semantics<subcore_parallel>], iteration_bounds = array<i64: 2, 16>, scalar_prefetch = 0 : i64, scratch_operands = 11 : i64, tpu.core_type = #tpu.core_type<sc_vector_subcore>, window_params = [{transform_indices = #map}, {transform_indices = #map}, {transform_indices = #map}, {transform_indices = #map}, {transform_indices = #map1}, {transform_indices = #map1}, {transform_indices = #map1}, {transform_indices = #map}]} {
    %mul3A = arith.constant 2 : i32
    %mul3A_0 = arith.muli %arg1, %mul3A : i32
    %add3A = arith.addi %mul3A_0, %arg0 : i32
    %mul3A_1 = arith.constant 512 : i32
    %mul3A_2 = arith.muli %add3A, %mul3A_1 : i32
    %add3A_3 = arith.constant 0 : i32
    %add3A_4 = arith.addi %mul3A_2, %add3A_3 : i32
    "tpu.region"() ({
      %run_scoped3A = tpu.sem_alloc : memref<!tpu.dma_semaphore, #tpu.memory_space<semaphore_mem>>
      %dma_start3A_170 = tpu.memref_slice %arg2[%add3A_4] : memref<16384xi32, #tpu.memory_space<hbm>> -> memref<128xi32, #tpu.memory_space<hbm>>
      %dma_start3A_171 = tpu.memref_slice %arg2[%add3A_4] : memref<16384xi32, #tpu.memory_space<hbm>> -> memref<128xi32, #tpu.memory_space<hbm>>
      tpu.enqueue_dma source(%dma_start3A_171 : memref<128xi32, #tpu.memory_space<hbm>>) target(%arg10 : memref<128xi32, #tpu.memory_space<vmem>>) target_semaphore(%run_scoped3A : memref<!tpu.dma_semaphore, #tpu.memory_space<semaphore_mem>>)
      %dma_wait3A_172 = tpu.memref_slice %arg2[%add3A_4] : memref<16384xi32, #tpu.memory_space<hbm>> -> memref<128xi32, #tpu.memory_space<hbm>>
      %dma_wait3A_173 = tpu.memref_slice %arg2[%add3A_4] : memref<16384xi32, #tpu.memory_space<hbm>> -> memref<128xi32, #tpu.memory_space<hbm>>
      tpu.wait_dma2 semaphore(%run_scoped3A : memref<!tpu.dma_semaphore, #tpu.memory_space<semaphore_mem>>) src(%dma_wait3A_173 : memref<128xi32, #tpu.memory_space<hbm>>) dst(%arg10 : memref<128xi32, #tpu.memory_space<vmem>>)
      tpu.yield
    }) : () -> ()
    "tpu.region"() ({
      %run_scoped3A = tpu.sem_alloc : memref<!tpu.dma_semaphore, #tpu.memory_space<semaphore_mem>>
      %dma_start3A_170 = tpu.memref_slice %arg4[%add3A_4] : memref<16384xi32, #tpu.memory_space<hbm>> -> memref<128xi32, #tpu.memory_space<hbm>>
      %dma_start3A_171 = tpu.memref_slice %arg4[%add3A_4] : memref<16384xi32, #tpu.memory_space<hbm>> -> memref<128xi32, #tpu.memory_space<hbm>>
      tpu.enqueue_dma source(%dma_start3A_171 : memref<128xi32, #tpu.memory_space<hbm>>) target(%arg11 : memref<128xi32, #tpu.memory_space<vmem>>) target_semaphore(%run_scoped3A : memref<!tpu.dma_semaphore, #tpu.memory_space<semaphore_mem>>)
      %dma_wait3A_172 = tpu.memref_slice %arg4[%add3A_4] : memref<16384xi32, #tpu.memory_space<hbm>> -> memref<128xi32, #tpu.memory_space<hbm>>
      %dma_wait3A_173 = tpu.memref_slice %arg4[%add3A_4] : memref<16384xi32, #tpu.memory_space<hbm>> -> memref<128xi32, #tpu.memory_space<hbm>>
      tpu.wait_dma2 semaphore(%run_scoped3A : memref<!tpu.dma_semaphore, #tpu.memory_space<semaphore_mem>>) src(%dma_wait3A_173 : memref<128xi32, #tpu.memory_space<hbm>>) dst(%arg11 : memref<128xi32, #tpu.memory_space<vmem>>)
      tpu.yield
    }) : () -> ()
    "tpu.region"() ({
      %run_scoped3A = tpu.sem_alloc : memref<!tpu.dma_semaphore, #tpu.memory_space<semaphore_mem>>
      %dma_start3A_170 = tpu.memref_slice %arg3[%add3A_4] : memref<16384xi32, #tpu.memory_space<hbm>> -> memref<128xi32, #tpu.memory_space<hbm>>
      %dma_start3A_171 = tpu.memref_slice %arg3[%add3A_4] : memref<16384xi32, #tpu.memory_space<hbm>> -> memref<128xi32, #tpu.memory_space<hbm>>
      tpu.enqueue_dma source(%dma_start3A_171 : memref<128xi32, #tpu.memory_space<hbm>>) target(%arg12 : memref<128xi32, #tpu.memory_space<vmem>>) target_semaphore(%run_scoped3A : memref<!tpu.dma_semaphore, #tpu.memory_space<semaphore_mem>>)
      %dma_wait3A_172 = tpu.memref_slice %arg3[%add3A_4] : memref<16384xi32, #tpu.memory_space<hbm>> -> memref<128xi32, #tpu.memory_space<hbm>>
      %dma_wait3A_173 = tpu.memref_slice %arg3[%add3A_4] : memref<16384xi32, #tpu.memory_space<hbm>> -> memref<128xi32, #tpu.memory_space<hbm>>
      tpu.wait_dma2 semaphore(%run_scoped3A : memref<!tpu.dma_semaphore, #tpu.memory_space<semaphore_mem>>) src(%dma_wait3A_173 : memref<128xi32, #tpu.memory_space<hbm>>) dst(%arg12 : memref<128xi32, #tpu.memory_space<vmem>>)
      tpu.yield
    }) : () -> ()
    %mul3A_5 = arith.constant 16 : i32
    %mul3A_6 = arith.muli %add3A_4, %mul3A_5 : i32
    "tpu.region"() ({
      %run_scoped3A = tpu.sem_alloc : memref<!tpu.dma_semaphore, #tpu.memory_space<semaphore_mem>>
      %dma_start3A_170 = tpu.memref_slice %arg5[%mul3A_6] : memref<262144xf32, #tpu.memory_space<hbm>> -> memref<2048xf32, #tpu.memory_space<hbm>>
      %dma_start3A_171 = tpu.memref_slice %arg5[%mul3A_6] : memref<262144xf32, #tpu.memory_space<hbm>> -> memref<2048xf32, #tpu.memory_space<hbm>>
      tpu.enqueue_dma source(%dma_start3A_171 : memref<2048xf32, #tpu.memory_space<hbm>>) target(%arg13 : memref<2048xf32, #tpu.memory_space<vmem>>) target_semaphore(%run_scoped3A : memref<!tpu.dma_semaphore, #tpu.memory_space<semaphore_mem>>)
      %dma_wait3A_172 = tpu.memref_slice %arg5[%mul3A_6] : memref<262144xf32, #tpu.memory_space<hbm>> -> memref<2048xf32, #tpu.memory_space<hbm>>
      %dma_wait3A_173 = tpu.memref_slice %arg5[%mul3A_6] : memref<262144xf32, #tpu.memory_space<hbm>> -> memref<2048xf32, #tpu.memory_space<hbm>>
      tpu.wait_dma2 semaphore(%run_scoped3A : memref<!tpu.dma_semaphore, #tpu.memory_space<semaphore_mem>>) src(%dma_wait3A_173 : memref<2048xf32, #tpu.memory_space<hbm>>) dst(%arg13 : memref<2048xf32, #tpu.memory_space<vmem>>)
      tpu.yield
    }) : () -> ()
    %dma_start3A = arith.constant 0 : i32
    %dma_start3A_7 = arith.constant 0 : i32
    %dma_start3A_8 = tpu.memref_slice %arg6[%dma_start3A, %dma_start3A_7] : memref<100000x128xf32, #tpu.memory_space<hbm>> -> memref<100000x128xf32, #tpu.memory_space<hbm>>
    tpu.enqueue_indirect_dma source(%dma_start3A_8 : memref<100000x128xf32, #tpu.memory_space<hbm>>) target(%arg14 : memref<128x128xf32, #tpu.memory_space<vmem>>) offsets(%arg10 : memref<128xi32, #tpu.memory_space<vmem>>) semaphore(%arg20 : memref<!tpu.dma_semaphore, #tpu.memory_space<semaphore_mem>>)
    %dma_start3A_9 = arith.constant 0 : i32
    %dma_start3A_10 = arith.constant 0 : i32
    %dma_start3A_11 = tpu.memref_slice %arg6[%dma_start3A_9, %dma_start3A_10] : memref<100000x128xf32, #tpu.memory_space<hbm>> -> memref<100000x128xf32, #tpu.memory_space<hbm>>
    tpu.enqueue_indirect_dma source(%dma_start3A_11 : memref<100000x128xf32, #tpu.memory_space<hbm>>) target(%arg15 : memref<128x128xf32, #tpu.memory_space<vmem>>) offsets(%arg11 : memref<128xi32, #tpu.memory_space<vmem>>) semaphore(%arg20 : memref<!tpu.dma_semaphore, #tpu.memory_space<semaphore_mem>>)
    %dma_start3A_12 = arith.constant 0 : i32
    %dma_start3A_13 = arith.constant 0 : i32
    %dma_start3A_14 = tpu.memref_slice %arg7[%dma_start3A_12, %dma_start3A_13] : memref<100000x128xf32, #tpu.memory_space<hbm>> -> memref<100000x128xf32, #tpu.memory_space<hbm>>
    tpu.enqueue_indirect_dma source(%dma_start3A_14 : memref<100000x128xf32, #tpu.memory_space<hbm>>) target(%arg16 : memref<128x128xf32, #tpu.memory_space<vmem>>) offsets(%arg10 : memref<128xi32, #tpu.memory_space<vmem>>) semaphore(%arg20 : memref<!tpu.dma_semaphore, #tpu.memory_space<semaphore_mem>>)
    %dma_start3A_15 = arith.constant 0 : i32
    %dma_start3A_16 = arith.constant 0 : i32
    %dma_start3A_17 = tpu.memref_slice %arg7[%dma_start3A_15, %dma_start3A_16] : memref<100000x128xf32, #tpu.memory_space<hbm>> -> memref<100000x128xf32, #tpu.memory_space<hbm>>
    tpu.enqueue_indirect_dma source(%dma_start3A_17 : memref<100000x128xf32, #tpu.memory_space<hbm>>) target(%arg17 : memref<128x128xf32, #tpu.memory_space<vmem>>) offsets(%arg11 : memref<128xi32, #tpu.memory_space<vmem>>) semaphore(%arg20 : memref<!tpu.dma_semaphore, #tpu.memory_space<semaphore_mem>>)
    %dma_start3A_18 = arith.constant 0 : i32
    %dma_start3A_19 = arith.constant 0 : i32
    %dma_start3A_20 = tpu.memref_slice %arg8[%dma_start3A_18, %dma_start3A_19] : memref<1000x96xf32, #tpu.memory_space<hbm>> -> memref<1000x96xf32, #tpu.memory_space<hbm>>
    tpu.enqueue_indirect_dma source(%dma_start3A_20 : memref<1000x96xf32, #tpu.memory_space<hbm>>) target(%arg18 : memref<128x96xf32, #tpu.memory_space<vmem>>) offsets(%arg12 : memref<128xi32, #tpu.memory_space<vmem>>) semaphore(%arg20 : memref<!tpu.dma_semaphore, #tpu.memory_space<semaphore_mem>>)
    %dma_wait3A = arith.constant 0 : i32
    %dma_wait3A_21 = arith.constant 0 : i32
    %dma_wait3A_22 = tpu.memref_slice %arg6[%dma_wait3A, %dma_wait3A_21] : memref<100000x128xf32, #tpu.memory_space<hbm>> -> memref<100000x128xf32, #tpu.memory_space<hbm>>
    tpu.wait_indirect_dma semaphore(%arg20 : memref<!tpu.dma_semaphore, #tpu.memory_space<semaphore_mem>>) src(%dma_wait3A_22 : memref<100000x128xf32, #tpu.memory_space<hbm>>) dst(%arg14 : memref<128x128xf32, #tpu.memory_space<vmem>>)
    %dma_wait3A_23 = arith.constant 0 : i32
    %dma_wait3A_24 = arith.constant 0 : i32
    %dma_wait3A_25 = tpu.memref_slice %arg6[%dma_wait3A_23, %dma_wait3A_24] : memref<100000x128xf32, #tpu.memory_space<hbm>> -> memref<100000x128xf32, #tpu.memory_space<hbm>>
    tpu.wait_indirect_dma semaphore(%arg20 : memref<!tpu.dma_semaphore, #tpu.memory_space<semaphore_mem>>) src(%dma_wait3A_25 : memref<100000x128xf32, #tpu.memory_space<hbm>>) dst(%arg15 : memref<128x128xf32, #tpu.memory_space<vmem>>)
    %dma_wait3A_26 = arith.constant 0 : i32
    %dma_wait3A_27 = arith.constant 0 : i32
    %dma_wait3A_28 = tpu.memref_slice %arg7[%dma_wait3A_26, %dma_wait3A_27] : memref<100000x128xf32, #tpu.memory_space<hbm>> -> memref<100000x128xf32, #tpu.memory_space<hbm>>
    tpu.wait_indirect_dma semaphore(%arg20 : memref<!tpu.dma_semaphore, #tpu.memory_space<semaphore_mem>>) src(%dma_wait3A_28 : memref<100000x128xf32, #tpu.memory_space<hbm>>) dst(%arg16 : memref<128x128xf32, #tpu.memory_space<vmem>>)
    %dma_wait3A_29 = arith.constant 0 : i32
    %dma_wait3A_30 = arith.constant 0 : i32
    %dma_wait3A_31 = tpu.memref_slice %arg7[%dma_wait3A_29, %dma_wait3A_30] : memref<100000x128xf32, #tpu.memory_space<hbm>> -> memref<100000x128xf32, #tpu.memory_space<hbm>>
    tpu.wait_indirect_dma semaphore(%arg20 : memref<!tpu.dma_semaphore, #tpu.memory_space<semaphore_mem>>) src(%dma_wait3A_31 : memref<100000x128xf32, #tpu.memory_space<hbm>>) dst(%arg17 : memref<128x128xf32, #tpu.memory_space<vmem>>)
    %dma_wait3A_32 = arith.constant 0 : i32
    %dma_wait3A_33 = arith.constant 0 : i32
    %dma_wait3A_34 = tpu.memref_slice %arg8[%dma_wait3A_32, %dma_wait3A_33] : memref<1000x96xf32, #tpu.memory_space<hbm>> -> memref<1000x96xf32, #tpu.memory_space<hbm>>
    tpu.wait_indirect_dma semaphore(%arg20 : memref<!tpu.dma_semaphore, #tpu.memory_space<semaphore_mem>>) src(%dma_wait3A_34 : memref<1000x96xf32, #tpu.memory_space<hbm>>) dst(%arg18 : memref<128x96xf32, #tpu.memory_space<vmem>>)
    %iota3A = tpu.iota {dimensions = array<i32: 0>} : vector<16xi32>
    %broadcast_in_dim3A = arith.constant 0.000000e+00 : f32
    %broadcast_in_dim3A_35 = vector.broadcast %broadcast_in_dim3A : f32 to vector<16xf32>
    %scan3A = arith.constant 0 : i32
    %scan3A_36 = arith.constant 128 : i32
    %scan3A_37 = arith.addi %scan3A, %scan3A_36 : i32
    %scan3A_38 = arith.constant 1 : i32
    %scan3A_39 = scf.for %scan3A_170 = %scan3A to %scan3A_37 step %scan3A_38 iter_args(%scan3A_171 = %broadcast_in_dim3A_35) -> (vector<16xf32>)  : i32 {
      %mul3A_172 = arith.constant 16 : i32
      %mul3A_173 = arith.muli %scan3A_170, %mul3A_172 : i32
      %get3A = arith.index_cast %mul3A_173 : i32 to index
      %get3A_174 = tpu.vector_load %arg13[%get3A] {strides = array<i32>} : memref<2048xf32, #tpu.memory_space<vmem>>, vector<16xf32>,
      %get3A_175 = vector.shape_cast %get3A_174 : vector<16xf32> to vector<16xf32>
      %get3A_176 = arith.index_cast %scan3A_170 : i32 to index
      %get3A_177 = arith.constant 0 : index
      %get3A_178 = tpu.vector_load %arg14[%get3A_176, %get3A_177] {strides = array<i32>} : memref<128x128xf32, #tpu.memory_space<vmem>>, vector<1x16xf32>,
      %get3A_179 = vector.shape_cast %get3A_178 : vector<1x16xf32> to vector<16xf32>
      %get3A_180 = arith.index_cast %scan3A_170 : i32 to index
      %get3A_181 = arith.constant 0 : index
      %get3A_182 = tpu.vector_load %arg18[%get3A_180, %get3A_181] {strides = array<i32>} : memref<128x96xf32, #tpu.memory_space<vmem>>, vector<1x16xf32>,
      %get3A_183 = vector.shape_cast %get3A_182 : vector<1x16xf32> to vector<16xf32>
      %add3A_184 = arith.addf %get3A_179, %get3A_183 : vector<16xf32>
      %get3A_185 = arith.index_cast %scan3A_170 : i32 to index
      %get3A_186 = arith.constant 0 : index
      %get3A_187 = tpu.vector_load %arg15[%get3A_185, %get3A_186] {strides = array<i32>} : memref<128x128xf32, #tpu.memory_space<vmem>>, vector<1x16xf32>,
      %get3A_188 = vector.shape_cast %get3A_187 : vector<1x16xf32> to vector<16xf32>
      %sub3A = arith.subf %add3A_184, %get3A_188 : vector<16xf32>
      %abs3A = math.absf %sub3A : vector<16xf32>
      %get3A_189 = arith.index_cast %scan3A_170 : i32 to index
      %get3A_190 = arith.constant 16 : index
      %get3A_191 = tpu.vector_load %arg14[%get3A_189, %get3A_190] {strides = array<i32>} : memref<128x128xf32, #tpu.memory_space<vmem>>, vector<1x16xf32>,
      %get3A_192 = vector.shape_cast %get3A_191 : vector<1x16xf32> to vector<16xf32>
      %get3A_193 = arith.index_cast %scan3A_170 : i32 to index
      %get3A_194 = arith.constant 16 : index
      %get3A_195 = tpu.vector_load %arg18[%get3A_193, %get3A_194] {strides = array<i32>} : memref<128x96xf32, #tpu.memory_space<vmem>>, vector<1x16xf32>,
      %get3A_196 = vector.shape_cast %get3A_195 : vector<1x16xf32> to vector<16xf32>
      %add3A_197 = arith.addf %get3A_192, %get3A_196 : vector<16xf32>
      %get3A_198 = arith.index_cast %scan3A_170 : i32 to index
      %get3A_199 = arith.constant 16 : index
      %get3A_200 = tpu.vector_load %arg15[%get3A_198, %get3A_199] {strides = array<i32>} : memref<128x128xf32, #tpu.memory_space<vmem>>, vector<1x16xf32>,
      %get3A_201 = vector.shape_cast %get3A_200 : vector<1x16xf32> to vector<16xf32>
      %sub3A_202 = arith.subf %add3A_197, %get3A_201 : vector<16xf32>
      %abs3A_203 = math.absf %sub3A_202 : vector<16xf32>
      %add3A_204 = arith.addf %abs3A, %abs3A_203 : vector<16xf32>
      %get3A_205 = arith.index_cast %scan3A_170 : i32 to index
      %get3A_206 = arith.constant 32 : index
      %get3A_207 = tpu.vector_load %arg14[%get3A_205, %get3A_206] {strides = array<i32>} : memref<128x128xf32, #tpu.memory_space<vmem>>, vector<1x16xf32>,
      %get3A_208 = vector.shape_cast %get3A_207 : vector<1x16xf32> to vector<16xf32>
      %get3A_209 = arith.index_cast %scan3A_170 : i32 to index
      %get3A_210 = arith.constant 32 : index
      %get3A_211 = tpu.vector_load %arg18[%get3A_209, %get3A_210] {strides = array<i32>} : memref<128x96xf32, #tpu.memory_space<vmem>>, vector<1x16xf32>,
      %get3A_212 = vector.shape_cast %get3A_211 : vector<1x16xf32> to vector<16xf32>
      %add3A_213 = arith.addf %get3A_208, %get3A_212 : vector<16xf32>
      %get3A_214 = arith.index_cast %scan3A_170 : i32 to index
      %get3A_215 = arith.constant 32 : index
      %get3A_216 = tpu.vector_load %arg15[%get3A_214, %get3A_215] {strides = array<i32>} : memref<128x128xf32, #tpu.memory_space<vmem>>, vector<1x16xf32>,
      %get3A_217 = vector.shape_cast %get3A_216 : vector<1x16xf32> to vector<16xf32>
      %sub3A_218 = arith.subf %add3A_213, %get3A_217 : vector<16xf32>
      %abs3A_219 = math.absf %sub3A_218 : vector<16xf32>
      %add3A_220 = arith.addf %add3A_204, %abs3A_219 : vector<16xf32>
      %get3A_221 = arith.index_cast %scan3A_170 : i32 to index
      %get3A_222 = arith.constant 48 : index
      %get3A_223 = tpu.vector_load %arg14[%get3A_221, %get3A_222] {strides = array<i32>} : memref<128x128xf32, #tpu.memory_space<vmem>>, vector<1x16xf32>,
      %get3A_224 = vector.shape_cast %get3A_223 : vector<1x16xf32> to vector<16xf32>
      %get3A_225 = arith.index_cast %scan3A_170 : i32 to index
      %get3A_226 = arith.constant 48 : index
      %get3A_227 = tpu.vector_load %arg18[%get3A_225, %get3A_226] {strides = array<i32>} : memref<128x96xf32, #tpu.memory_space<vmem>>, vector<1x16xf32>,
      %get3A_228 = vector.shape_cast %get3A_227 : vector<1x16xf32> to vector<16xf32>
      %add3A_229 = arith.addf %get3A_224, %get3A_228 : vector<16xf32>
      %get3A_230 = arith.index_cast %scan3A_170 : i32 to index
      %get3A_231 = arith.constant 48 : index
      %get3A_232 = tpu.vector_load %arg15[%get3A_230, %get3A_231] {strides = array<i32>} : memref<128x128xf32, #tpu.memory_space<vmem>>, vector<1x16xf32>,
      %get3A_233 = vector.shape_cast %get3A_232 : vector<1x16xf32> to vector<16xf32>
      %sub3A_234 = arith.subf %add3A_229, %get3A_233 : vector<16xf32>
      %abs3A_235 = math.absf %sub3A_234 : vector<16xf32>
      %add3A_236 = arith.addf %add3A_220, %abs3A_235 : vector<16xf32>
      %get3A_237 = arith.index_cast %scan3A_170 : i32 to index
      %get3A_238 = arith.constant 64 : index
      %get3A_239 = tpu.vector_load %arg14[%get3A_237, %get3A_238] {strides = array<i32>} : memref<128x128xf32, #tpu.memory_space<vmem>>, vector<1x16xf32>,
      %get3A_240 = vector.shape_cast %get3A_239 : vector<1x16xf32> to vector<16xf32>
      %mul3A_241 = arith.mulf %get3A_175, %get3A_240 : vector<16xf32>
      %get3A_242 = arith.index_cast %scan3A_170 : i32 to index
      %get3A_243 = arith.constant 96 : index
      %get3A_244 = tpu.vector_load %arg14[%get3A_242, %get3A_243] {strides = array<i32>} : memref<128x128xf32, #tpu.memory_space<vmem>>, vector<1x16xf32>,
      %get3A_245 = vector.shape_cast %get3A_244 : vector<1x16xf32> to vector<16xf32>
      %add3A_246 = arith.addf %mul3A_241, %get3A_245 : vector<16xf32>
      %mul3A_247 = arith.constant 0.159154937 : f32
      %mul3A_248 = vector.broadcast %mul3A_247 : f32 to vector<16xf32>
      %mul3A_249 = arith.mulf %add3A_246, %mul3A_248 : vector<16xf32>
      %ge3A = arith.constant 0.000000e+00 : f32
      %ge3A_250 = vector.broadcast %ge3A : f32 to vector<16xf32>
      %ge3A_251 = arith.cmpf oge, %mul3A_249, %ge3A_250 : vector<16xf32>
      %jit3A = arith.constant 5.000000e-01 : f32
      %jit3A_252 = arith.constant -5.000000e-01 : f32
      %broadcast_in_dim3A_253 = vector.broadcast %jit3A : f32 to vector<16xf32>
      %broadcast_in_dim3A_254 = vector.broadcast %jit3A_252 : f32 to vector<16xf32>
      %select_n3A = arith.select %ge3A_251, %broadcast_in_dim3A_253, %broadcast_in_dim3A_254 : vector<16xi1>, vector<16xf32>
      %add3A_255 = arith.addf %mul3A_249, %select_n3A : vector<16xf32>
      %convert_element_type3A = arith.fptosi %add3A_255 : vector<16xf32> to vector<16xi32>
      %convert_element_type3A_256 = arith.sitofp %convert_element_type3A : vector<16xi32> to vector<16xf32>
      %mul3A_257 = arith.constant 6.28318548 : f32
      %mul3A_258 = vector.broadcast %mul3A_257 : f32 to vector<16xf32>
      %mul3A_259 = arith.mulf %convert_element_type3A_256, %mul3A_258 : vector<16xf32>
      %sub3A_260 = arith.subf %add3A_246, %mul3A_259 : vector<16xf32>
      %mul3A_261 = arith.mulf %sub3A_260, %sub3A_260 : vector<16xf32>
      %mul3A_262 = arith.constant 1.35332676E-10 : f32
      %mul3A_263 = vector.broadcast %mul3A_262 : f32 to vector<16xf32>
      %mul3A_264 = arith.mulf %mul3A_263, %mul3A_261 : vector<16xf32>
      %add3A_265 = arith.constant -2.47016096E-8 : f32
      %add3A_266 = vector.broadcast %add3A_265 : f32 to vector<16xf32>
      %add3A_267 = arith.addf %mul3A_264, %add3A_266 : vector<16xf32>
      %mul3A_268 = arith.mulf %add3A_267, %mul3A_261 : vector<16xf32>
      %add3A_269 = arith.constant 2.75322918E-6 : f32
      %add3A_270 = vector.broadcast %add3A_269 : f32 to vector<16xf32>
      %add3A_271 = arith.addf %mul3A_268, %add3A_270 : vector<16xf32>
      %mul3A_272 = arith.mulf %add3A_271, %mul3A_261 : vector<16xf32>
      %add3A_273 = arith.constant -1.98403111E-4 : f32
      %add3A_274 = vector.broadcast %add3A_273 : f32 to vector<16xf32>
      %add3A_275 = arith.addf %mul3A_272, %add3A_274 : vector<16xf32>
      %mul3A_276 = arith.mulf %add3A_275, %mul3A_261 : vector<16xf32>
      %add3A_277 = arith.constant 0.00833331421 : f32
      %add3A_278 = vector.broadcast %add3A_277 : f32 to vector<16xf32>
      %add3A_279 = arith.addf %mul3A_276, %add3A_278 : vector<16xf32>
      %mul3A_280 = arith.mulf %add3A_279, %mul3A_261 : vector<16xf32>
      %add3A_281 = arith.constant -0.166666657 : f32
      %add3A_282 = vector.broadcast %add3A_281 : f32 to vector<16xf32>
      %add3A_283 = arith.addf %mul3A_280, %add3A_282 : vector<16xf32>
      %mul3A_284 = arith.mulf %add3A_283, %mul3A_261 : vector<16xf32>
      %add3A_285 = arith.constant 1.000000e+00 : f32
      %add3A_286 = vector.broadcast %add3A_285 : f32 to vector<16xf32>
      %add3A_287 = arith.addf %mul3A_284, %add3A_286 : vector<16xf32>
      %mul3A_288 = arith.mulf %add3A_287, %sub3A_260 : vector<16xf32>
      %get3A_289 = arith.index_cast %scan3A_170 : i32 to index
      %get3A_290 = arith.constant 0 : index
      %get3A_291 = tpu.vector_load %arg16[%get3A_289, %get3A_290] {strides = array<i32>} : memref<128x128xf32, #tpu.memory_space<vmem>>, vector<1x16xf32>,
      %get3A_292 = vector.shape_cast %get3A_291 : vector<1x16xf32> to vector<16xf32>
      %mul3A_293 = arith.mulf %mul3A_288, %get3A_292 : vector<16xf32>
      %get3A_294 = arith.index_cast %scan3A_170 : i32 to index
      %get3A_295 = arith.constant 64 : index
      %get3A_296 = tpu.vector_load %arg15[%get3A_294, %get3A_295] {strides = array<i32>} : memref<128x128xf32, #tpu.memory_space<vmem>>, vector<1x16xf32>,
      %get3A_297 = vector.shape_cast %get3A_296 : vector<1x16xf32> to vector<16xf32>
      %mul3A_298 = arith.mulf %get3A_175, %get3A_297 : vector<16xf32>
      %get3A_299 = arith.index_cast %scan3A_170 : i32 to index
      %get3A_300 = arith.constant 96 : index
      %get3A_301 = tpu.vector_load %arg15[%get3A_299, %get3A_300] {strides = array<i32>} : memref<128x128xf32, #tpu.memory_space<vmem>>, vector<1x16xf32>,
      %get3A_302 = vector.shape_cast %get3A_301 : vector<1x16xf32> to vector<16xf32>
      %add3A_303 = arith.addf %mul3A_298, %get3A_302 : vector<16xf32>
      %mul3A_304 = arith.constant 0.159154937 : f32
      %mul3A_305 = vector.broadcast %mul3A_304 : f32 to vector<16xf32>
      %mul3A_306 = arith.mulf %add3A_303, %mul3A_305 : vector<16xf32>
      %ge3A_307 = arith.constant 0.000000e+00 : f32
      %ge3A_308 = vector.broadcast %ge3A_307 : f32 to vector<16xf32>
      %ge3A_309 = arith.cmpf oge, %mul3A_306, %ge3A_308 : vector<16xf32>
      %jit3A_310 = arith.constant 5.000000e-01 : f32
      %jit3A_311 = arith.constant -5.000000e-01 : f32
      %broadcast_in_dim3A_312 = vector.broadcast %jit3A_310 : f32 to vector<16xf32>
      %broadcast_in_dim3A_313 = vector.broadcast %jit3A_311 : f32 to vector<16xf32>
      %select_n3A_314 = arith.select %ge3A_309, %broadcast_in_dim3A_312, %broadcast_in_dim3A_313 : vector<16xi1>, vector<16xf32>
      %add3A_315 = arith.addf %mul3A_306, %select_n3A_314 : vector<16xf32>
      %convert_element_type3A_316 = arith.fptosi %add3A_315 : vector<16xf32> to vector<16xi32>
      %convert_element_type3A_317 = arith.sitofp %convert_element_type3A_316 : vector<16xi32> to vector<16xf32>
      %mul3A_318 = arith.constant 6.28318548 : f32
      %mul3A_319 = vector.broadcast %mul3A_318 : f32 to vector<16xf32>
      %mul3A_320 = arith.mulf %convert_element_type3A_317, %mul3A_319 : vector<16xf32>
      %sub3A_321 = arith.subf %add3A_303, %mul3A_320 : vector<16xf32>
      %mul3A_322 = arith.mulf %sub3A_321, %sub3A_321 : vector<16xf32>
      %mul3A_323 = arith.constant 1.35332676E-10 : f32
      %mul3A_324 = vector.broadcast %mul3A_323 : f32 to vector<16xf32>
      %mul3A_325 = arith.mulf %mul3A_324, %mul3A_322 : vector<16xf32>
      %add3A_326 = arith.constant -2.47016096E-8 : f32
      %add3A_327 = vector.broadcast %add3A_326 : f32 to vector<16xf32>
      %add3A_328 = arith.addf %mul3A_325, %add3A_327 : vector<16xf32>
      %mul3A_329 = arith.mulf %add3A_328, %mul3A_322 : vector<16xf32>
      %add3A_330 = arith.constant 2.75322918E-6 : f32
      %add3A_331 = vector.broadcast %add3A_330 : f32 to vector<16xf32>
      %add3A_332 = arith.addf %mul3A_329, %add3A_331 : vector<16xf32>
      %mul3A_333 = arith.mulf %add3A_332, %mul3A_322 : vector<16xf32>
      %add3A_334 = arith.constant -1.98403111E-4 : f32
      %add3A_335 = vector.broadcast %add3A_334 : f32 to vector<16xf32>
      %add3A_336 = arith.addf %mul3A_333, %add3A_335 : vector<16xf32>
      %mul3A_337 = arith.mulf %add3A_336, %mul3A_322 : vector<16xf32>
      %add3A_338 = arith.constant 0.00833331421 : f32
      %add3A_339 = vector.broadcast %add3A_338 : f32 to vector<16xf32>
      %add3A_340 = arith.addf %mul3A_337, %add3A_339 : vector<16xf32>
      %mul3A_341 = arith.mulf %add3A_340, %mul3A_322 : vector<16xf32>
      %add3A_342 = arith.constant -0.166666657 : f32
      %add3A_343 = vector.broadcast %add3A_342 : f32 to vector<16xf32>
      %add3A_344 = arith.addf %mul3A_341, %add3A_343 : vector<16xf32>
      %mul3A_345 = arith.mulf %add3A_344, %mul3A_322 : vector<16xf32>
      %add3A_346 = arith.constant 1.000000e+00 : f32
      %add3A_347 = vector.broadcast %add3A_346 : f32 to vector<16xf32>
      %add3A_348 = arith.addf %mul3A_345, %add3A_347 : vector<16xf32>
      %mul3A_349 = arith.mulf %add3A_348, %sub3A_321 : vector<16xf32>
      %get3A_350 = arith.index_cast %scan3A_170 : i32 to index
      %get3A_351 = arith.constant 0 : index
      %get3A_352 = tpu.vector_load %arg17[%get3A_350, %get3A_351] {strides = array<i32>} : memref<128x128xf32, #tpu.memory_space<vmem>>, vector<1x16xf32>,
      %get3A_353 = vector.shape_cast %get3A_352 : vector<1x16xf32> to vector<16xf32>
      %mul3A_354 = arith.mulf %mul3A_349, %get3A_353 : vector<16xf32>
      %get3A_355 = arith.index_cast %scan3A_170 : i32 to index
      %get3A_356 = arith.constant 64 : index
      %get3A_357 = tpu.vector_load %arg18[%get3A_355, %get3A_356] {strides = array<i32>} : memref<128x96xf32, #tpu.memory_space<vmem>>, vector<1x16xf32>,
      %get3A_358 = vector.shape_cast %get3A_357 : vector<1x16xf32> to vector<16xf32>
      %add3A_359 = arith.addf %mul3A_293, %get3A_358 : vector<16xf32>
      %sub3A_360 = arith.subf %add3A_359, %mul3A_354 : vector<16xf32>
      %abs3A_361 = math.absf %sub3A_360 : vector<16xf32>
      %add3A_362 = arith.addf %add3A_236, %abs3A_361 : vector<16xf32>
      %get3A_363 = arith.index_cast %scan3A_170 : i32 to index
      %get3A_364 = arith.constant 80 : index
      %get3A_365 = tpu.vector_load %arg14[%get3A_363, %get3A_364] {strides = array<i32>} : memref<128x128xf32, #tpu.memory_space<vmem>>, vector<1x16xf32>,
      %get3A_366 = vector.shape_cast %get3A_365 : vector<1x16xf32> to vector<16xf32>
      %mul3A_367 = arith.mulf %get3A_175, %get3A_366 : vector<16xf32>
      %get3A_368 = arith.index_cast %scan3A_170 : i32 to index
      %get3A_369 = arith.constant 112 : index
      %get3A_370 = tpu.vector_load %arg14[%get3A_368, %get3A_369] {strides = array<i32>} : memref<128x128xf32, #tpu.memory_space<vmem>>, vector<1x16xf32>,
      %get3A_371 = vector.shape_cast %get3A_370 : vector<1x16xf32> to vector<16xf32>
      %add3A_372 = arith.addf %mul3A_367, %get3A_371 : vector<16xf32>
      %mul3A_373 = arith.constant 0.159154937 : f32
      %mul3A_374 = vector.broadcast %mul3A_373 : f32 to vector<16xf32>
      %mul3A_375 = arith.mulf %add3A_372, %mul3A_374 : vector<16xf32>
      %ge3A_376 = arith.constant 0.000000e+00 : f32
      %ge3A_377 = vector.broadcast %ge3A_376 : f32 to vector<16xf32>
      %ge3A_378 = arith.cmpf oge, %mul3A_375, %ge3A_377 : vector<16xf32>
      %jit3A_379 = arith.constant 5.000000e-01 : f32
      %jit3A_380 = arith.constant -5.000000e-01 : f32
      %broadcast_in_dim3A_381 = vector.broadcast %jit3A_379 : f32 to vector<16xf32>
      %broadcast_in_dim3A_382 = vector.broadcast %jit3A_380 : f32 to vector<16xf32>
      %select_n3A_383 = arith.select %ge3A_378, %broadcast_in_dim3A_381, %broadcast_in_dim3A_382 : vector<16xi1>, vector<16xf32>
      %add3A_384 = arith.addf %mul3A_375, %select_n3A_383 : vector<16xf32>
      %convert_element_type3A_385 = arith.fptosi %add3A_384 : vector<16xf32> to vector<16xi32>
      %convert_element_type3A_386 = arith.sitofp %convert_element_type3A_385 : vector<16xi32> to vector<16xf32>
      %mul3A_387 = arith.constant 6.28318548 : f32
      %mul3A_388 = vector.broadcast %mul3A_387 : f32 to vector<16xf32>
      %mul3A_389 = arith.mulf %convert_element_type3A_386, %mul3A_388 : vector<16xf32>
      %sub3A_390 = arith.subf %add3A_372, %mul3A_389 : vector<16xf32>
      %mul3A_391 = arith.mulf %sub3A_390, %sub3A_390 : vector<16xf32>
      %mul3A_392 = arith.constant 1.35332676E-10 : f32
      %mul3A_393 = vector.broadcast %mul3A_392 : f32 to vector<16xf32>
      %mul3A_394 = arith.mulf %mul3A_393, %mul3A_391 : vector<16xf32>
      %add3A_395 = arith.constant -2.47016096E-8 : f32
      %add3A_396 = vector.broadcast %add3A_395 : f32 to vector<16xf32>
      %add3A_397 = arith.addf %mul3A_394, %add3A_396 : vector<16xf32>
      %mul3A_398 = arith.mulf %add3A_397, %mul3A_391 : vector<16xf32>
      %add3A_399 = arith.constant 2.75322918E-6 : f32
      %add3A_400 = vector.broadcast %add3A_399 : f32 to vector<16xf32>
      %add3A_401 = arith.addf %mul3A_398, %add3A_400 : vector<16xf32>
      %mul3A_402 = arith.mulf %add3A_401, %mul3A_391 : vector<16xf32>
      %add3A_403 = arith.constant -1.98403111E-4 : f32
      %add3A_404 = vector.broadcast %add3A_403 : f32 to vector<16xf32>
      %add3A_405 = arith.addf %mul3A_402, %add3A_404 : vector<16xf32>
      %mul3A_406 = arith.mulf %add3A_405, %mul3A_391 : vector<16xf32>
      %add3A_407 = arith.constant 0.00833331421 : f32
      %add3A_408 = vector.broadcast %add3A_407 : f32 to vector<16xf32>
      %add3A_409 = arith.addf %mul3A_406, %add3A_408 : vector<16xf32>
      %mul3A_410 = arith.mulf %add3A_409, %mul3A_391 : vector<16xf32>
      %add3A_411 = arith.constant -0.166666657 : f32
      %add3A_412 = vector.broadcast %add3A_411 : f32 to vector<16xf32>
      %add3A_413 = arith.addf %mul3A_410, %add3A_412 : vector<16xf32>
      %mul3A_414 = arith.mulf %add3A_413, %mul3A_391 : vector<16xf32>
      %add3A_415 = arith.constant 1.000000e+00 : f32
      %add3A_416 = vector.broadcast %add3A_415 : f32 to vector<16xf32>
      %add3A_417 = arith.addf %mul3A_414, %add3A_416 : vector<16xf32>
      %mul3A_418 = arith.mulf %add3A_417, %sub3A_390 : vector<16xf32>
      %get3A_419 = arith.index_cast %scan3A_170 : i32 to index
      %get3A_420 = arith.constant 16 : index
      %get3A_421 = tpu.vector_load %arg16[%get3A_419, %get3A_420] {strides = array<i32>} : memref<128x128xf32, #tpu.memory_space<vmem>>, vector<1x16xf32>,
      %get3A_422 = vector.shape_cast %get3A_421 : vector<1x16xf32> to vector<16xf32>
      %mul3A_423 = arith.mulf %mul3A_418, %get3A_422 : vector<16xf32>
      %get3A_424 = arith.index_cast %scan3A_170 : i32 to index
      %get3A_425 = arith.constant 80 : index
      %get3A_426 = tpu.vector_load %arg15[%get3A_424, %get3A_425] {strides = array<i32>} : memref<128x128xf32, #tpu.memory_space<vmem>>, vector<1x16xf32>,
      %get3A_427 = vector.shape_cast %get3A_426 : vector<1x16xf32> to vector<16xf32>
      %mul3A_428 = arith.mulf %get3A_175, %get3A_427 : vector<16xf32>
      %get3A_429 = arith.index_cast %scan3A_170 : i32 to index
      %get3A_430 = arith.constant 112 : index
      %get3A_431 = tpu.vector_load %arg15[%get3A_429, %get3A_430] {strides = array<i32>} : memref<128x128xf32, #tpu.memory_space<vmem>>, vector<1x16xf32>,
      %get3A_432 = vector.shape_cast %get3A_431 : vector<1x16xf32> to vector<16xf32>
      %add3A_433 = arith.addf %mul3A_428, %get3A_432 : vector<16xf32>
      %mul3A_434 = arith.constant 0.159154937 : f32
      %mul3A_435 = vector.broadcast %mul3A_434 : f32 to vector<16xf32>
      %mul3A_436 = arith.mulf %add3A_433, %mul3A_435 : vector<16xf32>
      %ge3A_437 = arith.constant 0.000000e+00 : f32
      %ge3A_438 = vector.broadcast %ge3A_437 : f32 to vector<16xf32>
      %ge3A_439 = arith.cmpf oge, %mul3A_436, %ge3A_438 : vector<16xf32>
      %jit3A_440 = arith.constant 5.000000e-01 : f32
      %jit3A_441 = arith.constant -5.000000e-01 : f32
      %broadcast_in_dim3A_442 = vector.broadcast %jit3A_440 : f32 to vector<16xf32>
      %broadcast_in_dim3A_443 = vector.broadcast %jit3A_441 : f32 to vector<16xf32>
      %select_n3A_444 = arith.select %ge3A_439, %broadcast_in_dim3A_442, %broadcast_in_dim3A_443 : vector<16xi1>, vector<16xf32>
      %add3A_445 = arith.addf %mul3A_436, %select_n3A_444 : vector<16xf32>
      %convert_element_type3A_446 = arith.fptosi %add3A_445 : vector<16xf32> to vector<16xi32>
      %convert_element_type3A_447 = arith.sitofp %convert_element_type3A_446 : vector<16xi32> to vector<16xf32>
      %mul3A_448 = arith.constant 6.28318548 : f32
      %mul3A_449 = vector.broadcast %mul3A_448 : f32 to vector<16xf32>
      %mul3A_450 = arith.mulf %convert_element_type3A_447, %mul3A_449 : vector<16xf32>
      %sub3A_451 = arith.subf %add3A_433, %mul3A_450 : vector<16xf32>
      %mul3A_452 = arith.mulf %sub3A_451, %sub3A_451 : vector<16xf32>
      %mul3A_453 = arith.constant 1.35332676E-10 : f32
      %mul3A_454 = vector.broadcast %mul3A_453 : f32 to vector<16xf32>
      %mul3A_455 = arith.mulf %mul3A_454, %mul3A_452 : vector<16xf32>
      %add3A_456 = arith.constant -2.47016096E-8 : f32
      %add3A_457 = vector.broadcast %add3A_456 : f32 to vector<16xf32>
      %add3A_458 = arith.addf %mul3A_455, %add3A_457 : vector<16xf32>
      %mul3A_459 = arith.mulf %add3A_458, %mul3A_452 : vector<16xf32>
      %add3A_460 = arith.constant 2.75322918E-6 : f32
      %add3A_461 = vector.broadcast %add3A_460 : f32 to vector<16xf32>
      %add3A_462 = arith.addf %mul3A_459, %add3A_461 : vector<16xf32>
      %mul3A_463 = arith.mulf %add3A_462, %mul3A_452 : vector<16xf32>
      %add3A_464 = arith.constant -1.98403111E-4 : f32
      %add3A_465 = vector.broadcast %add3A_464 : f32 to vector<16xf32>
      %add3A_466 = arith.addf %mul3A_463, %add3A_465 : vector<16xf32>
      %mul3A_467 = arith.mulf %add3A_466, %mul3A_452 : vector<16xf32>
      %add3A_468 = arith.constant 0.00833331421 : f32
      %add3A_469 = vector.broadcast %add3A_468 : f32 to vector<16xf32>
      %add3A_470 = arith.addf %mul3A_467, %add3A_469 : vector<16xf32>
      %mul3A_471 = arith.mulf %add3A_470, %mul3A_452 : vector<16xf32>
      %add3A_472 = arith.constant -0.166666657 : f32
      %add3A_473 = vector.broadcast %add3A_472 : f32 to vector<16xf32>
      %add3A_474 = arith.addf %mul3A_471, %add3A_473 : vector<16xf32>
      %mul3A_475 = arith.mulf %add3A_474, %mul3A_452 : vector<16xf32>
      %add3A_476 = arith.constant 1.000000e+00 : f32
      %add3A_477 = vector.broadcast %add3A_476 : f32 to vector<16xf32>
      %add3A_478 = arith.addf %mul3A_475, %add3A_477 : vector<16xf32>
      %mul3A_479 = arith.mulf %add3A_478, %sub3A_451 : vector<16xf32>
      %get3A_480 = arith.index_cast %scan3A_170 : i32 to index
      %get3A_481 = arith.constant 16 : index
      %get3A_482 = tpu.vector_load %arg17[%get3A_480, %get3A_481] {strides = array<i32>} : memref<128x128xf32, #tpu.memory_space<vmem>>, vector<1x16xf32>,
      %get3A_483 = vector.shape_cast %get3A_482 : vector<1x16xf32> to vector<16xf32>
      %mul3A_484 = arith.mulf %mul3A_479, %get3A_483 : vector<16xf32>
      %get3A_485 = arith.index_cast %scan3A_170 : i32 to index
      %get3A_486 = arith.constant 80 : index
      %get3A_487 = tpu.vector_load %arg18[%get3A_485, %get3A_486] {strides = array<i32>} : memref<128x96xf32, #tpu.memory_space<vmem>>, vector<1x16xf32>,
      %get3A_488 = vector.shape_cast %get3A_487 : vector<1x16xf32> to vector<16xf32>
      %add3A_489 = arith.addf %mul3A_423, %get3A_488 : vector<16xf32>
      %sub3A_490 = arith.subf %add3A_489, %mul3A_484 : vector<16xf32>
      %abs3A_491 = math.absf %sub3A_490 : vector<16xf32>
      %add3A_492 = arith.addf %add3A_362, %abs3A_491 : vector<16xf32>
      %slice3A = vector.extract_strided_slice %add3A_492 {offsets = [0], sizes = [1], strides = [1]} : vector<16xf32> to vector<1xf32>
      %squeeze3A = vector.extract %slice3A[0] : f32 from vector<1xf32>
      %slice3A_493 = vector.extract_strided_slice %add3A_492 {offsets = [1], sizes = [1], strides = [1]} : vector<16xf32> to vector<1xf32>
      %squeeze3A_494 = vector.extract %slice3A_493[0] : f32 from vector<1xf32>
      %slice3A_495 = vector.extract_strided_slice %add3A_492 {offsets = [2], sizes = [1], strides = [1]} : vector<16xf32> to vector<1xf32>
      %squeeze3A_496 = vector.extract %slice3A_495[0] : f32 from vector<1xf32>
      %slice3A_497 = vector.extract_strided_slice %add3A_492 {offsets = [3], sizes = [1], strides = [1]} : vector<16xf32> to vector<1xf32>
      %squeeze3A_498 = vector.extract %slice3A_497[0] : f32 from vector<1xf32>
      %slice3A_499 = vector.extract_strided_slice %add3A_492 {offsets = [4], sizes = [1], strides = [1]} : vector<16xf32> to vector<1xf32>
      %squeeze3A_500 = vector.extract %slice3A_499[0] : f32 from vector<1xf32>
      %slice3A_501 = vector.extract_strided_slice %add3A_492 {offsets = [5], sizes = [1], strides = [1]} : vector<16xf32> to vector<1xf32>
      %squeeze3A_502 = vector.extract %slice3A_501[0] : f32 from vector<1xf32>
      %slice3A_503 = vector.extract_strided_slice %add3A_492 {offsets = [6], sizes = [1], strides = [1]} : vector<16xf32> to vector<1xf32>
      %squeeze3A_504 = vector.extract %slice3A_503[0] : f32 from vector<1xf32>
      %slice3A_505 = vector.extract_strided_slice %add3A_492 {offsets = [7], sizes = [1], strides = [1]} : vector<16xf32> to vector<1xf32>
      %squeeze3A_506 = vector.extract %slice3A_505[0] : f32 from vector<1xf32>
      %slice3A_507 = vector.extract_strided_slice %add3A_492 {offsets = [8], sizes = [1], strides = [1]} : vector<16xf32> to vector<1xf32>
      %squeeze3A_508 = vector.extract %slice3A_507[0] : f32 from vector<1xf32>
      %slice3A_509 = vector.extract_strided_slice %add3A_492 {offsets = [9], sizes = [1], strides = [1]} : vector<16xf32> to vector<1xf32>
      %squeeze3A_510 = vector.extract %slice3A_509[0] : f32 from vector<1xf32>
      %slice3A_511 = vector.extract_strided_slice %add3A_492 {offsets = [10], sizes = [1], strides = [1]} : vector<16xf32> to vector<1xf32>
      %squeeze3A_512 = vector.extract %slice3A_511[0] : f32 from vector<1xf32>
      %slice3A_513 = vector.extract_strided_slice %add3A_492 {offsets = [11], sizes = [1], strides = [1]} : vector<16xf32> to vector<1xf32>
      %squeeze3A_514 = vector.extract %slice3A_513[0] : f32 from vector<1xf32>
      %slice3A_515 = vector.extract_strided_slice %add3A_492 {offsets = [12], sizes = [1], strides = [1]} : vector<16xf32> to vector<1xf32>
      %squeeze3A_516 = vector.extract %slice3A_515[0] : f32 from vector<1xf32>
      %slice3A_517 = vector.extract_strided_slice %add3A_492 {offsets = [13], sizes = [1], strides = [1]} : vector<16xf32> to vector<1xf32>
      %squeeze3A_518 = vector.extract %slice3A_517[0] : f32 from vector<1xf32>
      %slice3A_519 = vector.extract_strided_slice %add3A_492 {offsets = [14], sizes = [1], strides = [1]} : vector<16xf32> to vector<1xf32>
      %squeeze3A_520 = vector.extract %slice3A_519[0] : f32 from vector<1xf32>
      %slice3A_521 = vector.extract_strided_slice %add3A_492 {offsets = [15], sizes = [1], strides = [1]} : vector<16xf32> to vector<1xf32>
      %squeeze3A_522 = vector.extract %slice3A_521[0] : f32 from vector<1xf32>
      %add3A_523 = arith.addf %squeeze3A, %squeeze3A_494 : f32
      %add3A_524 = arith.addf %squeeze3A_496, %squeeze3A_498 : f32
      %add3A_525 = arith.addf %squeeze3A_500, %squeeze3A_502 : f32
      %add3A_526 = arith.addf %squeeze3A_504, %squeeze3A_506 : f32
      %add3A_527 = arith.addf %squeeze3A_508, %squeeze3A_510 : f32
      %add3A_528 = arith.addf %squeeze3A_512, %squeeze3A_514 : f32
      %add3A_529 = arith.addf %squeeze3A_516, %squeeze3A_518 : f32
      %add3A_530 = arith.addf %squeeze3A_520, %squeeze3A_522 : f32
      %add3A_531 = arith.addf %add3A_523, %add3A_524 : f32
      %add3A_532 = arith.addf %add3A_525, %add3A_526 : f32
      %add3A_533 = arith.addf %add3A_527, %add3A_528 : f32
      %add3A_534 = arith.addf %add3A_529, %add3A_530 : f32
      %add3A_535 = arith.addf %add3A_531, %add3A_532 : f32
      %add3A_536 = arith.addf %add3A_533, %add3A_534 : f32
      %add3A_537 = arith.addf %add3A_535, %add3A_536 : f32
      %sub3A_538 = arith.constant 1.200000e+01 : f32
      %sub3A_539 = arith.subf %sub3A_538, %add3A_537 : f32
      %and3A = arith.constant 15 : i32
      %and3A_540 = arith.andi %scan3A_170, %and3A : i32
      %eq3A = vector.broadcast %and3A_540 : i32 to vector<16xi32>
      %eq3A_541 = arith.cmpi eq, %iota3A, %eq3A : vector<16xi32>
      %broadcast_in_dim3A_542 = vector.broadcast %sub3A_539 : f32 to vector<16xf32>
      %select_n3A_543 = arith.select %eq3A_541, %broadcast_in_dim3A_542, %scan3A_171 : vector<16xi1>, vector<16xf32>
      %eq3A_544 = arith.constant 15 : i32
      %eq3A_545 = arith.cmpi eq, %and3A_540, %eq3A_544 : i32
      %convert_element_type3A_546 = arith.extui %eq3A_545 : i1 to i32
      %cond3A = arith.constant 0 : i32
      %cond3A_547 = arith.cmpi ne, %convert_element_type3A_546, %cond3A : i32
      scf.if %cond3A_547 {
        %add3A_548 = arith.constant 0 : i32
        %add3A_549 = arith.addi %add3A_548, %scan3A_170 : i32
        %sub3A_550 = arith.constant 15 : i32
        %sub3A_551 = arith.subi %add3A_549, %sub3A_550 : i32
        %swap3A = arith.index_cast %sub3A_551 : i32 to index
        %swap3A_552 = tpu.vector_load %arg19[%swap3A] {strides = array<i32>} : memref<512xf32, #tpu.memory_space<vmem>>, vector<16xf32>,
        %swap3A_553 = vector.shape_cast %swap3A_552 : vector<16xf32> to vector<16xf32>
        %swap3A_554 = vector.shape_cast %select_n3A_543 : vector<16xf32> to vector<16xf32>
        tpu.vector_store %arg19[%swap3A], %swap3A_554 {strides = array<i32>} : memref<512xf32, #tpu.memory_space<vmem>>, vector<16xf32>,
      } else {
      }
      scf.yield %select_n3A_543 : vector<16xf32>
    }
    %scan3A_40 = arith.constant 128 : i32
    %add3A_41 = arith.constant 128 : i32
    %add3A_42 = arith.addi %mul3A_2, %add3A_41 : i32
    "tpu.region"() ({
      %run_scoped3A = tpu.sem_alloc : memref<!tpu.dma_semaphore, #tpu.memory_space<semaphore_mem>>
      %dma_start3A_170 = tpu.memref_slice %arg2[%add3A_42] : memref<16384xi32, #tpu.memory_space<hbm>> -> memref<128xi32, #tpu.memory_space<hbm>>
      %dma_start3A_171 = tpu.memref_slice %arg2[%add3A_42] : memref<16384xi32, #tpu.memory_space<hbm>> -> memref<128xi32, #tpu.memory_space<hbm>>
      tpu.enqueue_dma source(%dma_start3A_171 : memref<128xi32, #tpu.memory_space<hbm>>) target(%arg10 : memref<128xi32, #tpu.memory_space<vmem>>) target_semaphore(%run_scoped3A : memref<!tpu.dma_semaphore, #tpu.memory_space<semaphore_mem>>)
      %dma_wait3A_172 = tpu.memref_slice %arg2[%add3A_42] : memref<16384xi32, #tpu.memory_space<hbm>> -> memref<128xi32, #tpu.memory_space<hbm>>
      %dma_wait3A_173 = tpu.memref_slice %arg2[%add3A_42] : memref<16384xi32, #tpu.memory_space<hbm>> -> memref<128xi32, #tpu.memory_space<hbm>>
      tpu.wait_dma2 semaphore(%run_scoped3A : memref<!tpu.dma_semaphore, #tpu.memory_space<semaphore_mem>>) src(%dma_wait3A_173 : memref<128xi32, #tpu.memory_space<hbm>>) dst(%arg10 : memref<128xi32, #tpu.memory_space<vmem>>)
      tpu.yield
    }) : () -> ()
    "tpu.region"() ({
      %run_scoped3A = tpu.sem_alloc : memref<!tpu.dma_semaphore, #tpu.memory_space<semaphore_mem>>
      %dma_start3A_170 = tpu.memref_slice %arg4[%add3A_42] : memref<16384xi32, #tpu.memory_space<hbm>> -> memref<128xi32, #tpu.memory_space<hbm>>
      %dma_start3A_171 = tpu.memref_slice %arg4[%add3A_42] : memref<16384xi32, #tpu.memory_space<hbm>> -> memref<128xi32, #tpu.memory_space<hbm>>
      tpu.enqueue_dma source(%dma_start3A_171 : memref<128xi32, #tpu.memory_space<hbm>>) target(%arg11 : memref<128xi32, #tpu.memory_space<vmem>>) target_semaphore(%run_scoped3A : memref<!tpu.dma_semaphore, #tpu.memory_space<semaphore_mem>>)
      %dma_wait3A_172 = tpu.memref_slice %arg4[%add3A_42] : memref<16384xi32, #tpu.memory_space<hbm>> -> memref<128xi32, #tpu.memory_space<hbm>>
      %dma_wait3A_173 = tpu.memref_slice %arg4[%add3A_42] : memref<16384xi32, #tpu.memory_space<hbm>> -> memref<128xi32, #tpu.memory_space<hbm>>
      tpu.wait_dma2 semaphore(%run_scoped3A : memref<!tpu.dma_semaphore, #tpu.memory_space<semaphore_mem>>) src(%dma_wait3A_173 : memref<128xi32, #tpu.memory_space<hbm>>) dst(%arg11 : memref<128xi32, #tpu.memory_space<vmem>>)
      tpu.yield
    }) : () -> ()
    "tpu.region"() ({
      %run_scoped3A = tpu.sem_alloc : memref<!tpu.dma_semaphore, #tpu.memory_space<semaphore_mem>>
      %dma_start3A_170 = tpu.memref_slice %arg3[%add3A_42] : memref<16384xi32, #tpu.memory_space<hbm>> -> memref<128xi32, #tpu.memory_space<hbm>>
      %dma_start3A_171 = tpu.memref_slice %arg3[%add3A_42] : memref<16384xi32, #tpu.memory_space<hbm>> -> memref<128xi32, #tpu.memory_space<hbm>>
      tpu.enqueue_dma source(%dma_start3A_171 : memref<128xi32, #tpu.memory_space<hbm>>) target(%arg12 : memref<128xi32, #tpu.memory_space<vmem>>) target_semaphore(%run_scoped3A : memref<!tpu.dma_semaphore, #tpu.memory_space<semaphore_mem>>)
      %dma_wait3A_172 = tpu.memref_slice %arg3[%add3A_42] : memref<16384xi32, #tpu.memory_space<hbm>> -> memref<128xi32, #tpu.memory_space<hbm>>
      %dma_wait3A_173 = tpu.memref_slice %arg3[%add3A_42] : memref<16384xi32, #tpu.memory_space<hbm>> -> memref<128xi32, #tpu.memory_space<hbm>>
      tpu.wait_dma2 semaphore(%run_scoped3A : memref<!tpu.dma_semaphore, #tpu.memory_space<semaphore_mem>>) src(%dma_wait3A_173 : memref<128xi32, #tpu.memory_space<hbm>>) dst(%arg12 : memref<128xi32, #tpu.memory_space<vmem>>)
      tpu.yield
    }) : () -> ()
    %mul3A_43 = arith.constant 16 : i32
    %mul3A_44 = arith.muli %add3A_42, %mul3A_43 : i32
    "tpu.region"() ({
      %run_scoped3A = tpu.sem_alloc : memref<!tpu.dma_semaphore, #tpu.memory_space<semaphore_mem>>
      %dma_start3A_170 = tpu.memref_slice %arg5[%mul3A_44] : memref<262144xf32, #tpu.memory_space<hbm>> -> memref<2048xf32, #tpu.memory_space<hbm>>
      %dma_start3A_171 = tpu.memref_slice %arg5[%mul3A_44] : memref<262144xf32, #tpu.memory_space<hbm>> -> memref<2048xf32, #tpu.memory_space<hbm>>
      tpu.enqueue_dma source(%dma_start3A_171 : memref<2048xf32, #tpu.memory_space<hbm>>) target(%arg13 : memref<2048xf32, #tpu.memory_space<vmem>>) target_semaphore(%run_scoped3A : memref<!tpu.dma_semaphore, #tpu.memory_space<semaphore_mem>>)
      %dma_wait3A_172 = tpu.memref_slice %arg5[%mul3A_44] : memref<262144xf32, #tpu.memory_space<hbm>> -> memref<2048xf32, #tpu.memory_space<hbm>>
      %dma_wait3A_173 = tpu.memref_slice %arg5[%mul3A_44] : memref<262144xf32, #tpu.memory_space<hbm>> -> memref<2048xf32, #tpu.memory_space<hbm>>
      tpu.wait_dma2 semaphore(%run_scoped3A : memref<!tpu.dma_semaphore, #tpu.memory_space<semaphore_mem>>) src(%dma_wait3A_173 : memref<2048xf32, #tpu.memory_space<hbm>>) dst(%arg13 : memref<2048xf32, #tpu.memory_space<vmem>>)
      tpu.yield
    }) : () -> ()
    %dma_start3A_45 = arith.constant 0 : i32
    %dma_start3A_46 = arith.constant 0 : i32
    %dma_start3A_47 = tpu.memref_slice %arg6[%dma_start3A_45, %dma_start3A_46] : memref<100000x128xf32, #tpu.memory_space<hbm>> -> memref<100000x128xf32, #tpu.memory_space<hbm>>
    tpu.enqueue_indirect_dma source(%dma_start3A_47 : memref<100000x128xf32, #tpu.memory_space<hbm>>) target(%arg14 : memref<128x128xf32, #tpu.memory_space<vmem>>) offsets(%arg10 : memref<128xi32, #tpu.memory_space<vmem>>) semaphore(%arg20 : memref<!tpu.dma_semaphore, #tpu.memory_space<semaphore_mem>>)
    %dma_start3A_48 = arith.constant 0 : i32
    %dma_start3A_49 = arith.constant 0 : i32
    %dma_start3A_50 = tpu.memref_slice %arg6[%dma_start3A_48, %dma_start3A_49] : memref<100000x128xf32, #tpu.memory_space<hbm>> -> memref<100000x128xf32, #tpu.memory_space<hbm>>
    tpu.enqueue_indirect_dma source(%dma_start3A_50 : memref<100000x128xf32, #tpu.memory_space<hbm>>) target(%arg15 : memref<128x128xf32, #tpu.memory_space<vmem>>) offsets(%arg11 : memref<128xi32, #tpu.memory_space<vmem>>) semaphore(%arg20 : memref<!tpu.dma_semaphore, #tpu.memory_space<semaphore_mem>>)
    %dma_start3A_51 = arith.constant 0 : i32
    %dma_start3A_52 = arith.constant 0 : i32
    %dma_start3A_53 = tpu.memref_slice %arg7[%dma_start3A_51, %dma_start3A_52] : memref<100000x128xf32, #tpu.memory_space<hbm>> -> memref<100000x128xf32, #tpu.memory_space<hbm>>
    tpu.enqueue_indirect_dma source(%dma_start3A_53 : memref<100000x128xf32, #tpu.memory_space<hbm>>) target(%arg16 : memref<128x128xf32, #tpu.memory_space<vmem>>) offsets(%arg10 : memref<128xi32, #tpu.memory_space<vmem>>) semaphore(%arg20 : memref<!tpu.dma_semaphore, #tpu.memory_space<semaphore_mem>>)
    %dma_start3A_54 = arith.constant 0 : i32
    %dma_start3A_55 = arith.constant 0 : i32
    %dma_start3A_56 = tpu.memref_slice %arg7[%dma_start3A_54, %dma_start3A_55] : memref<100000x128xf32, #tpu.memory_space<hbm>> -> memref<100000x128xf32, #tpu.memory_space<hbm>>
    tpu.enqueue_indirect_dma source(%dma_start3A_56 : memref<100000x128xf32, #tpu.memory_space<hbm>>) target(%arg17 : memref<128x128xf32, #tpu.memory_space<vmem>>) offsets(%arg11 : memref<128xi32, #tpu.memory_space<vmem>>) semaphore(%arg20 : memref<!tpu.dma_semaphore, #tpu.memory_space<semaphore_mem>>)
    %dma_start3A_57 = arith.constant 0 : i32
    %dma_start3A_58 = arith.constant 0 : i32
    %dma_start3A_59 = tpu.memref_slice %arg8[%dma_start3A_57, %dma_start3A_58] : memref<1000x96xf32, #tpu.memory_space<hbm>> -> memref<1000x96xf32, #tpu.memory_space<hbm>>
    tpu.enqueue_indirect_dma source(%dma_start3A_59 : memref<1000x96xf32, #tpu.memory_space<hbm>>) target(%arg18 : memref<128x96xf32, #tpu.memory_space<vmem>>) offsets(%arg12 : memref<128xi32, #tpu.memory_space<vmem>>) semaphore(%arg20 : memref<!tpu.dma_semaphore, #tpu.memory_space<semaphore_mem>>)
    %dma_wait3A_60 = arith.constant 0 : i32
    %dma_wait3A_61 = arith.constant 0 : i32
    %dma_wait3A_62 = tpu.memref_slice %arg6[%dma_wait3A_60, %dma_wait3A_61] : memref<100000x128xf32, #tpu.memory_space<hbm>> -> memref<100000x128xf32, #tpu.memory_space<hbm>>
    tpu.wait_indirect_dma semaphore(%arg20 : memref<!tpu.dma_semaphore, #tpu.memory_space<semaphore_mem>>) src(%dma_wait3A_62 : memref<100000x128xf32, #tpu.memory_space<hbm>>) dst(%arg14 : memref<128x128xf32, #tpu.memory_space<vmem>>)
    %dma_wait3A_63 = arith.constant 0 : i32
    %dma_wait3A_64 = arith.constant 0 : i32
    %dma_wait3A_65 = tpu.memref_slice %arg6[%dma_wait3A_63, %dma_wait3A_64] : memref<100000x128xf32, #tpu.memory_space<hbm>> -> memref<100000x128xf32, #tpu.memory_space<hbm>>
    tpu.wait_indirect_dma semaphore(%arg20 : memref<!tpu.dma_semaphore, #tpu.memory_space<semaphore_mem>>) src(%dma_wait3A_65 : memref<100000x128xf32, #tpu.memory_space<hbm>>) dst(%arg15 : memref<128x128xf32, #tpu.memory_space<vmem>>)
    %dma_wait3A_66 = arith.constant 0 : i32
    %dma_wait3A_67 = arith.constant 0 : i32
    %dma_wait3A_68 = tpu.memref_slice %arg7[%dma_wait3A_66, %dma_wait3A_67] : memref<100000x128xf32, #tpu.memory_space<hbm>> -> memref<100000x128xf32, #tpu.memory_space<hbm>>
    tpu.wait_indirect_dma semaphore(%arg20 : memref<!tpu.dma_semaphore, #tpu.memory_space<semaphore_mem>>) src(%dma_wait3A_68 : memref<100000x128xf32, #tpu.memory_space<hbm>>) dst(%arg16 : memref<128x128xf32, #tpu.memory_space<vmem>>)
    %dma_wait3A_69 = arith.constant 0 : i32
    %dma_wait3A_70 = arith.constant 0 : i32
    %dma_wait3A_71 = tpu.memref_slice %arg7[%dma_wait3A_69, %dma_wait3A_70] : memref<100000x128xf32, #tpu.memory_space<hbm>> -> memref<100000x128xf32, #tpu.memory_space<hbm>>
    tpu.wait_indirect_dma semaphore(%arg20 : memref<!tpu.dma_semaphore, #tpu.memory_space<semaphore_mem>>) src(%dma_wait3A_71 : memref<100000x128xf32, #tpu.memory_space<hbm>>) dst(%arg17 : memref<128x128xf32, #tpu.memory_space<vmem>>)
    %dma_wait3A_72 = arith.constant 0 : i32
    %dma_wait3A_73 = arith.constant 0 : i32
    %dma_wait3A_74 = tpu.memref_slice %arg8[%dma_wait3A_72, %dma_wait3A_73] : memref<1000x96xf32, #tpu.memory_space<hbm>> -> memref<1000x96xf32, #tpu.memory_space<hbm>>
    tpu.wait_indirect_dma semaphore(%arg20 : memref<!tpu.dma_semaphore, #tpu.memory_space<semaphore_mem>>) src(%dma_wait3A_74 : memref<1000x96xf32, #tpu.memory_space<hbm>>) dst(%arg18 : memref<128x96xf32, #tpu.memory_space<vmem>>)
    %iota3A_75 = tpu.iota {dimensions = array<i32: 0>} : vector<16xi32>
    %broadcast_in_dim3A_76 = arith.constant 0.000000e+00 : f32
    %broadcast_in_dim3A_77 = vector.broadcast %broadcast_in_dim3A_76 : f32 to vector<16xf32>
    %scan3A_78 = arith.constant 0 : i32
    %scan3A_79 = arith.constant 128 : i32
    %scan3A_80 = arith.addi %scan3A_78, %scan3A_79 : i32
    %scan3A_81 = arith.constant 1 : i32
    %scan3A_82 = scf.for %scan3A_170 = %scan3A_78 to %scan3A_80 step %scan3A_81 iter_args(%scan3A_171 = %broadcast_in_dim3A_77) -> (vector<16xf32>)  : i32 {
      %mul3A_172 = arith.constant 16 : i32
      %mul3A_173 = arith.muli %scan3A_170, %mul3A_172 : i32
      %get3A = arith.index_cast %mul3A_173 : i32 to index
      %get3A_174 = tpu.vector_load %arg13[%get3A] {strides = array<i32>} : memref<2048xf32, #tpu.memory_space<vmem>>, vector<16xf32>,
      %get3A_175 = vector.shape_cast %get3A_174 : vector<16xf32> to vector<16xf32>
      %get3A_176 = arith.index_cast %scan3A_170 : i32 to index
      %get3A_177 = arith.constant 0 : index
      %get3A_178 = tpu.vector_load %arg14[%get3A_176, %get3A_177] {strides = array<i32>} : memref<128x128xf32, #tpu.memory_space<vmem>>, vector<1x16xf32>,
      %get3A_179 = vector.shape_cast %get3A_178 : vector<1x16xf32> to vector<16xf32>
      %get3A_180 = arith.index_cast %scan3A_170 : i32 to index
      %get3A_181 = arith.constant 0 : index
      %get3A_182 = tpu.vector_load %arg18[%get3A_180, %get3A_181] {strides = array<i32>} : memref<128x96xf32, #tpu.memory_space<vmem>>, vector<1x16xf32>,
      %get3A_183 = vector.shape_cast %get3A_182 : vector<1x16xf32> to vector<16xf32>
      %add3A_184 = arith.addf %get3A_179, %get3A_183 : vector<16xf32>
      %get3A_185 = arith.index_cast %scan3A_170 : i32 to index
      %get3A_186 = arith.constant 0 : index
      %get3A_187 = tpu.vector_load %arg15[%get3A_185, %get3A_186] {strides = array<i32>} : memref<128x128xf32, #tpu.memory_space<vmem>>, vector<1x16xf32>,
      %get3A_188 = vector.shape_cast %get3A_187 : vector<1x16xf32> to vector<16xf32>
      %sub3A = arith.subf %add3A_184, %get3A_188 : vector<16xf32>
      %abs3A = math.absf %sub3A : vector<16xf32>
      %get3A_189 = arith.index_cast %scan3A_170 : i32 to index
      %get3A_190 = arith.constant 16 : index
      %get3A_191 = tpu.vector_load %arg14[%get3A_189, %get3A_190] {strides = array<i32>} : memref<128x128xf32, #tpu.memory_space<vmem>>, vector<1x16xf32>,
      %get3A_192 = vector.shape_cast %get3A_191 : vector<1x16xf32> to vector<16xf32>
      %get3A_193 = arith.index_cast %scan3A_170 : i32 to index
      %get3A_194 = arith.constant 16 : index
      %get3A_195 = tpu.vector_load %arg18[%get3A_193, %get3A_194] {strides = array<i32>} : memref<128x96xf32, #tpu.memory_space<vmem>>, vector<1x16xf32>,
      %get3A_196 = vector.shape_cast %get3A_195 : vector<1x16xf32> to vector<16xf32>
      %add3A_197 = arith.addf %get3A_192, %get3A_196 : vector<16xf32>
      %get3A_198 = arith.index_cast %scan3A_170 : i32 to index
      %get3A_199 = arith.constant 16 : index
      %get3A_200 = tpu.vector_load %arg15[%get3A_198, %get3A_199] {strides = array<i32>} : memref<128x128xf32, #tpu.memory_space<vmem>>, vector<1x16xf32>,
      %get3A_201 = vector.shape_cast %get3A_200 : vector<1x16xf32> to vector<16xf32>
      %sub3A_202 = arith.subf %add3A_197, %get3A_201 : vector<16xf32>
      %abs3A_203 = math.absf %sub3A_202 : vector<16xf32>
      %add3A_204 = arith.addf %abs3A, %abs3A_203 : vector<16xf32>
      %get3A_205 = arith.index_cast %scan3A_170 : i32 to index
      %get3A_206 = arith.constant 32 : index
      %get3A_207 = tpu.vector_load %arg14[%get3A_205, %get3A_206] {strides = array<i32>} : memref<128x128xf32, #tpu.memory_space<vmem>>, vector<1x16xf32>,
      %get3A_208 = vector.shape_cast %get3A_207 : vector<1x16xf32> to vector<16xf32>
      %get3A_209 = arith.index_cast %scan3A_170 : i32 to index
      %get3A_210 = arith.constant 32 : index
      %get3A_211 = tpu.vector_load %arg18[%get3A_209, %get3A_210] {strides = array<i32>} : memref<128x96xf32, #tpu.memory_space<vmem>>, vector<1x16xf32>,
      %get3A_212 = vector.shape_cast %get3A_211 : vector<1x16xf32> to vector<16xf32>
      %add3A_213 = arith.addf %get3A_208, %get3A_212 : vector<16xf32>
      %get3A_214 = arith.index_cast %scan3A_170 : i32 to index
      %get3A_215 = arith.constant 32 : index
      %get3A_216 = tpu.vector_load %arg15[%get3A_214, %get3A_215] {strides = array<i32>} : memref<128x128xf32, #tpu.memory_space<vmem>>, vector<1x16xf32>,
      %get3A_217 = vector.shape_cast %get3A_216 : vector<1x16xf32> to vector<16xf32>
      %sub3A_218 = arith.subf %add3A_213, %get3A_217 : vector<16xf32>
      %abs3A_219 = math.absf %sub3A_218 : vector<16xf32>
      %add3A_220 = arith.addf %add3A_204, %abs3A_219 : vector<16xf32>
      %get3A_221 = arith.index_cast %scan3A_170 : i32 to index
      %get3A_222 = arith.constant 48 : index
      %get3A_223 = tpu.vector_load %arg14[%get3A_221, %get3A_222] {strides = array<i32>} : memref<128x128xf32, #tpu.memory_space<vmem>>, vector<1x16xf32>,
      %get3A_224 = vector.shape_cast %get3A_223 : vector<1x16xf32> to vector<16xf32>
      %get3A_225 = arith.index_cast %scan3A_170 : i32 to index
      %get3A_226 = arith.constant 48 : index
      %get3A_227 = tpu.vector_load %arg18[%get3A_225, %get3A_226] {strides = array<i32>} : memref<128x96xf32, #tpu.memory_space<vmem>>, vector<1x16xf32>,
      %get3A_228 = vector.shape_cast %get3A_227 : vector<1x16xf32> to vector<16xf32>
      %add3A_229 = arith.addf %get3A_224, %get3A_228 : vector<16xf32>
      %get3A_230 = arith.index_cast %scan3A_170 : i32 to index
      %get3A_231 = arith.constant 48 : index
      %get3A_232 = tpu.vector_load %arg15[%get3A_230, %get3A_231] {strides = array<i32>} : memref<128x128xf32, #tpu.memory_space<vmem>>, vector<1x16xf32>,
      %get3A_233 = vector.shape_cast %get3A_232 : vector<1x16xf32> to vector<16xf32>
      %sub3A_234 = arith.subf %add3A_229, %get3A_233 : vector<16xf32>
      %abs3A_235 = math.absf %sub3A_234 : vector<16xf32>
      %add3A_236 = arith.addf %add3A_220, %abs3A_235 : vector<16xf32>
      %get3A_237 = arith.index_cast %scan3A_170 : i32 to index
      %get3A_238 = arith.constant 64 : index
      %get3A_239 = tpu.vector_load %arg14[%get3A_237, %get3A_238] {strides = array<i32>} : memref<128x128xf32, #tpu.memory_space<vmem>>, vector<1x16xf32>,
      %get3A_240 = vector.shape_cast %get3A_239 : vector<1x16xf32> to vector<16xf32>
      %mul3A_241 = arith.mulf %get3A_175, %get3A_240 : vector<16xf32>
      %get3A_242 = arith.index_cast %scan3A_170 : i32 to index
      %get3A_243 = arith.constant 96 : index
      %get3A_244 = tpu.vector_load %arg14[%get3A_242, %get3A_243] {strides = array<i32>} : memref<128x128xf32, #tpu.memory_space<vmem>>, vector<1x16xf32>,
      %get3A_245 = vector.shape_cast %get3A_244 : vector<1x16xf32> to vector<16xf32>
      %add3A_246 = arith.addf %mul3A_241, %get3A_245 : vector<16xf32>
      %mul3A_247 = arith.constant 0.159154937 : f32
      %mul3A_248 = vector.broadcast %mul3A_247 : f32 to vector<16xf32>
      %mul3A_249 = arith.mulf %add3A_246, %mul3A_248 : vector<16xf32>
      %ge3A = arith.constant 0.000000e+00 : f32
      %ge3A_250 = vector.broadcast %ge3A : f32 to vector<16xf32>
      %ge3A_251 = arith.cmpf oge, %mul3A_249, %ge3A_250 : vector<16xf32>
      %jit3A = arith.constant 5.000000e-01 : f32
      %jit3A_252 = arith.constant -5.000000e-01 : f32
      %broadcast_in_dim3A_253 = vector.broadcast %jit3A : f32 to vector<16xf32>
      %broadcast_in_dim3A_254 = vector.broadcast %jit3A_252 : f32 to vector<16xf32>
      %select_n3A = arith.select %ge3A_251, %broadcast_in_dim3A_253, %broadcast_in_dim3A_254 : vector<16xi1>, vector<16xf32>
      %add3A_255 = arith.addf %mul3A_249, %select_n3A : vector<16xf32>
      %convert_element_type3A = arith.fptosi %add3A_255 : vector<16xf32> to vector<16xi32>
      %convert_element_type3A_256 = arith.sitofp %convert_element_type3A : vector<16xi32> to vector<16xf32>
      %mul3A_257 = arith.constant 6.28318548 : f32
      %mul3A_258 = vector.broadcast %mul3A_257 : f32 to vector<16xf32>
      %mul3A_259 = arith.mulf %convert_element_type3A_256, %mul3A_258 : vector<16xf32>
      %sub3A_260 = arith.subf %add3A_246, %mul3A_259 : vector<16xf32>
      %mul3A_261 = arith.mulf %sub3A_260, %sub3A_260 : vector<16xf32>
      %mul3A_262 = arith.constant 1.35332676E-10 : f32
      %mul3A_263 = vector.broadcast %mul3A_262 : f32 to vector<16xf32>
      %mul3A_264 = arith.mulf %mul3A_263, %mul3A_261 : vector<16xf32>
      %add3A_265 = arith.constant -2.47016096E-8 : f32
      %add3A_266 = vector.broadcast %add3A_265 : f32 to vector<16xf32>
      %add3A_267 = arith.addf %mul3A_264, %add3A_266 : vector<16xf32>
      %mul3A_268 = arith.mulf %add3A_267, %mul3A_261 : vector<16xf32>
      %add3A_269 = arith.constant 2.75322918E-6 : f32
      %add3A_270 = vector.broadcast %add3A_269 : f32 to vector<16xf32>
      %add3A_271 = arith.addf %mul3A_268, %add3A_270 : vector<16xf32>
      %mul3A_272 = arith.mulf %add3A_271, %mul3A_261 : vector<16xf32>
      %add3A_273 = arith.constant -1.98403111E-4 : f32
      %add3A_274 = vector.broadcast %add3A_273 : f32 to vector<16xf32>
      %add3A_275 = arith.addf %mul3A_272, %add3A_274 : vector<16xf32>
      %mul3A_276 = arith.mulf %add3A_275, %mul3A_261 : vector<16xf32>
      %add3A_277 = arith.constant 0.00833331421 : f32
      %add3A_278 = vector.broadcast %add3A_277 : f32 to vector<16xf32>
      %add3A_279 = arith.addf %mul3A_276, %add3A_278 : vector<16xf32>
      %mul3A_280 = arith.mulf %add3A_279, %mul3A_261 : vector<16xf32>
      %add3A_281 = arith.constant -0.166666657 : f32
      %add3A_282 = vector.broadcast %add3A_281 : f32 to vector<16xf32>
      %add3A_283 = arith.addf %mul3A_280, %add3A_282 : vector<16xf32>
      %mul3A_284 = arith.mulf %add3A_283, %mul3A_261 : vector<16xf32>
      %add3A_285 = arith.constant 1.000000e+00 : f32
      %add3A_286 = vector.broadcast %add3A_285 : f32 to vector<16xf32>
      %add3A_287 = arith.addf %mul3A_284, %add3A_286 : vector<16xf32>
      %mul3A_288 = arith.mulf %add3A_287, %sub3A_260 : vector<16xf32>
      %get3A_289 = arith.index_cast %scan3A_170 : i32 to index
      %get3A_290 = arith.constant 0 : index
      %get3A_291 = tpu.vector_load %arg16[%get3A_289, %get3A_290] {strides = array<i32>} : memref<128x128xf32, #tpu.memory_space<vmem>>, vector<1x16xf32>,
      %get3A_292 = vector.shape_cast %get3A_291 : vector<1x16xf32> to vector<16xf32>
      %mul3A_293 = arith.mulf %mul3A_288, %get3A_292 : vector<16xf32>
      %get3A_294 = arith.index_cast %scan3A_170 : i32 to index
      %get3A_295 = arith.constant 64 : index
      %get3A_296 = tpu.vector_load %arg15[%get3A_294, %get3A_295] {strides = array<i32>} : memref<128x128xf32, #tpu.memory_space<vmem>>, vector<1x16xf32>,
      %get3A_297 = vector.shape_cast %get3A_296 : vector<1x16xf32> to vector<16xf32>
      %mul3A_298 = arith.mulf %get3A_175, %get3A_297 : vector<16xf32>
      %get3A_299 = arith.index_cast %scan3A_170 : i32 to index
      %get3A_300 = arith.constant 96 : index
      %get3A_301 = tpu.vector_load %arg15[%get3A_299, %get3A_300] {strides = array<i32>} : memref<128x128xf32, #tpu.memory_space<vmem>>, vector<1x16xf32>,
      %get3A_302 = vector.shape_cast %get3A_301 : vector<1x16xf32> to vector<16xf32>
      %add3A_303 = arith.addf %mul3A_298, %get3A_302 : vector<16xf32>
      %mul3A_304 = arith.constant 0.159154937 : f32
      %mul3A_305 = vector.broadcast %mul3A_304 : f32 to vector<16xf32>
      %mul3A_306 = arith.mulf %add3A_303, %mul3A_305 : vector<16xf32>
      %ge3A_307 = arith.constant 0.000000e+00 : f32
      %ge3A_308 = vector.broadcast %ge3A_307 : f32 to vector<16xf32>
      %ge3A_309 = arith.cmpf oge, %mul3A_306, %ge3A_308 : vector<16xf32>
      %jit3A_310 = arith.constant 5.000000e-01 : f32
      %jit3A_311 = arith.constant -5.000000e-01 : f32
      %broadcast_in_dim3A_312 = vector.broadcast %jit3A_310 : f32 to vector<16xf32>
      %broadcast_in_dim3A_313 = vector.broadcast %jit3A_311 : f32 to vector<16xf32>
      %select_n3A_314 = arith.select %ge3A_309, %broadcast_in_dim3A_312, %broadcast_in_dim3A_313 : vector<16xi1>, vector<16xf32>
      %add3A_315 = arith.addf %mul3A_306, %select_n3A_314 : vector<16xf32>
      %convert_element_type3A_316 = arith.fptosi %add3A_315 : vector<16xf32> to vector<16xi32>
      %convert_element_type3A_317 = arith.sitofp %convert_element_type3A_316 : vector<16xi32> to vector<16xf32>
      %mul3A_318 = arith.constant 6.28318548 : f32
      %mul3A_319 = vector.broadcast %mul3A_318 : f32 to vector<16xf32>
      %mul3A_320 = arith.mulf %convert_element_type3A_317, %mul3A_319 : vector<16xf32>
      %sub3A_321 = arith.subf %add3A_303, %mul3A_320 : vector<16xf32>
      %mul3A_322 = arith.mulf %sub3A_321, %sub3A_321 : vector<16xf32>
      %mul3A_323 = arith.constant 1.35332676E-10 : f32
      %mul3A_324 = vector.broadcast %mul3A_323 : f32 to vector<16xf32>
      %mul3A_325 = arith.mulf %mul3A_324, %mul3A_322 : vector<16xf32>
      %add3A_326 = arith.constant -2.47016096E-8 : f32
      %add3A_327 = vector.broadcast %add3A_326 : f32 to vector<16xf32>
      %add3A_328 = arith.addf %mul3A_325, %add3A_327 : vector<16xf32>
      %mul3A_329 = arith.mulf %add3A_328, %mul3A_322 : vector<16xf32>
      %add3A_330 = arith.constant 2.75322918E-6 : f32
      %add3A_331 = vector.broadcast %add3A_330 : f32 to vector<16xf32>
      %add3A_332 = arith.addf %mul3A_329, %add3A_331 : vector<16xf32>
      %mul3A_333 = arith.mulf %add3A_332, %mul3A_322 : vector<16xf32>
      %add3A_334 = arith.constant -1.98403111E-4 : f32
      %add3A_335 = vector.broadcast %add3A_334 : f32 to vector<16xf32>
      %add3A_336 = arith.addf %mul3A_333, %add3A_335 : vector<16xf32>
      %mul3A_337 = arith.mulf %add3A_336, %mul3A_322 : vector<16xf32>
      %add3A_338 = arith.constant 0.00833331421 : f32
      %add3A_339 = vector.broadcast %add3A_338 : f32 to vector<16xf32>
      %add3A_340 = arith.addf %mul3A_337, %add3A_339 : vector<16xf32>
      %mul3A_341 = arith.mulf %add3A_340, %mul3A_322 : vector<16xf32>
      %add3A_342 = arith.constant -0.166666657 : f32
      %add3A_343 = vector.broadcast %add3A_342 : f32 to vector<16xf32>
      %add3A_344 = arith.addf %mul3A_341, %add3A_343 : vector<16xf32>
      %mul3A_345 = arith.mulf %add3A_344, %mul3A_322 : vector<16xf32>
      %add3A_346 = arith.constant 1.000000e+00 : f32
      %add3A_347 = vector.broadcast %add3A_346 : f32 to vector<16xf32>
      %add3A_348 = arith.addf %mul3A_345, %add3A_347 : vector<16xf32>
      %mul3A_349 = arith.mulf %add3A_348, %sub3A_321 : vector<16xf32>
      %get3A_350 = arith.index_cast %scan3A_170 : i32 to index
      %get3A_351 = arith.constant 0 : index
      %get3A_352 = tpu.vector_load %arg17[%get3A_350, %get3A_351] {strides = array<i32>} : memref<128x128xf32, #tpu.memory_space<vmem>>, vector<1x16xf32>,
      %get3A_353 = vector.shape_cast %get3A_352 : vector<1x16xf32> to vector<16xf32>
      %mul3A_354 = arith.mulf %mul3A_349, %get3A_353 : vector<16xf32>
      %get3A_355 = arith.index_cast %scan3A_170 : i32 to index
      %get3A_356 = arith.constant 64 : index
      %get3A_357 = tpu.vector_load %arg18[%get3A_355, %get3A_356] {strides = array<i32>} : memref<128x96xf32, #tpu.memory_space<vmem>>, vector<1x16xf32>,
      %get3A_358 = vector.shape_cast %get3A_357 : vector<1x16xf32> to vector<16xf32>
      %add3A_359 = arith.addf %mul3A_293, %get3A_358 : vector<16xf32>
      %sub3A_360 = arith.subf %add3A_359, %mul3A_354 : vector<16xf32>
      %abs3A_361 = math.absf %sub3A_360 : vector<16xf32>
      %add3A_362 = arith.addf %add3A_236, %abs3A_361 : vector<16xf32>
      %get3A_363 = arith.index_cast %scan3A_170 : i32 to index
      %get3A_364 = arith.constant 80 : index
      %get3A_365 = tpu.vector_load %arg14[%get3A_363, %get3A_364] {strides = array<i32>} : memref<128x128xf32, #tpu.memory_space<vmem>>, vector<1x16xf32>,
      %get3A_366 = vector.shape_cast %get3A_365 : vector<1x16xf32> to vector<16xf32>
      %mul3A_367 = arith.mulf %get3A_175, %get3A_366 : vector<16xf32>
      %get3A_368 = arith.index_cast %scan3A_170 : i32 to index
      %get3A_369 = arith.constant 112 : index
      %get3A_370 = tpu.vector_load %arg14[%get3A_368, %get3A_369] {strides = array<i32>} : memref<128x128xf32, #tpu.memory_space<vmem>>, vector<1x16xf32>,
      %get3A_371 = vector.shape_cast %get3A_370 : vector<1x16xf32> to vector<16xf32>
      %add3A_372 = arith.addf %mul3A_367, %get3A_371 : vector<16xf32>
      %mul3A_373 = arith.constant 0.159154937 : f32
      %mul3A_374 = vector.broadcast %mul3A_373 : f32 to vector<16xf32>
      %mul3A_375 = arith.mulf %add3A_372, %mul3A_374 : vector<16xf32>
      %ge3A_376 = arith.constant 0.000000e+00 : f32
      %ge3A_377 = vector.broadcast %ge3A_376 : f32 to vector<16xf32>
      %ge3A_378 = arith.cmpf oge, %mul3A_375, %ge3A_377 : vector<16xf32>
      %jit3A_379 = arith.constant 5.000000e-01 : f32
      %jit3A_380 = arith.constant -5.000000e-01 : f32
      %broadcast_in_dim3A_381 = vector.broadcast %jit3A_379 : f32 to vector<16xf32>
      %broadcast_in_dim3A_382 = vector.broadcast %jit3A_380 : f32 to vector<16xf32>
      %select_n3A_383 = arith.select %ge3A_378, %broadcast_in_dim3A_381, %broadcast_in_dim3A_382 : vector<16xi1>, vector<16xf32>
      %add3A_384 = arith.addf %mul3A_375, %select_n3A_383 : vector<16xf32>
      %convert_element_type3A_385 = arith.fptosi %add3A_384 : vector<16xf32> to vector<16xi32>
      %convert_element_type3A_386 = arith.sitofp %convert_element_type3A_385 : vector<16xi32> to vector<16xf32>
      %mul3A_387 = arith.constant 6.28318548 : f32
      %mul3A_388 = vector.broadcast %mul3A_387 : f32 to vector<16xf32>
      %mul3A_389 = arith.mulf %convert_element_type3A_386, %mul3A_388 : vector<16xf32>
      %sub3A_390 = arith.subf %add3A_372, %mul3A_389 : vector<16xf32>
      %mul3A_391 = arith.mulf %sub3A_390, %sub3A_390 : vector<16xf32>
      %mul3A_392 = arith.constant 1.35332676E-10 : f32
      %mul3A_393 = vector.broadcast %mul3A_392 : f32 to vector<16xf32>
      %mul3A_394 = arith.mulf %mul3A_393, %mul3A_391 : vector<16xf32>
      %add3A_395 = arith.constant -2.47016096E-8 : f32
      %add3A_396 = vector.broadcast %add3A_395 : f32 to vector<16xf32>
      %add3A_397 = arith.addf %mul3A_394, %add3A_396 : vector<16xf32>
      %mul3A_398 = arith.mulf %add3A_397, %mul3A_391 : vector<16xf32>
      %add3A_399 = arith.constant 2.75322918E-6 : f32
      %add3A_400 = vector.broadcast %add3A_399 : f32 to vector<16xf32>
      %add3A_401 = arith.addf %mul3A_398, %add3A_400 : vector<16xf32>
      %mul3A_402 = arith.mulf %add3A_401, %mul3A_391 : vector<16xf32>
      %add3A_403 = arith.constant -1.98403111E-4 : f32
      %add3A_404 = vector.broadcast %add3A_403 : f32 to vector<16xf32>
      %add3A_405 = arith.addf %mul3A_402, %add3A_404 : vector<16xf32>
      %mul3A_406 = arith.mulf %add3A_405, %mul3A_391 : vector<16xf32>
      %add3A_407 = arith.constant 0.00833331421 : f32
      %add3A_408 = vector.broadcast %add3A_407 : f32 to vector<16xf32>
      %add3A_409 = arith.addf %mul3A_406, %add3A_408 : vector<16xf32>
      %mul3A_410 = arith.mulf %add3A_409, %mul3A_391 : vector<16xf32>
      %add3A_411 = arith.constant -0.166666657 : f32
      %add3A_412 = vector.broadcast %add3A_411 : f32 to vector<16xf32>
      %add3A_413 = arith.addf %mul3A_410, %add3A_412 : vector<16xf32>
      %mul3A_414 = arith.mulf %add3A_413, %mul3A_391 : vector<16xf32>
      %add3A_415 = arith.constant 1.000000e+00 : f32
      %add3A_416 = vector.broadcast %add3A_415 : f32 to vector<16xf32>
      %add3A_417 = arith.addf %mul3A_414, %add3A_416 : vector<16xf32>
      %mul3A_418 = arith.mulf %add3A_417, %sub3A_390 : vector<16xf32>
      %get3A_419 = arith.index_cast %scan3A_170 : i32 to index
      %get3A_420 = arith.constant 16 : index
      %get3A_421 = tpu.vector_load %arg16[%get3A_419, %get3A_420] {strides = array<i32>} : memref<128x128xf32, #tpu.memory_space<vmem>>, vector<1x16xf32>,
      %get3A_422 = vector.shape_cast %get3A_421 : vector<1x16xf32> to vector<16xf32>
      %mul3A_423 = arith.mulf %mul3A_418, %get3A_422 : vector<16xf32>
      %get3A_424 = arith.index_cast %scan3A_170 : i32 to index
      %get3A_425 = arith.constant 80 : index
      %get3A_426 = tpu.vector_load %arg15[%get3A_424, %get3A_425] {strides = array<i32>} : memref<128x128xf32, #tpu.memory_space<vmem>>, vector<1x16xf32>,
      %get3A_427 = vector.shape_cast %get3A_426 : vector<1x16xf32> to vector<16xf32>
      %mul3A_428 = arith.mulf %get3A_175, %get3A_427 : vector<16xf32>
      %get3A_429 = arith.index_cast %scan3A_170 : i32 to index
      %get3A_430 = arith.constant 112 : index
      %get3A_431 = tpu.vector_load %arg15[%get3A_429, %get3A_430] {strides = array<i32>} : memref<128x128xf32, #tpu.memory_space<vmem>>, vector<1x16xf32>,
      %get3A_432 = vector.shape_cast %get3A_431 : vector<1x16xf32> to vector<16xf32>
      %add3A_433 = arith.addf %mul3A_428, %get3A_432 : vector<16xf32>
      %mul3A_434 = arith.constant 0.159154937 : f32
      %mul3A_435 = vector.broadcast %mul3A_434 : f32 to vector<16xf32>
      %mul3A_436 = arith.mulf %add3A_433, %mul3A_435 : vector<16xf32>
      %ge3A_437 = arith.constant 0.000000e+00 : f32
      %ge3A_438 = vector.broadcast %ge3A_437 : f32 to vector<16xf32>
      %ge3A_439 = arith.cmpf oge, %mul3A_436, %ge3A_438 : vector<16xf32>
      %jit3A_440 = arith.constant 5.000000e-01 : f32
      %jit3A_441 = arith.constant -5.000000e-01 : f32
      %broadcast_in_dim3A_442 = vector.broadcast %jit3A_440 : f32 to vector<16xf32>
      %broadcast_in_dim3A_443 = vector.broadcast %jit3A_441 : f32 to vector<16xf32>
      %select_n3A_444 = arith.select %ge3A_439, %broadcast_in_dim3A_442, %broadcast_in_dim3A_443 : vector<16xi1>, vector<16xf32>
      %add3A_445 = arith.addf %mul3A_436, %select_n3A_444 : vector<16xf32>
      %convert_element_type3A_446 = arith.fptosi %add3A_445 : vector<16xf32> to vector<16xi32>
      %convert_element_type3A_447 = arith.sitofp %convert_element_type3A_446 : vector<16xi32> to vector<16xf32>
      %mul3A_448 = arith.constant 6.28318548 : f32
      %mul3A_449 = vector.broadcast %mul3A_448 : f32 to vector<16xf32>
      %mul3A_450 = arith.mulf %convert_element_type3A_447, %mul3A_449 : vector<16xf32>
      %sub3A_451 = arith.subf %add3A_433, %mul3A_450 : vector<16xf32>
      %mul3A_452 = arith.mulf %sub3A_451, %sub3A_451 : vector<16xf32>
      %mul3A_453 = arith.constant 1.35332676E-10 : f32
      %mul3A_454 = vector.broadcast %mul3A_453 : f32 to vector<16xf32>
      %mul3A_455 = arith.mulf %mul3A_454, %mul3A_452 : vector<16xf32>
      %add3A_456 = arith.constant -2.47016096E-8 : f32
      %add3A_457 = vector.broadcast %add3A_456 : f32 to vector<16xf32>
      %add3A_458 = arith.addf %mul3A_455, %add3A_457 : vector<16xf32>
      %mul3A_459 = arith.mulf %add3A_458, %mul3A_452 : vector<16xf32>
      %add3A_460 = arith.constant 2.75322918E-6 : f32
      %add3A_461 = vector.broadcast %add3A_460 : f32 to vector<16xf32>
      %add3A_462 = arith.addf %mul3A_459, %add3A_461 : vector<16xf32>
      %mul3A_463 = arith.mulf %add3A_462, %mul3A_452 : vector<16xf32>
      %add3A_464 = arith.constant -1.98403111E-4 : f32
      %add3A_465 = vector.broadcast %add3A_464 : f32 to vector<16xf32>
      %add3A_466 = arith.addf %mul3A_463, %add3A_465 : vector<16xf32>
      %mul3A_467 = arith.mulf %add3A_466, %mul3A_452 : vector<16xf32>
      %add3A_468 = arith.constant 0.00833331421 : f32
      %add3A_469 = vector.broadcast %add3A_468 : f32 to vector<16xf32>
      %add3A_470 = arith.addf %mul3A_467, %add3A_469 : vector<16xf32>
      %mul3A_471 = arith.mulf %add3A_470, %mul3A_452 : vector<16xf32>
      %add3A_472 = arith.constant -0.166666657 : f32
      %add3A_473 = vector.broadcast %add3A_472 : f32 to vector<16xf32>
      %add3A_474 = arith.addf %mul3A_471, %add3A_473 : vector<16xf32>
      %mul3A_475 = arith.mulf %add3A_474, %mul3A_452 : vector<16xf32>
      %add3A_476 = arith.constant 1.000000e+00 : f32
      %add3A_477 = vector.broadcast %add3A_476 : f32 to vector<16xf32>
      %add3A_478 = arith.addf %mul3A_475, %add3A_477 : vector<16xf32>
      %mul3A_479 = arith.mulf %add3A_478, %sub3A_451 : vector<16xf32>
      %get3A_480 = arith.index_cast %scan3A_170 : i32 to index
      %get3A_481 = arith.constant 16 : index
      %get3A_482 = tpu.vector_load %arg17[%get3A_480, %get3A_481] {strides = array<i32>} : memref<128x128xf32, #tpu.memory_space<vmem>>, vector<1x16xf32>,
      %get3A_483 = vector.shape_cast %get3A_482 : vector<1x16xf32> to vector<16xf32>
      %mul3A_484 = arith.mulf %mul3A_479, %get3A_483 : vector<16xf32>
      %get3A_485 = arith.index_cast %scan3A_170 : i32 to index
      %get3A_486 = arith.constant 80 : index
      %get3A_487 = tpu.vector_load %arg18[%get3A_485, %get3A_486] {strides = array<i32>} : memref<128x96xf32, #tpu.memory_space<vmem>>, vector<1x16xf32>,
      %get3A_488 = vector.shape_cast %get3A_487 : vector<1x16xf32> to vector<16xf32>
      %add3A_489 = arith.addf %mul3A_423, %get3A_488 : vector<16xf32>
      %sub3A_490 = arith.subf %add3A_489, %mul3A_484 : vector<16xf32>
      %abs3A_491 = math.absf %sub3A_490 : vector<16xf32>
      %add3A_492 = arith.addf %add3A_362, %abs3A_491 : vector<16xf32>
      %slice3A = vector.extract_strided_slice %add3A_492 {offsets = [0], sizes = [1], strides = [1]} : vector<16xf32> to vector<1xf32>
      %squeeze3A = vector.extract %slice3A[0] : f32 from vector<1xf32>
      %slice3A_493 = vector.extract_strided_slice %add3A_492 {offsets = [1], sizes = [1], strides = [1]} : vector<16xf32> to vector<1xf32>
      %squeeze3A_494 = vector.extract %slice3A_493[0] : f32 from vector<1xf32>
      %slice3A_495 = vector.extract_strided_slice %add3A_492 {offsets = [2], sizes = [1], strides = [1]} : vector<16xf32> to vector<1xf32>
      %squeeze3A_496 = vector.extract %slice3A_495[0] : f32 from vector<1xf32>
      %slice3A_497 = vector.extract_strided_slice %add3A_492 {offsets = [3], sizes = [1], strides = [1]} : vector<16xf32> to vector<1xf32>
      %squeeze3A_498 = vector.extract %slice3A_497[0] : f32 from vector<1xf32>
      %slice3A_499 = vector.extract_strided_slice %add3A_492 {offsets = [4], sizes = [1], strides = [1]} : vector<16xf32> to vector<1xf32>
      %squeeze3A_500 = vector.extract %slice3A_499[0] : f32 from vector<1xf32>
      %slice3A_501 = vector.extract_strided_slice %add3A_492 {offsets = [5], sizes = [1], strides = [1]} : vector<16xf32> to vector<1xf32>
      %squeeze3A_502 = vector.extract %slice3A_501[0] : f32 from vector<1xf32>
      %slice3A_503 = vector.extract_strided_slice %add3A_492 {offsets = [6], sizes = [1], strides = [1]} : vector<16xf32> to vector<1xf32>
      %squeeze3A_504 = vector.extract %slice3A_503[0] : f32 from vector<1xf32>
      %slice3A_505 = vector.extract_strided_slice %add3A_492 {offsets = [7], sizes = [1], strides = [1]} : vector<16xf32> to vector<1xf32>
      %squeeze3A_506 = vector.extract %slice3A_505[0] : f32 from vector<1xf32>
      %slice3A_507 = vector.extract_strided_slice %add3A_492 {offsets = [8], sizes = [1], strides = [1]} : vector<16xf32> to vector<1xf32>
      %squeeze3A_508 = vector.extract %slice3A_507[0] : f32 from vector<1xf32>
      %slice3A_509 = vector.extract_strided_slice %add3A_492 {offsets = [9], sizes = [1], strides = [1]} : vector<16xf32> to vector<1xf32>
      %squeeze3A_510 = vector.extract %slice3A_509[0] : f32 from vector<1xf32>
      %slice3A_511 = vector.extract_strided_slice %add3A_492 {offsets = [10], sizes = [1], strides = [1]} : vector<16xf32> to vector<1xf32>
      %squeeze3A_512 = vector.extract %slice3A_511[0] : f32 from vector<1xf32>
      %slice3A_513 = vector.extract_strided_slice %add3A_492 {offsets = [11], sizes = [1], strides = [1]} : vector<16xf32> to vector<1xf32>
      %squeeze3A_514 = vector.extract %slice3A_513[0] : f32 from vector<1xf32>
      %slice3A_515 = vector.extract_strided_slice %add3A_492 {offsets = [12], sizes = [1], strides = [1]} : vector<16xf32> to vector<1xf32>
      %squeeze3A_516 = vector.extract %slice3A_515[0] : f32 from vector<1xf32>
      %slice3A_517 = vector.extract_strided_slice %add3A_492 {offsets = [13], sizes = [1], strides = [1]} : vector<16xf32> to vector<1xf32>
      %squeeze3A_518 = vector.extract %slice3A_517[0] : f32 from vector<1xf32>
      %slice3A_519 = vector.extract_strided_slice %add3A_492 {offsets = [14], sizes = [1], strides = [1]} : vector<16xf32> to vector<1xf32>
      %squeeze3A_520 = vector.extract %slice3A_519[0] : f32 from vector<1xf32>
      %slice3A_521 = vector.extract_strided_slice %add3A_492 {offsets = [15], sizes = [1], strides = [1]} : vector<16xf32> to vector<1xf32>
      %squeeze3A_522 = vector.extract %slice3A_521[0] : f32 from vector<1xf32>
      %add3A_523 = arith.addf %squeeze3A, %squeeze3A_494 : f32
      %add3A_524 = arith.addf %squeeze3A_496, %squeeze3A_498 : f32
      %add3A_525 = arith.addf %squeeze3A_500, %squeeze3A_502 : f32
      %add3A_526 = arith.addf %squeeze3A_504, %squeeze3A_506 : f32
      %add3A_527 = arith.addf %squeeze3A_508, %squeeze3A_510 : f32
      %add3A_528 = arith.addf %squeeze3A_512, %squeeze3A_514 : f32
      %add3A_529 = arith.addf %squeeze3A_516, %squeeze3A_518 : f32
      %add3A_530 = arith.addf %squeeze3A_520, %squeeze3A_522 : f32
      %add3A_531 = arith.addf %add3A_523, %add3A_524 : f32
      %add3A_532 = arith.addf %add3A_525, %add3A_526 : f32
      %add3A_533 = arith.addf %add3A_527, %add3A_528 : f32
      %add3A_534 = arith.addf %add3A_529, %add3A_530 : f32
      %add3A_535 = arith.addf %add3A_531, %add3A_532 : f32
      %add3A_536 = arith.addf %add3A_533, %add3A_534 : f32
      %add3A_537 = arith.addf %add3A_535, %add3A_536 : f32
      %sub3A_538 = arith.constant 1.200000e+01 : f32
      %sub3A_539 = arith.subf %sub3A_538, %add3A_537 : f32
      %and3A = arith.constant 15 : i32
      %and3A_540 = arith.andi %scan3A_170, %and3A : i32
      %eq3A = vector.broadcast %and3A_540 : i32 to vector<16xi32>
      %eq3A_541 = arith.cmpi eq, %iota3A_75, %eq3A : vector<16xi32>
      %broadcast_in_dim3A_542 = vector.broadcast %sub3A_539 : f32 to vector<16xf32>
      %select_n3A_543 = arith.select %eq3A_541, %broadcast_in_dim3A_542, %scan3A_171 : vector<16xi1>, vector<16xf32>
      %eq3A_544 = arith.constant 15 : i32
      %eq3A_545 = arith.cmpi eq, %and3A_540, %eq3A_544 : i32
      %convert_element_type3A_546 = arith.extui %eq3A_545 : i1 to i32
      %cond3A = arith.constant 0 : i32
      %cond3A_547 = arith.cmpi ne, %convert_element_type3A_546, %cond3A : i32
      scf.if %cond3A_547 {
        %add3A_548 = arith.constant 128 : i32
        %add3A_549 = arith.addi %add3A_548, %scan3A_170 : i32
        %sub3A_550 = arith.constant 15 : i32
        %sub3A_551 = arith.subi %add3A_549, %sub3A_550 : i32
        %swap3A = arith.index_cast %sub3A_551 : i32 to index
        %swap3A_552 = tpu.vector_load %arg19[%swap3A] {strides = array<i32>} : memref<512xf32, #tpu.memory_space<vmem>>, vector<16xf32>,
        %swap3A_553 = vector.shape_cast %swap3A_552 : vector<16xf32> to vector<16xf32>
        %swap3A_554 = vector.shape_cast %select_n3A_543 : vector<16xf32> to vector<16xf32>
        tpu.vector_store %arg19[%swap3A], %swap3A_554 {strides = array<i32>} : memref<512xf32, #tpu.memory_space<vmem>>, vector<16xf32>,
      } else {
      }
      scf.yield %select_n3A_543 : vector<16xf32>
    }
    %scan3A_83 = arith.constant 128 : i32
    %add3A_84 = arith.constant 256 : i32
    %add3A_85 = arith.addi %mul3A_2, %add3A_84 : i32
    "tpu.region"() ({
      %run_scoped3A = tpu.sem_alloc : memref<!tpu.dma_semaphore, #tpu.memory_space<semaphore_mem>>
      %dma_start3A_170 = tpu.memref_slice %arg2[%add3A_85] : memref<16384xi32, #tpu.memory_space<hbm>> -> memref<128xi32, #tpu.memory_space<hbm>>
      %dma_start3A_171 = tpu.memref_slice %arg2[%add3A_85] : memref<16384xi32, #tpu.memory_space<hbm>> -> memref<128xi32, #tpu.memory_space<hbm>>
      tpu.enqueue_dma source(%dma_start3A_171 : memref<128xi32, #tpu.memory_space<hbm>>) target(%arg10 : memref<128xi32, #tpu.memory_space<vmem>>) target_semaphore(%run_scoped3A : memref<!tpu.dma_semaphore, #tpu.memory_space<semaphore_mem>>)
      %dma_wait3A_172 = tpu.memref_slice %arg2[%add3A_85] : memref<16384xi32, #tpu.memory_space<hbm>> -> memref<128xi32, #tpu.memory_space<hbm>>
      %dma_wait3A_173 = tpu.memref_slice %arg2[%add3A_85] : memref<16384xi32, #tpu.memory_space<hbm>> -> memref<128xi32, #tpu.memory_space<hbm>>
      tpu.wait_dma2 semaphore(%run_scoped3A : memref<!tpu.dma_semaphore, #tpu.memory_space<semaphore_mem>>) src(%dma_wait3A_173 : memref<128xi32, #tpu.memory_space<hbm>>) dst(%arg10 : memref<128xi32, #tpu.memory_space<vmem>>)
      tpu.yield
    }) : () -> ()
    "tpu.region"() ({
      %run_scoped3A = tpu.sem_alloc : memref<!tpu.dma_semaphore, #tpu.memory_space<semaphore_mem>>
      %dma_start3A_170 = tpu.memref_slice %arg4[%add3A_85] : memref<16384xi32, #tpu.memory_space<hbm>> -> memref<128xi32, #tpu.memory_space<hbm>>
      %dma_start3A_171 = tpu.memref_slice %arg4[%add3A_85] : memref<16384xi32, #tpu.memory_space<hbm>> -> memref<128xi32, #tpu.memory_space<hbm>>
      tpu.enqueue_dma source(%dma_start3A_171 : memref<128xi32, #tpu.memory_space<hbm>>) target(%arg11 : memref<128xi32, #tpu.memory_space<vmem>>) target_semaphore(%run_scoped3A : memref<!tpu.dma_semaphore, #tpu.memory_space<semaphore_mem>>)
      %dma_wait3A_172 = tpu.memref_slice %arg4[%add3A_85] : memref<16384xi32, #tpu.memory_space<hbm>> -> memref<128xi32, #tpu.memory_space<hbm>>
      %dma_wait3A_173 = tpu.memref_slice %arg4[%add3A_85] : memref<16384xi32, #tpu.memory_space<hbm>> -> memref<128xi32, #tpu.memory_space<hbm>>
      tpu.wait_dma2 semaphore(%run_scoped3A : memref<!tpu.dma_semaphore, #tpu.memory_space<semaphore_mem>>) src(%dma_wait3A_173 : memref<128xi32, #tpu.memory_space<hbm>>) dst(%arg11 : memref<128xi32, #tpu.memory_space<vmem>>)
      tpu.yield
    }) : () -> ()
    "tpu.region"() ({
      %run_scoped3A = tpu.sem_alloc : memref<!tpu.dma_semaphore, #tpu.memory_space<semaphore_mem>>
      %dma_start3A_170 = tpu.memref_slice %arg3[%add3A_85] : memref<16384xi32, #tpu.memory_space<hbm>> -> memref<128xi32, #tpu.memory_space<hbm>>
      %dma_start3A_171 = tpu.memref_slice %arg3[%add3A_85] : memref<16384xi32, #tpu.memory_space<hbm>> -> memref<128xi32, #tpu.memory_space<hbm>>
      tpu.enqueue_dma source(%dma_start3A_171 : memref<128xi32, #tpu.memory_space<hbm>>) target(%arg12 : memref<128xi32, #tpu.memory_space<vmem>>) target_semaphore(%run_scoped3A : memref<!tpu.dma_semaphore, #tpu.memory_space<semaphore_mem>>)
      %dma_wait3A_172 = tpu.memref_slice %arg3[%add3A_85] : memref<16384xi32, #tpu.memory_space<hbm>> -> memref<128xi32, #tpu.memory_space<hbm>>
      %dma_wait3A_173 = tpu.memref_slice %arg3[%add3A_85] : memref<16384xi32, #tpu.memory_space<hbm>> -> memref<128xi32, #tpu.memory_space<hbm>>
      tpu.wait_dma2 semaphore(%run_scoped3A : memref<!tpu.dma_semaphore, #tpu.memory_space<semaphore_mem>>) src(%dma_wait3A_173 : memref<128xi32, #tpu.memory_space<hbm>>) dst(%arg12 : memref<128xi32, #tpu.memory_space<vmem>>)
      tpu.yield
    }) : () -> ()
    %mul3A_86 = arith.constant 16 : i32
    %mul3A_87 = arith.muli %add3A_85, %mul3A_86 : i32
    "tpu.region"() ({
      %run_scoped3A = tpu.sem_alloc : memref<!tpu.dma_semaphore, #tpu.memory_space<semaphore_mem>>
      %dma_start3A_170 = tpu.memref_slice %arg5[%mul3A_87] : memref<262144xf32, #tpu.memory_space<hbm>> -> memref<2048xf32, #tpu.memory_space<hbm>>
      %dma_start3A_171 = tpu.memref_slice %arg5[%mul3A_87] : memref<262144xf32, #tpu.memory_space<hbm>> -> memref<2048xf32, #tpu.memory_space<hbm>>
      tpu.enqueue_dma source(%dma_start3A_171 : memref<2048xf32, #tpu.memory_space<hbm>>) target(%arg13 : memref<2048xf32, #tpu.memory_space<vmem>>) target_semaphore(%run_scoped3A : memref<!tpu.dma_semaphore, #tpu.memory_space<semaphore_mem>>)
      %dma_wait3A_172 = tpu.memref_slice %arg5[%mul3A_87] : memref<262144xf32, #tpu.memory_space<hbm>> -> memref<2048xf32, #tpu.memory_space<hbm>>
      %dma_wait3A_173 = tpu.memref_slice %arg5[%mul3A_87] : memref<262144xf32, #tpu.memory_space<hbm>> -> memref<2048xf32, #tpu.memory_space<hbm>>
      tpu.wait_dma2 semaphore(%run_scoped3A : memref<!tpu.dma_semaphore, #tpu.memory_space<semaphore_mem>>) src(%dma_wait3A_173 : memref<2048xf32, #tpu.memory_space<hbm>>) dst(%arg13 : memref<2048xf32, #tpu.memory_space<vmem>>)
      tpu.yield
    }) : () -> ()
    %dma_start3A_88 = arith.constant 0 : i32
    %dma_start3A_89 = arith.constant 0 : i32
    %dma_start3A_90 = tpu.memref_slice %arg6[%dma_start3A_88, %dma_start3A_89] : memref<100000x128xf32, #tpu.memory_space<hbm>> -> memref<100000x128xf32, #tpu.memory_space<hbm>>
    tpu.enqueue_indirect_dma source(%dma_start3A_90 : memref<100000x128xf32, #tpu.memory_space<hbm>>) target(%arg14 : memref<128x128xf32, #tpu.memory_space<vmem>>) offsets(%arg10 : memref<128xi32, #tpu.memory_space<vmem>>) semaphore(%arg20 : memref<!tpu.dma_semaphore, #tpu.memory_space<semaphore_mem>>)
    %dma_start3A_91 = arith.constant 0 : i32
    %dma_start3A_92 = arith.constant 0 : i32
    %dma_start3A_93 = tpu.memref_slice %arg6[%dma_start3A_91, %dma_start3A_92] : memref<100000x128xf32, #tpu.memory_space<hbm>> -> memref<100000x128xf32, #tpu.memory_space<hbm>>
    tpu.enqueue_indirect_dma source(%dma_start3A_93 : memref<100000x128xf32, #tpu.memory_space<hbm>>) target(%arg15 : memref<128x128xf32, #tpu.memory_space<vmem>>) offsets(%arg11 : memref<128xi32, #tpu.memory_space<vmem>>) semaphore(%arg20 : memref<!tpu.dma_semaphore, #tpu.memory_space<semaphore_mem>>)
    %dma_start3A_94 = arith.constant 0 : i32
    %dma_start3A_95 = arith.constant 0 : i32
    %dma_start3A_96 = tpu.memref_slice %arg7[%dma_start3A_94, %dma_start3A_95] : memref<100000x128xf32, #tpu.memory_space<hbm>> -> memref<100000x128xf32, #tpu.memory_space<hbm>>
    tpu.enqueue_indirect_dma source(%dma_start3A_96 : memref<100000x128xf32, #tpu.memory_space<hbm>>) target(%arg16 : memref<128x128xf32, #tpu.memory_space<vmem>>) offsets(%arg10 : memref<128xi32, #tpu.memory_space<vmem>>) semaphore(%arg20 : memref<!tpu.dma_semaphore, #tpu.memory_space<semaphore_mem>>)
    %dma_start3A_97 = arith.constant 0 : i32
    %dma_start3A_98 = arith.constant 0 : i32
    %dma_start3A_99 = tpu.memref_slice %arg7[%dma_start3A_97, %dma_start3A_98] : memref<100000x128xf32, #tpu.memory_space<hbm>> -> memref<100000x128xf32, #tpu.memory_space<hbm>>
    tpu.enqueue_indirect_dma source(%dma_start3A_99 : memref<100000x128xf32, #tpu.memory_space<hbm>>) target(%arg17 : memref<128x128xf32, #tpu.memory_space<vmem>>) offsets(%arg11 : memref<128xi32, #tpu.memory_space<vmem>>) semaphore(%arg20 : memref<!tpu.dma_semaphore, #tpu.memory_space<semaphore_mem>>)
    %dma_start3A_100 = arith.constant 0 : i32
    %dma_start3A_101 = arith.constant 0 : i32
    %dma_start3A_102 = tpu.memref_slice %arg8[%dma_start3A_100, %dma_start3A_101] : memref<1000x96xf32, #tpu.memory_space<hbm>> -> memref<1000x96xf32, #tpu.memory_space<hbm>>
    tpu.enqueue_indirect_dma source(%dma_start3A_102 : memref<1000x96xf32, #tpu.memory_space<hbm>>) target(%arg18 : memref<128x96xf32, #tpu.memory_space<vmem>>) offsets(%arg12 : memref<128xi32, #tpu.memory_space<vmem>>) semaphore(%arg20 : memref<!tpu.dma_semaphore, #tpu.memory_space<semaphore_mem>>)
    %dma_wait3A_103 = arith.constant 0 : i32
    %dma_wait3A_104 = arith.constant 0 : i32
    %dma_wait3A_105 = tpu.memref_slice %arg6[%dma_wait3A_103, %dma_wait3A_104] : memref<100000x128xf32, #tpu.memory_space<hbm>> -> memref<100000x128xf32, #tpu.memory_space<hbm>>
    tpu.wait_indirect_dma semaphore(%arg20 : memref<!tpu.dma_semaphore, #tpu.memory_space<semaphore_mem>>) src(%dma_wait3A_105 : memref<100000x128xf32, #tpu.memory_space<hbm>>) dst(%arg14 : memref<128x128xf32, #tpu.memory_space<vmem>>)
    %dma_wait3A_106 = arith.constant 0 : i32
    %dma_wait3A_107 = arith.constant 0 : i32
    %dma_wait3A_108 = tpu.memref_slice %arg6[%dma_wait3A_106, %dma_wait3A_107] : memref<100000x128xf32, #tpu.memory_space<hbm>> -> memref<100000x128xf32, #tpu.memory_space<hbm>>
    tpu.wait_indirect_dma semaphore(%arg20 : memref<!tpu.dma_semaphore, #tpu.memory_space<semaphore_mem>>) src(%dma_wait3A_108 : memref<100000x128xf32, #tpu.memory_space<hbm>>) dst(%arg15 : memref<128x128xf32, #tpu.memory_space<vmem>>)
    %dma_wait3A_109 = arith.constant 0 : i32
    %dma_wait3A_110 = arith.constant 0 : i32
    %dma_wait3A_111 = tpu.memref_slice %arg7[%dma_wait3A_109, %dma_wait3A_110] : memref<100000x128xf32, #tpu.memory_space<hbm>> -> memref<100000x128xf32, #tpu.memory_space<hbm>>
    tpu.wait_indirect_dma semaphore(%arg20 : memref<!tpu.dma_semaphore, #tpu.memory_space<semaphore_mem>>) src(%dma_wait3A_111 : memref<100000x128xf32, #tpu.memory_space<hbm>>) dst(%arg16 : memref<128x128xf32, #tpu.memory_space<vmem>>)
    %dma_wait3A_112 = arith.constant 0 : i32
    %dma_wait3A_113 = arith.constant 0 : i32
    %dma_wait3A_114 = tpu.memref_slice %arg7[%dma_wait3A_112, %dma_wait3A_113] : memref<100000x128xf32, #tpu.memory_space<hbm>> -> memref<100000x128xf32, #tpu.memory_space<hbm>>
    tpu.wait_indirect_dma semaphore(%arg20 : memref<!tpu.dma_semaphore, #tpu.memory_space<semaphore_mem>>) src(%dma_wait3A_114 : memref<100000x128xf32, #tpu.memory_space<hbm>>) dst(%arg17 : memref<128x128xf32, #tpu.memory_space<vmem>>)
    %dma_wait3A_115 = arith.constant 0 : i32
    %dma_wait3A_116 = arith.constant 0 : i32
    %dma_wait3A_117 = tpu.memref_slice %arg8[%dma_wait3A_115, %dma_wait3A_116] : memref<1000x96xf32, #tpu.memory_space<hbm>> -> memref<1000x96xf32, #tpu.memory_space<hbm>>
    tpu.wait_indirect_dma semaphore(%arg20 : memref<!tpu.dma_semaphore, #tpu.memory_space<semaphore_mem>>) src(%dma_wait3A_117 : memref<1000x96xf32, #tpu.memory_space<hbm>>) dst(%arg18 : memref<128x96xf32, #tpu.memory_space<vmem>>)
    %iota3A_118 = tpu.iota {dimensions = array<i32: 0>} : vector<16xi32>
    %broadcast_in_dim3A_119 = arith.constant 0.000000e+00 : f32
    %broadcast_in_dim3A_120 = vector.broadcast %broadcast_in_dim3A_119 : f32 to vector<16xf32>
    %scan3A_121 = arith.constant 0 : i32
    %scan3A_122 = arith.constant 128 : i32
    %scan3A_123 = arith.addi %scan3A_121, %scan3A_122 : i32
    %scan3A_124 = arith.constant 1 : i32
    %scan3A_125 = scf.for %scan3A_170 = %scan3A_121 to %scan3A_123 step %scan3A_124 iter_args(%scan3A_171 = %broadcast_in_dim3A_120) -> (vector<16xf32>)  : i32 {
      %mul3A_172 = arith.constant 16 : i32
      %mul3A_173 = arith.muli %scan3A_170, %mul3A_172 : i32
      %get3A = arith.index_cast %mul3A_173 : i32 to index
      %get3A_174 = tpu.vector_load %arg13[%get3A] {strides = array<i32>} : memref<2048xf32, #tpu.memory_space<vmem>>, vector<16xf32>,
      %get3A_175 = vector.shape_cast %get3A_174 : vector<16xf32> to vector<16xf32>
      %get3A_176 = arith.index_cast %scan3A_170 : i32 to index
      %get3A_177 = arith.constant 0 : index
      %get3A_178 = tpu.vector_load %arg14[%get3A_176, %get3A_177] {strides = array<i32>} : memref<128x128xf32, #tpu.memory_space<vmem>>, vector<1x16xf32>,
      %get3A_179 = vector.shape_cast %get3A_178 : vector<1x16xf32> to vector<16xf32>
      %get3A_180 = arith.index_cast %scan3A_170 : i32 to index
      %get3A_181 = arith.constant 0 : index
      %get3A_182 = tpu.vector_load %arg18[%get3A_180, %get3A_181] {strides = array<i32>} : memref<128x96xf32, #tpu.memory_space<vmem>>, vector<1x16xf32>,
      %get3A_183 = vector.shape_cast %get3A_182 : vector<1x16xf32> to vector<16xf32>
      %add3A_184 = arith.addf %get3A_179, %get3A_183 : vector<16xf32>
      %get3A_185 = arith.index_cast %scan3A_170 : i32 to index
      %get3A_186 = arith.constant 0 : index
      %get3A_187 = tpu.vector_load %arg15[%get3A_185, %get3A_186] {strides = array<i32>} : memref<128x128xf32, #tpu.memory_space<vmem>>, vector<1x16xf32>,
      %get3A_188 = vector.shape_cast %get3A_187 : vector<1x16xf32> to vector<16xf32>
      %sub3A = arith.subf %add3A_184, %get3A_188 : vector<16xf32>
      %abs3A = math.absf %sub3A : vector<16xf32>
      %get3A_189 = arith.index_cast %scan3A_170 : i32 to index
      %get3A_190 = arith.constant 16 : index
      %get3A_191 = tpu.vector_load %arg14[%get3A_189, %get3A_190] {strides = array<i32>} : memref<128x128xf32, #tpu.memory_space<vmem>>, vector<1x16xf32>,
      %get3A_192 = vector.shape_cast %get3A_191 : vector<1x16xf32> to vector<16xf32>
      %get3A_193 = arith.index_cast %scan3A_170 : i32 to index
      %get3A_194 = arith.constant 16 : index
      %get3A_195 = tpu.vector_load %arg18[%get3A_193, %get3A_194] {strides = array<i32>} : memref<128x96xf32, #tpu.memory_space<vmem>>, vector<1x16xf32>,
      %get3A_196 = vector.shape_cast %get3A_195 : vector<1x16xf32> to vector<16xf32>
      %add3A_197 = arith.addf %get3A_192, %get3A_196 : vector<16xf32>
      %get3A_198 = arith.index_cast %scan3A_170 : i32 to index
      %get3A_199 = arith.constant 16 : index
      %get3A_200 = tpu.vector_load %arg15[%get3A_198, %get3A_199] {strides = array<i32>} : memref<128x128xf32, #tpu.memory_space<vmem>>, vector<1x16xf32>,
      %get3A_201 = vector.shape_cast %get3A_200 : vector<1x16xf32> to vector<16xf32>
      %sub3A_202 = arith.subf %add3A_197, %get3A_201 : vector<16xf32>
      %abs3A_203 = math.absf %sub3A_202 : vector<16xf32>
      %add3A_204 = arith.addf %abs3A, %abs3A_203 : vector<16xf32>
      %get3A_205 = arith.index_cast %scan3A_170 : i32 to index
      %get3A_206 = arith.constant 32 : index
      %get3A_207 = tpu.vector_load %arg14[%get3A_205, %get3A_206] {strides = array<i32>} : memref<128x128xf32, #tpu.memory_space<vmem>>, vector<1x16xf32>,
      %get3A_208 = vector.shape_cast %get3A_207 : vector<1x16xf32> to vector<16xf32>
      %get3A_209 = arith.index_cast %scan3A_170 : i32 to index
      %get3A_210 = arith.constant 32 : index
      %get3A_211 = tpu.vector_load %arg18[%get3A_209, %get3A_210] {strides = array<i32>} : memref<128x96xf32, #tpu.memory_space<vmem>>, vector<1x16xf32>,
      %get3A_212 = vector.shape_cast %get3A_211 : vector<1x16xf32> to vector<16xf32>
      %add3A_213 = arith.addf %get3A_208, %get3A_212 : vector<16xf32>
      %get3A_214 = arith.index_cast %scan3A_170 : i32 to index
      %get3A_215 = arith.constant 32 : index
      %get3A_216 = tpu.vector_load %arg15[%get3A_214, %get3A_215] {strides = array<i32>} : memref<128x128xf32, #tpu.memory_space<vmem>>, vector<1x16xf32>,
      %get3A_217 = vector.shape_cast %get3A_216 : vector<1x16xf32> to vector<16xf32>
      %sub3A_218 = arith.subf %add3A_213, %get3A_217 : vector<16xf32>
      %abs3A_219 = math.absf %sub3A_218 : vector<16xf32>
      %add3A_220 = arith.addf %add3A_204, %abs3A_219 : vector<16xf32>
      %get3A_221 = arith.index_cast %scan3A_170 : i32 to index
      %get3A_222 = arith.constant 48 : index
      %get3A_223 = tpu.vector_load %arg14[%get3A_221, %get3A_222] {strides = array<i32>} : memref<128x128xf32, #tpu.memory_space<vmem>>, vector<1x16xf32>,
      %get3A_224 = vector.shape_cast %get3A_223 : vector<1x16xf32> to vector<16xf32>
      %get3A_225 = arith.index_cast %scan3A_170 : i32 to index
      %get3A_226 = arith.constant 48 : index
      %get3A_227 = tpu.vector_load %arg18[%get3A_225, %get3A_226] {strides = array<i32>} : memref<128x96xf32, #tpu.memory_space<vmem>>, vector<1x16xf32>,
      %get3A_228 = vector.shape_cast %get3A_227 : vector<1x16xf32> to vector<16xf32>
      %add3A_229 = arith.addf %get3A_224, %get3A_228 : vector<16xf32>
      %get3A_230 = arith.index_cast %scan3A_170 : i32 to index
      %get3A_231 = arith.constant 48 : index
      %get3A_232 = tpu.vector_load %arg15[%get3A_230, %get3A_231] {strides = array<i32>} : memref<128x128xf32, #tpu.memory_space<vmem>>, vector<1x16xf32>,
      %get3A_233 = vector.shape_cast %get3A_232 : vector<1x16xf32> to vector<16xf32>
      %sub3A_234 = arith.subf %add3A_229, %get3A_233 : vector<16xf32>
      %abs3A_235 = math.absf %sub3A_234 : vector<16xf32>
      %add3A_236 = arith.addf %add3A_220, %abs3A_235 : vector<16xf32>
      %get3A_237 = arith.index_cast %scan3A_170 : i32 to index
      %get3A_238 = arith.constant 64 : index
      %get3A_239 = tpu.vector_load %arg14[%get3A_237, %get3A_238] {strides = array<i32>} : memref<128x128xf32, #tpu.memory_space<vmem>>, vector<1x16xf32>,
      %get3A_240 = vector.shape_cast %get3A_239 : vector<1x16xf32> to vector<16xf32>
      %mul3A_241 = arith.mulf %get3A_175, %get3A_240 : vector<16xf32>
      %get3A_242 = arith.index_cast %scan3A_170 : i32 to index
      %get3A_243 = arith.constant 96 : index
      %get3A_244 = tpu.vector_load %arg14[%get3A_242, %get3A_243] {strides = array<i32>} : memref<128x128xf32, #tpu.memory_space<vmem>>, vector<1x16xf32>,
      %get3A_245 = vector.shape_cast %get3A_244 : vector<1x16xf32> to vector<16xf32>
      %add3A_246 = arith.addf %mul3A_241, %get3A_245 : vector<16xf32>
      %mul3A_247 = arith.constant 0.159154937 : f32
      %mul3A_248 = vector.broadcast %mul3A_247 : f32 to vector<16xf32>
      %mul3A_249 = arith.mulf %add3A_246, %mul3A_248 : vector<16xf32>
      %ge3A = arith.constant 0.000000e+00 : f32
      %ge3A_250 = vector.broadcast %ge3A : f32 to vector<16xf32>
      %ge3A_251 = arith.cmpf oge, %mul3A_249, %ge3A_250 : vector<16xf32>
      %jit3A = arith.constant 5.000000e-01 : f32
      %jit3A_252 = arith.constant -5.000000e-01 : f32
      %broadcast_in_dim3A_253 = vector.broadcast %jit3A : f32 to vector<16xf32>
      %broadcast_in_dim3A_254 = vector.broadcast %jit3A_252 : f32 to vector<16xf32>
      %select_n3A = arith.select %ge3A_251, %broadcast_in_dim3A_253, %broadcast_in_dim3A_254 : vector<16xi1>, vector<16xf32>
      %add3A_255 = arith.addf %mul3A_249, %select_n3A : vector<16xf32>
      %convert_element_type3A = arith.fptosi %add3A_255 : vector<16xf32> to vector<16xi32>
      %convert_element_type3A_256 = arith.sitofp %convert_element_type3A : vector<16xi32> to vector<16xf32>
      %mul3A_257 = arith.constant 6.28318548 : f32
      %mul3A_258 = vector.broadcast %mul3A_257 : f32 to vector<16xf32>
      %mul3A_259 = arith.mulf %convert_element_type3A_256, %mul3A_258 : vector<16xf32>
      %sub3A_260 = arith.subf %add3A_246, %mul3A_259 : vector<16xf32>
      %mul3A_261 = arith.mulf %sub3A_260, %sub3A_260 : vector<16xf32>
      %mul3A_262 = arith.constant 1.35332676E-10 : f32
      %mul3A_263 = vector.broadcast %mul3A_262 : f32 to vector<16xf32>
      %mul3A_264 = arith.mulf %mul3A_263, %mul3A_261 : vector<16xf32>
      %add3A_265 = arith.constant -2.47016096E-8 : f32
      %add3A_266 = vector.broadcast %add3A_265 : f32 to vector<16xf32>
      %add3A_267 = arith.addf %mul3A_264, %add3A_266 : vector<16xf32>
      %mul3A_268 = arith.mulf %add3A_267, %mul3A_261 : vector<16xf32>
      %add3A_269 = arith.constant 2.75322918E-6 : f32
      %add3A_270 = vector.broadcast %add3A_269 : f32 to vector<16xf32>
      %add3A_271 = arith.addf %mul3A_268, %add3A_270 : vector<16xf32>
      %mul3A_272 = arith.mulf %add3A_271, %mul3A_261 : vector<16xf32>
      %add3A_273 = arith.constant -1.98403111E-4 : f32
      %add3A_274 = vector.broadcast %add3A_273 : f32 to vector<16xf32>
      %add3A_275 = arith.addf %mul3A_272, %add3A_274 : vector<16xf32>
      %mul3A_276 = arith.mulf %add3A_275, %mul3A_261 : vector<16xf32>
      %add3A_277 = arith.constant 0.00833331421 : f32
      %add3A_278 = vector.broadcast %add3A_277 : f32 to vector<16xf32>
      %add3A_279 = arith.addf %mul3A_276, %add3A_278 : vector<16xf32>
      %mul3A_280 = arith.mulf %add3A_279, %mul3A_261 : vector<16xf32>
      %add3A_281 = arith.constant -0.166666657 : f32
      %add3A_282 = vector.broadcast %add3A_281 : f32 to vector<16xf32>
      %add3A_283 = arith.addf %mul3A_280, %add3A_282 : vector<16xf32>
      %mul3A_284 = arith.mulf %add3A_283, %mul3A_261 : vector<16xf32>
      %add3A_285 = arith.constant 1.000000e+00 : f32
      %add3A_286 = vector.broadcast %add3A_285 : f32 to vector<16xf32>
      %add3A_287 = arith.addf %mul3A_284, %add3A_286 : vector<16xf32>
      %mul3A_288 = arith.mulf %add3A_287, %sub3A_260 : vector<16xf32>
      %get3A_289 = arith.index_cast %scan3A_170 : i32 to index
      %get3A_290 = arith.constant 0 : index
      %get3A_291 = tpu.vector_load %arg16[%get3A_289, %get3A_290] {strides = array<i32>} : memref<128x128xf32, #tpu.memory_space<vmem>>, vector<1x16xf32>,
      %get3A_292 = vector.shape_cast %get3A_291 : vector<1x16xf32> to vector<16xf32>
      %mul3A_293 = arith.mulf %mul3A_288, %get3A_292 : vector<16xf32>
      %get3A_294 = arith.index_cast %scan3A_170 : i32 to index
      %get3A_295 = arith.constant 64 : index
      %get3A_296 = tpu.vector_load %arg15[%get3A_294, %get3A_295] {strides = array<i32>} : memref<128x128xf32, #tpu.memory_space<vmem>>, vector<1x16xf32>,
      %get3A_297 = vector.shape_cast %get3A_296 : vector<1x16xf32> to vector<16xf32>
      %mul3A_298 = arith.mulf %get3A_175, %get3A_297 : vector<16xf32>
      %get3A_299 = arith.index_cast %scan3A_170 : i32 to index
      %get3A_300 = arith.constant 96 : index
      %get3A_301 = tpu.vector_load %arg15[%get3A_299, %get3A_300] {strides = array<i32>} : memref<128x128xf32, #tpu.memory_space<vmem>>, vector<1x16xf32>,
      %get3A_302 = vector.shape_cast %get3A_301 : vector<1x16xf32> to vector<16xf32>
      %add3A_303 = arith.addf %mul3A_298, %get3A_302 : vector<16xf32>
      %mul3A_304 = arith.constant 0.159154937 : f32
      %mul3A_305 = vector.broadcast %mul3A_304 : f32 to vector<16xf32>
      %mul3A_306 = arith.mulf %add3A_303, %mul3A_305 : vector<16xf32>
      %ge3A_307 = arith.constant 0.000000e+00 : f32
      %ge3A_308 = vector.broadcast %ge3A_307 : f32 to vector<16xf32>
      %ge3A_309 = arith.cmpf oge, %mul3A_306, %ge3A_308 : vector<16xf32>
      %jit3A_310 = arith.constant 5.000000e-01 : f32
      %jit3A_311 = arith.constant -5.000000e-01 : f32
      %broadcast_in_dim3A_312 = vector.broadcast %jit3A_310 : f32 to vector<16xf32>
      %broadcast_in_dim3A_313 = vector.broadcast %jit3A_311 : f32 to vector<16xf32>
      %select_n3A_314 = arith.select %ge3A_309, %broadcast_in_dim3A_312, %broadcast_in_dim3A_313 : vector<16xi1>, vector<16xf32>
      %add3A_315 = arith.addf %mul3A_306, %select_n3A_314 : vector<16xf32>
      %convert_element_type3A_316 = arith.fptosi %add3A_315 : vector<16xf32> to vector<16xi32>
      %convert_element_type3A_317 = arith.sitofp %convert_element_type3A_316 : vector<16xi32> to vector<16xf32>
      %mul3A_318 = arith.constant 6.28318548 : f32
      %mul3A_319 = vector.broadcast %mul3A_318 : f32 to vector<16xf32>
      %mul3A_320 = arith.mulf %convert_element_type3A_317, %mul3A_319 : vector<16xf32>
      %sub3A_321 = arith.subf %add3A_303, %mul3A_320 : vector<16xf32>
      %mul3A_322 = arith.mulf %sub3A_321, %sub3A_321 : vector<16xf32>
      %mul3A_323 = arith.constant 1.35332676E-10 : f32
      %mul3A_324 = vector.broadcast %mul3A_323 : f32 to vector<16xf32>
      %mul3A_325 = arith.mulf %mul3A_324, %mul3A_322 : vector<16xf32>
      %add3A_326 = arith.constant -2.47016096E-8 : f32
      %add3A_327 = vector.broadcast %add3A_326 : f32 to vector<16xf32>
      %add3A_328 = arith.addf %mul3A_325, %add3A_327 : vector<16xf32>
      %mul3A_329 = arith.mulf %add3A_328, %mul3A_322 : vector<16xf32>
      %add3A_330 = arith.constant 2.75322918E-6 : f32
      %add3A_331 = vector.broadcast %add3A_330 : f32 to vector<16xf32>
      %add3A_332 = arith.addf %mul3A_329, %add3A_331 : vector<16xf32>
      %mul3A_333 = arith.mulf %add3A_332, %mul3A_322 : vector<16xf32>
      %add3A_334 = arith.constant -1.98403111E-4 : f32
      %add3A_335 = vector.broadcast %add3A_334 : f32 to vector<16xf32>
      %add3A_336 = arith.addf %mul3A_333, %add3A_335 : vector<16xf32>
      %mul3A_337 = arith.mulf %add3A_336, %mul3A_322 : vector<16xf32>
      %add3A_338 = arith.constant 0.00833331421 : f32
      %add3A_339 = vector.broadcast %add3A_338 : f32 to vector<16xf32>
      %add3A_340 = arith.addf %mul3A_337, %add3A_339 : vector<16xf32>
      %mul3A_341 = arith.mulf %add3A_340, %mul3A_322 : vector<16xf32>
      %add3A_342 = arith.constant -0.166666657 : f32
      %add3A_343 = vector.broadcast %add3A_342 : f32 to vector<16xf32>
      %add3A_344 = arith.addf %mul3A_341, %add3A_343 : vector<16xf32>
      %mul3A_345 = arith.mulf %add3A_344, %mul3A_322 : vector<16xf32>
      %add3A_346 = arith.constant 1.000000e+00 : f32
      %add3A_347 = vector.broadcast %add3A_346 : f32 to vector<16xf32>
      %add3A_348 = arith.addf %mul3A_345, %add3A_347 : vector<16xf32>
      %mul3A_349 = arith.mulf %add3A_348, %sub3A_321 : vector<16xf32>
      %get3A_350 = arith.index_cast %scan3A_170 : i32 to index
      %get3A_351 = arith.constant 0 : index
      %get3A_352 = tpu.vector_load %arg17[%get3A_350, %get3A_351] {strides = array<i32>} : memref<128x128xf32, #tpu.memory_space<vmem>>, vector<1x16xf32>,
      %get3A_353 = vector.shape_cast %get3A_352 : vector<1x16xf32> to vector<16xf32>
      %mul3A_354 = arith.mulf %mul3A_349, %get3A_353 : vector<16xf32>
      %get3A_355 = arith.index_cast %scan3A_170 : i32 to index
      %get3A_356 = arith.constant 64 : index
      %get3A_357 = tpu.vector_load %arg18[%get3A_355, %get3A_356] {strides = array<i32>} : memref<128x96xf32, #tpu.memory_space<vmem>>, vector<1x16xf32>,
      %get3A_358 = vector.shape_cast %get3A_357 : vector<1x16xf32> to vector<16xf32>
      %add3A_359 = arith.addf %mul3A_293, %get3A_358 : vector<16xf32>
      %sub3A_360 = arith.subf %add3A_359, %mul3A_354 : vector<16xf32>
      %abs3A_361 = math.absf %sub3A_360 : vector<16xf32>
      %add3A_362 = arith.addf %add3A_236, %abs3A_361 : vector<16xf32>
      %get3A_363 = arith.index_cast %scan3A_170 : i32 to index
      %get3A_364 = arith.constant 80 : index
      %get3A_365 = tpu.vector_load %arg14[%get3A_363, %get3A_364] {strides = array<i32>} : memref<128x128xf32, #tpu.memory_space<vmem>>, vector<1x16xf32>,
      %get3A_366 = vector.shape_cast %get3A_365 : vector<1x16xf32> to vector<16xf32>
      %mul3A_367 = arith.mulf %get3A_175, %get3A_366 : vector<16xf32>
      %get3A_368 = arith.index_cast %scan3A_170 : i32 to index
      %get3A_369 = arith.constant 112 : index
      %get3A_370 = tpu.vector_load %arg14[%get3A_368, %get3A_369] {strides = array<i32>} : memref<128x128xf32, #tpu.memory_space<vmem>>, vector<1x16xf32>,
      %get3A_371 = vector.shape_cast %get3A_370 : vector<1x16xf32> to vector<16xf32>
      %add3A_372 = arith.addf %mul3A_367, %get3A_371 : vector<16xf32>
      %mul3A_373 = arith.constant 0.159154937 : f32
      %mul3A_374 = vector.broadcast %mul3A_373 : f32 to vector<16xf32>
      %mul3A_375 = arith.mulf %add3A_372, %mul3A_374 : vector<16xf32>
      %ge3A_376 = arith.constant 0.000000e+00 : f32
      %ge3A_377 = vector.broadcast %ge3A_376 : f32 to vector<16xf32>
      %ge3A_378 = arith.cmpf oge, %mul3A_375, %ge3A_377 : vector<16xf32>
      %jit3A_379 = arith.constant 5.000000e-01 : f32
      %jit3A_380 = arith.constant -5.000000e-01 : f32
      %broadcast_in_dim3A_381 = vector.broadcast %jit3A_379 : f32 to vector<16xf32>
      %broadcast_in_dim3A_382 = vector.broadcast %jit3A_380 : f32 to vector<16xf32>
      %select_n3A_383 = arith.select %ge3A_378, %broadcast_in_dim3A_381, %broadcast_in_dim3A_382 : vector<16xi1>, vector<16xf32>
      %add3A_384 = arith.addf %mul3A_375, %select_n3A_383 : vector<16xf32>
      %convert_element_type3A_385 = arith.fptosi %add3A_384 : vector<16xf32> to vector<16xi32>
      %convert_element_type3A_386 = arith.sitofp %convert_element_type3A_385 : vector<16xi32> to vector<16xf32>
      %mul3A_387 = arith.constant 6.28318548 : f32
      %mul3A_388 = vector.broadcast %mul3A_387 : f32 to vector<16xf32>
      %mul3A_389 = arith.mulf %convert_element_type3A_386, %mul3A_388 : vector<16xf32>
      %sub3A_390 = arith.subf %add3A_372, %mul3A_389 : vector<16xf32>
      %mul3A_391 = arith.mulf %sub3A_390, %sub3A_390 : vector<16xf32>
      %mul3A_392 = arith.constant 1.35332676E-10 : f32
      %mul3A_393 = vector.broadcast %mul3A_392 : f32 to vector<16xf32>
      %mul3A_394 = arith.mulf %mul3A_393, %mul3A_391 : vector<16xf32>
      %add3A_395 = arith.constant -2.47016096E-8 : f32
      %add3A_396 = vector.broadcast %add3A_395 : f32 to vector<16xf32>
      %add3A_397 = arith.addf %mul3A_394, %add3A_396 : vector<16xf32>
      %mul3A_398 = arith.mulf %add3A_397, %mul3A_391 : vector<16xf32>
      %add3A_399 = arith.constant 2.75322918E-6 : f32
      %add3A_400 = vector.broadcast %add3A_399 : f32 to vector<16xf32>
      %add3A_401 = arith.addf %mul3A_398, %add3A_400 : vector<16xf32>
      %mul3A_402 = arith.mulf %add3A_401, %mul3A_391 : vector<16xf32>
      %add3A_403 = arith.constant -1.98403111E-4 : f32
      %add3A_404 = vector.broadcast %add3A_403 : f32 to vector<16xf32>
      %add3A_405 = arith.addf %mul3A_402, %add3A_404 : vector<16xf32>
      %mul3A_406 = arith.mulf %add3A_405, %mul3A_391 : vector<16xf32>
      %add3A_407 = arith.constant 0.00833331421 : f32
      %add3A_408 = vector.broadcast %add3A_407 : f32 to vector<16xf32>
      %add3A_409 = arith.addf %mul3A_406, %add3A_408 : vector<16xf32>
      %mul3A_410 = arith.mulf %add3A_409, %mul3A_391 : vector<16xf32>
      %add3A_411 = arith.constant -0.166666657 : f32
      %add3A_412 = vector.broadcast %add3A_411 : f32 to vector<16xf32>
      %add3A_413 = arith.addf %mul3A_410, %add3A_412 : vector<16xf32>
      %mul3A_414 = arith.mulf %add3A_413, %mul3A_391 : vector<16xf32>
      %add3A_415 = arith.constant 1.000000e+00 : f32
      %add3A_416 = vector.broadcast %add3A_415 : f32 to vector<16xf32>
      %add3A_417 = arith.addf %mul3A_414, %add3A_416 : vector<16xf32>
      %mul3A_418 = arith.mulf %add3A_417, %sub3A_390 : vector<16xf32>
      %get3A_419 = arith.index_cast %scan3A_170 : i32 to index
      %get3A_420 = arith.constant 16 : index
      %get3A_421 = tpu.vector_load %arg16[%get3A_419, %get3A_420] {strides = array<i32>} : memref<128x128xf32, #tpu.memory_space<vmem>>, vector<1x16xf32>,
      %get3A_422 = vector.shape_cast %get3A_421 : vector<1x16xf32> to vector<16xf32>
      %mul3A_423 = arith.mulf %mul3A_418, %get3A_422 : vector<16xf32>
      %get3A_424 = arith.index_cast %scan3A_170 : i32 to index
      %get3A_425 = arith.constant 80 : index
      %get3A_426 = tpu.vector_load %arg15[%get3A_424, %get3A_425] {strides = array<i32>} : memref<128x128xf32, #tpu.memory_space<vmem>>, vector<1x16xf32>,
      %get3A_427 = vector.shape_cast %get3A_426 : vector<1x16xf32> to vector<16xf32>
      %mul3A_428 = arith.mulf %get3A_175, %get3A_427 : vector<16xf32>
      %get3A_429 = arith.index_cast %scan3A_170 : i32 to index
      %get3A_430 = arith.constant 112 : index
      %get3A_431 = tpu.vector_load %arg15[%get3A_429, %get3A_430] {strides = array<i32>} : memref<128x128xf32, #tpu.memory_space<vmem>>, vector<1x16xf32>,
      %get3A_432 = vector.shape_cast %get3A_431 : vector<1x16xf32> to vector<16xf32>
      %add3A_433 = arith.addf %mul3A_428, %get3A_432 : vector<16xf32>
      %mul3A_434 = arith.constant 0.159154937 : f32
      %mul3A_435 = vector.broadcast %mul3A_434 : f32 to vector<16xf32>
      %mul3A_436 = arith.mulf %add3A_433, %mul3A_435 : vector<16xf32>
      %ge3A_437 = arith.constant 0.000000e+00 : f32
      %ge3A_438 = vector.broadcast %ge3A_437 : f32 to vector<16xf32>
      %ge3A_439 = arith.cmpf oge, %mul3A_436, %ge3A_438 : vector<16xf32>
      %jit3A_440 = arith.constant 5.000000e-01 : f32
      %jit3A_441 = arith.constant -5.000000e-01 : f32
      %broadcast_in_dim3A_442 = vector.broadcast %jit3A_440 : f32 to vector<16xf32>
      %broadcast_in_dim3A_443 = vector.broadcast %jit3A_441 : f32 to vector<16xf32>
      %select_n3A_444 = arith.select %ge3A_439, %broadcast_in_dim3A_442, %broadcast_in_dim3A_443 : vector<16xi1>, vector<16xf32>
      %add3A_445 = arith.addf %mul3A_436, %select_n3A_444 : vector<16xf32>
      %convert_element_type3A_446 = arith.fptosi %add3A_445 : vector<16xf32> to vector<16xi32>
      %convert_element_type3A_447 = arith.sitofp %convert_element_type3A_446 : vector<16xi32> to vector<16xf32>
      %mul3A_448 = arith.constant 6.28318548 : f32
      %mul3A_449 = vector.broadcast %mul3A_448 : f32 to vector<16xf32>
      %mul3A_450 = arith.mulf %convert_element_type3A_447, %mul3A_449 : vector<16xf32>
      %sub3A_451 = arith.subf %add3A_433, %mul3A_450 : vector<16xf32>
      %mul3A_452 = arith.mulf %sub3A_451, %sub3A_451 : vector<16xf32>
      %mul3A_453 = arith.constant 1.35332676E-10 : f32
      %mul3A_454 = vector.broadcast %mul3A_453 : f32 to vector<16xf32>
      %mul3A_455 = arith.mulf %mul3A_454, %mul3A_452 : vector<16xf32>
      %add3A_456 = arith.constant -2.47016096E-8 : f32
      %add3A_457 = vector.broadcast %add3A_456 : f32 to vector<16xf32>
      %add3A_458 = arith.addf %mul3A_455, %add3A_457 : vector<16xf32>
      %mul3A_459 = arith.mulf %add3A_458, %mul3A_452 : vector<16xf32>
      %add3A_460 = arith.constant 2.75322918E-6 : f32
      %add3A_461 = vector.broadcast %add3A_460 : f32 to vector<16xf32>
      %add3A_462 = arith.addf %mul3A_459, %add3A_461 : vector<16xf32>
      %mul3A_463 = arith.mulf %add3A_462, %mul3A_452 : vector<16xf32>
      %add3A_464 = arith.constant -1.98403111E-4 : f32
      %add3A_465 = vector.broadcast %add3A_464 : f32 to vector<16xf32>
      %add3A_466 = arith.addf %mul3A_463, %add3A_465 : vector<16xf32>
      %mul3A_467 = arith.mulf %add3A_466, %mul3A_452 : vector<16xf32>
      %add3A_468 = arith.constant 0.00833331421 : f32
      %add3A_469 = vector.broadcast %add3A_468 : f32 to vector<16xf32>
      %add3A_470 = arith.addf %mul3A_467, %add3A_469 : vector<16xf32>
      %mul3A_471 = arith.mulf %add3A_470, %mul3A_452 : vector<16xf32>
      %add3A_472 = arith.constant -0.166666657 : f32
      %add3A_473 = vector.broadcast %add3A_472 : f32 to vector<16xf32>
      %add3A_474 = arith.addf %mul3A_471, %add3A_473 : vector<16xf32>
      %mul3A_475 = arith.mulf %add3A_474, %mul3A_452 : vector<16xf32>
      %add3A_476 = arith.constant 1.000000e+00 : f32
      %add3A_477 = vector.broadcast %add3A_476 : f32 to vector<16xf32>
      %add3A_478 = arith.addf %mul3A_475, %add3A_477 : vector<16xf32>
      %mul3A_479 = arith.mulf %add3A_478, %sub3A_451 : vector<16xf32>
      %get3A_480 = arith.index_cast %scan3A_170 : i32 to index
      %get3A_481 = arith.constant 16 : index
      %get3A_482 = tpu.vector_load %arg17[%get3A_480, %get3A_481] {strides = array<i32>} : memref<128x128xf32, #tpu.memory_space<vmem>>, vector<1x16xf32>,
      %get3A_483 = vector.shape_cast %get3A_482 : vector<1x16xf32> to vector<16xf32>
      %mul3A_484 = arith.mulf %mul3A_479, %get3A_483 : vector<16xf32>
      %get3A_485 = arith.index_cast %scan3A_170 : i32 to index
      %get3A_486 = arith.constant 80 : index
      %get3A_487 = tpu.vector_load %arg18[%get3A_485, %get3A_486] {strides = array<i32>} : memref<128x96xf32, #tpu.memory_space<vmem>>, vector<1x16xf32>,
      %get3A_488 = vector.shape_cast %get3A_487 : vector<1x16xf32> to vector<16xf32>
      %add3A_489 = arith.addf %mul3A_423, %get3A_488 : vector<16xf32>
      %sub3A_490 = arith.subf %add3A_489, %mul3A_484 : vector<16xf32>
      %abs3A_491 = math.absf %sub3A_490 : vector<16xf32>
      %add3A_492 = arith.addf %add3A_362, %abs3A_491 : vector<16xf32>
      %slice3A = vector.extract_strided_slice %add3A_492 {offsets = [0], sizes = [1], strides = [1]} : vector<16xf32> to vector<1xf32>
      %squeeze3A = vector.extract %slice3A[0] : f32 from vector<1xf32>
      %slice3A_493 = vector.extract_strided_slice %add3A_492 {offsets = [1], sizes = [1], strides = [1]} : vector<16xf32> to vector<1xf32>
      %squeeze3A_494 = vector.extract %slice3A_493[0] : f32 from vector<1xf32>
      %slice3A_495 = vector.extract_strided_slice %add3A_492 {offsets = [2], sizes = [1], strides = [1]} : vector<16xf32> to vector<1xf32>
      %squeeze3A_496 = vector.extract %slice3A_495[0] : f32 from vector<1xf32>
      %slice3A_497 = vector.extract_strided_slice %add3A_492 {offsets = [3], sizes = [1], strides = [1]} : vector<16xf32> to vector<1xf32>
      %squeeze3A_498 = vector.extract %slice3A_497[0] : f32 from vector<1xf32>
      %slice3A_499 = vector.extract_strided_slice %add3A_492 {offsets = [4], sizes = [1], strides = [1]} : vector<16xf32> to vector<1xf32>
      %squeeze3A_500 = vector.extract %slice3A_499[0] : f32 from vector<1xf32>
      %slice3A_501 = vector.extract_strided_slice %add3A_492 {offsets = [5], sizes = [1], strides = [1]} : vector<16xf32> to vector<1xf32>
      %squeeze3A_502 = vector.extract %slice3A_501[0] : f32 from vector<1xf32>
      %slice3A_503 = vector.extract_strided_slice %add3A_492 {offsets = [6], sizes = [1], strides = [1]} : vector<16xf32> to vector<1xf32>
      %squeeze3A_504 = vector.extract %slice3A_503[0] : f32 from vector<1xf32>
      %slice3A_505 = vector.extract_strided_slice %add3A_492 {offsets = [7], sizes = [1], strides = [1]} : vector<16xf32> to vector<1xf32>
      %squeeze3A_506 = vector.extract %slice3A_505[0] : f32 from vector<1xf32>
      %slice3A_507 = vector.extract_strided_slice %add3A_492 {offsets = [8], sizes = [1], strides = [1]} : vector<16xf32> to vector<1xf32>
      %squeeze3A_508 = vector.extract %slice3A_507[0] : f32 from vector<1xf32>
      %slice3A_509 = vector.extract_strided_slice %add3A_492 {offsets = [9], sizes = [1], strides = [1]} : vector<16xf32> to vector<1xf32>
      %squeeze3A_510 = vector.extract %slice3A_509[0] : f32 from vector<1xf32>
      %slice3A_511 = vector.extract_strided_slice %add3A_492 {offsets = [10], sizes = [1], strides = [1]} : vector<16xf32> to vector<1xf32>
      %squeeze3A_512 = vector.extract %slice3A_511[0] : f32 from vector<1xf32>
      %slice3A_513 = vector.extract_strided_slice %add3A_492 {offsets = [11], sizes = [1], strides = [1]} : vector<16xf32> to vector<1xf32>
      %squeeze3A_514 = vector.extract %slice3A_513[0] : f32 from vector<1xf32>
      %slice3A_515 = vector.extract_strided_slice %add3A_492 {offsets = [12], sizes = [1], strides = [1]} : vector<16xf32> to vector<1xf32>
      %squeeze3A_516 = vector.extract %slice3A_515[0] : f32 from vector<1xf32>
      %slice3A_517 = vector.extract_strided_slice %add3A_492 {offsets = [13], sizes = [1], strides = [1]} : vector<16xf32> to vector<1xf32>
      %squeeze3A_518 = vector.extract %slice3A_517[0] : f32 from vector<1xf32>
      %slice3A_519 = vector.extract_strided_slice %add3A_492 {offsets = [14], sizes = [1], strides = [1]} : vector<16xf32> to vector<1xf32>
      %squeeze3A_520 = vector.extract %slice3A_519[0] : f32 from vector<1xf32>
      %slice3A_521 = vector.extract_strided_slice %add3A_492 {offsets = [15], sizes = [1], strides = [1]} : vector<16xf32> to vector<1xf32>
      %squeeze3A_522 = vector.extract %slice3A_521[0] : f32 from vector<1xf32>
      %add3A_523 = arith.addf %squeeze3A, %squeeze3A_494 : f32
      %add3A_524 = arith.addf %squeeze3A_496, %squeeze3A_498 : f32
      %add3A_525 = arith.addf %squeeze3A_500, %squeeze3A_502 : f32
      %add3A_526 = arith.addf %squeeze3A_504, %squeeze3A_506 : f32
      %add3A_527 = arith.addf %squeeze3A_508, %squeeze3A_510 : f32
      %add3A_528 = arith.addf %squeeze3A_512, %squeeze3A_514 : f32
      %add3A_529 = arith.addf %squeeze3A_516, %squeeze3A_518 : f32
      %add3A_530 = arith.addf %squeeze3A_520, %squeeze3A_522 : f32
      %add3A_531 = arith.addf %add3A_523, %add3A_524 : f32
      %add3A_532 = arith.addf %add3A_525, %add3A_526 : f32
      %add3A_533 = arith.addf %add3A_527, %add3A_528 : f32
      %add3A_534 = arith.addf %add3A_529, %add3A_530 : f32
      %add3A_535 = arith.addf %add3A_531, %add3A_532 : f32
      %add3A_536 = arith.addf %add3A_533, %add3A_534 : f32
      %add3A_537 = arith.addf %add3A_535, %add3A_536 : f32
      %sub3A_538 = arith.constant 1.200000e+01 : f32
      %sub3A_539 = arith.subf %sub3A_538, %add3A_537 : f32
      %and3A = arith.constant 15 : i32
      %and3A_540 = arith.andi %scan3A_170, %and3A : i32
      %eq3A = vector.broadcast %and3A_540 : i32 to vector<16xi32>
      %eq3A_541 = arith.cmpi eq, %iota3A_118, %eq3A : vector<16xi32>
      %broadcast_in_dim3A_542 = vector.broadcast %sub3A_539 : f32 to vector<16xf32>
      %select_n3A_543 = arith.select %eq3A_541, %broadcast_in_dim3A_542, %scan3A_171 : vector<16xi1>, vector<16xf32>
      %eq3A_544 = arith.constant 15 : i32
      %eq3A_545 = arith.cmpi eq, %and3A_540, %eq3A_544 : i32
      %convert_element_type3A_546 = arith.extui %eq3A_545 : i1 to i32
      %cond3A = arith.constant 0 : i32
      %cond3A_547 = arith.cmpi ne, %convert_element_type3A_546, %cond3A : i32
      scf.if %cond3A_547 {
        %add3A_548 = arith.constant 256 : i32
        %add3A_549 = arith.addi %add3A_548, %scan3A_170 : i32
        %sub3A_550 = arith.constant 15 : i32
        %sub3A_551 = arith.subi %add3A_549, %sub3A_550 : i32
        %swap3A = arith.index_cast %sub3A_551 : i32 to index
        %swap3A_552 = tpu.vector_load %arg19[%swap3A] {strides = array<i32>} : memref<512xf32, #tpu.memory_space<vmem>>, vector<16xf32>,
        %swap3A_553 = vector.shape_cast %swap3A_552 : vector<16xf32> to vector<16xf32>
        %swap3A_554 = vector.shape_cast %select_n3A_543 : vector<16xf32> to vector<16xf32>
        tpu.vector_store %arg19[%swap3A], %swap3A_554 {strides = array<i32>} : memref<512xf32, #tpu.memory_space<vmem>>, vector<16xf32>,
      } else {
      }
      scf.yield %select_n3A_543 : vector<16xf32>
    }
    %scan3A_126 = arith.constant 128 : i32
    %add3A_127 = arith.constant 384 : i32
    %add3A_128 = arith.addi %mul3A_2, %add3A_127 : i32
    "tpu.region"() ({
      %run_scoped3A = tpu.sem_alloc : memref<!tpu.dma_semaphore, #tpu.memory_space<semaphore_mem>>
      %dma_start3A_170 = tpu.memref_slice %arg2[%add3A_128] : memref<16384xi32, #tpu.memory_space<hbm>> -> memref<128xi32, #tpu.memory_space<hbm>>
      %dma_start3A_171 = tpu.memref_slice %arg2[%add3A_128] : memref<16384xi32, #tpu.memory_space<hbm>> -> memref<128xi32, #tpu.memory_space<hbm>>
      tpu.enqueue_dma source(%dma_start3A_171 : memref<128xi32, #tpu.memory_space<hbm>>) target(%arg10 : memref<128xi32, #tpu.memory_space<vmem>>) target_semaphore(%run_scoped3A : memref<!tpu.dma_semaphore, #tpu.memory_space<semaphore_mem>>)
      %dma_wait3A_172 = tpu.memref_slice %arg2[%add3A_128] : memref<16384xi32, #tpu.memory_space<hbm>> -> memref<128xi32, #tpu.memory_space<hbm>>
      %dma_wait3A_173 = tpu.memref_slice %arg2[%add3A_128] : memref<16384xi32, #tpu.memory_space<hbm>> -> memref<128xi32, #tpu.memory_space<hbm>>
      tpu.wait_dma2 semaphore(%run_scoped3A : memref<!tpu.dma_semaphore, #tpu.memory_space<semaphore_mem>>) src(%dma_wait3A_173 : memref<128xi32, #tpu.memory_space<hbm>>) dst(%arg10 : memref<128xi32, #tpu.memory_space<vmem>>)
      tpu.yield
    }) : () -> ()
    "tpu.region"() ({
      %run_scoped3A = tpu.sem_alloc : memref<!tpu.dma_semaphore, #tpu.memory_space<semaphore_mem>>
      %dma_start3A_170 = tpu.memref_slice %arg4[%add3A_128] : memref<16384xi32, #tpu.memory_space<hbm>> -> memref<128xi32, #tpu.memory_space<hbm>>
      %dma_start3A_171 = tpu.memref_slice %arg4[%add3A_128] : memref<16384xi32, #tpu.memory_space<hbm>> -> memref<128xi32, #tpu.memory_space<hbm>>
      tpu.enqueue_dma source(%dma_start3A_171 : memref<128xi32, #tpu.memory_space<hbm>>) target(%arg11 : memref<128xi32, #tpu.memory_space<vmem>>) target_semaphore(%run_scoped3A : memref<!tpu.dma_semaphore, #tpu.memory_space<semaphore_mem>>)
      %dma_wait3A_172 = tpu.memref_slice %arg4[%add3A_128] : memref<16384xi32, #tpu.memory_space<hbm>> -> memref<128xi32, #tpu.memory_space<hbm>>
      %dma_wait3A_173 = tpu.memref_slice %arg4[%add3A_128] : memref<16384xi32, #tpu.memory_space<hbm>> -> memref<128xi32, #tpu.memory_space<hbm>>
      tpu.wait_dma2 semaphore(%run_scoped3A : memref<!tpu.dma_semaphore, #tpu.memory_space<semaphore_mem>>) src(%dma_wait3A_173 : memref<128xi32, #tpu.memory_space<hbm>>) dst(%arg11 : memref<128xi32, #tpu.memory_space<vmem>>)
      tpu.yield
    }) : () -> ()
    "tpu.region"() ({
      %run_scoped3A = tpu.sem_alloc : memref<!tpu.dma_semaphore, #tpu.memory_space<semaphore_mem>>
      %dma_start3A_170 = tpu.memref_slice %arg3[%add3A_128] : memref<16384xi32, #tpu.memory_space<hbm>> -> memref<128xi32, #tpu.memory_space<hbm>>
      %dma_start3A_171 = tpu.memref_slice %arg3[%add3A_128] : memref<16384xi32, #tpu.memory_space<hbm>> -> memref<128xi32, #tpu.memory_space<hbm>>
      tpu.enqueue_dma source(%dma_start3A_171 : memref<128xi32, #tpu.memory_space<hbm>>) target(%arg12 : memref<128xi32, #tpu.memory_space<vmem>>) target_semaphore(%run_scoped3A : memref<!tpu.dma_semaphore, #tpu.memory_space<semaphore_mem>>)
      %dma_wait3A_172 = tpu.memref_slice %arg3[%add3A_128] : memref<16384xi32, #tpu.memory_space<hbm>> -> memref<128xi32, #tpu.memory_space<hbm>>
      %dma_wait3A_173 = tpu.memref_slice %arg3[%add3A_128] : memref<16384xi32, #tpu.memory_space<hbm>> -> memref<128xi32, #tpu.memory_space<hbm>>
      tpu.wait_dma2 semaphore(%run_scoped3A : memref<!tpu.dma_semaphore, #tpu.memory_space<semaphore_mem>>) src(%dma_wait3A_173 : memref<128xi32, #tpu.memory_space<hbm>>) dst(%arg12 : memref<128xi32, #tpu.memory_space<vmem>>)
      tpu.yield
    }) : () -> ()
    %mul3A_129 = arith.constant 16 : i32
    %mul3A_130 = arith.muli %add3A_128, %mul3A_129 : i32
    "tpu.region"() ({
      %run_scoped3A = tpu.sem_alloc : memref<!tpu.dma_semaphore, #tpu.memory_space<semaphore_mem>>
      %dma_start3A_170 = tpu.memref_slice %arg5[%mul3A_130] : memref<262144xf32, #tpu.memory_space<hbm>> -> memref<2048xf32, #tpu.memory_space<hbm>>
      %dma_start3A_171 = tpu.memref_slice %arg5[%mul3A_130] : memref<262144xf32, #tpu.memory_space<hbm>> -> memref<2048xf32, #tpu.memory_space<hbm>>
      tpu.enqueue_dma source(%dma_start3A_171 : memref<2048xf32, #tpu.memory_space<hbm>>) target(%arg13 : memref<2048xf32, #tpu.memory_space<vmem>>) target_semaphore(%run_scoped3A : memref<!tpu.dma_semaphore, #tpu.memory_space<semaphore_mem>>)
      %dma_wait3A_172 = tpu.memref_slice %arg5[%mul3A_130] : memref<262144xf32, #tpu.memory_space<hbm>> -> memref<2048xf32, #tpu.memory_space<hbm>>
      %dma_wait3A_173 = tpu.memref_slice %arg5[%mul3A_130] : memref<262144xf32, #tpu.memory_space<hbm>> -> memref<2048xf32, #tpu.memory_space<hbm>>
      tpu.wait_dma2 semaphore(%run_scoped3A : memref<!tpu.dma_semaphore, #tpu.memory_space<semaphore_mem>>) src(%dma_wait3A_173 : memref<2048xf32, #tpu.memory_space<hbm>>) dst(%arg13 : memref<2048xf32, #tpu.memory_space<vmem>>)
      tpu.yield
    }) : () -> ()
    %dma_start3A_131 = arith.constant 0 : i32
    %dma_start3A_132 = arith.constant 0 : i32
    %dma_start3A_133 = tpu.memref_slice %arg6[%dma_start3A_131, %dma_start3A_132] : memref<100000x128xf32, #tpu.memory_space<hbm>> -> memref<100000x128xf32, #tpu.memory_space<hbm>>
    tpu.enqueue_indirect_dma source(%dma_start3A_133 : memref<100000x128xf32, #tpu.memory_space<hbm>>) target(%arg14 : memref<128x128xf32, #tpu.memory_space<vmem>>) offsets(%arg10 : memref<128xi32, #tpu.memory_space<vmem>>) semaphore(%arg20 : memref<!tpu.dma_semaphore, #tpu.memory_space<semaphore_mem>>)
    %dma_start3A_134 = arith.constant 0 : i32
    %dma_start3A_135 = arith.constant 0 : i32
    %dma_start3A_136 = tpu.memref_slice %arg6[%dma_start3A_134, %dma_start3A_135] : memref<100000x128xf32, #tpu.memory_space<hbm>> -> memref<100000x128xf32, #tpu.memory_space<hbm>>
    tpu.enqueue_indirect_dma source(%dma_start3A_136 : memref<100000x128xf32, #tpu.memory_space<hbm>>) target(%arg15 : memref<128x128xf32, #tpu.memory_space<vmem>>) offsets(%arg11 : memref<128xi32, #tpu.memory_space<vmem>>) semaphore(%arg20 : memref<!tpu.dma_semaphore, #tpu.memory_space<semaphore_mem>>)
    %dma_start3A_137 = arith.constant 0 : i32
    %dma_start3A_138 = arith.constant 0 : i32
    %dma_start3A_139 = tpu.memref_slice %arg7[%dma_start3A_137, %dma_start3A_138] : memref<100000x128xf32, #tpu.memory_space<hbm>> -> memref<100000x128xf32, #tpu.memory_space<hbm>>
    tpu.enqueue_indirect_dma source(%dma_start3A_139 : memref<100000x128xf32, #tpu.memory_space<hbm>>) target(%arg16 : memref<128x128xf32, #tpu.memory_space<vmem>>) offsets(%arg10 : memref<128xi32, #tpu.memory_space<vmem>>) semaphore(%arg20 : memref<!tpu.dma_semaphore, #tpu.memory_space<semaphore_mem>>)
    %dma_start3A_140 = arith.constant 0 : i32
    %dma_start3A_141 = arith.constant 0 : i32
    %dma_start3A_142 = tpu.memref_slice %arg7[%dma_start3A_140, %dma_start3A_141] : memref<100000x128xf32, #tpu.memory_space<hbm>> -> memref<100000x128xf32, #tpu.memory_space<hbm>>
    tpu.enqueue_indirect_dma source(%dma_start3A_142 : memref<100000x128xf32, #tpu.memory_space<hbm>>) target(%arg17 : memref<128x128xf32, #tpu.memory_space<vmem>>) offsets(%arg11 : memref<128xi32, #tpu.memory_space<vmem>>) semaphore(%arg20 : memref<!tpu.dma_semaphore, #tpu.memory_space<semaphore_mem>>)
    %dma_start3A_143 = arith.constant 0 : i32
    %dma_start3A_144 = arith.constant 0 : i32
    %dma_start3A_145 = tpu.memref_slice %arg8[%dma_start3A_143, %dma_start3A_144] : memref<1000x96xf32, #tpu.memory_space<hbm>> -> memref<1000x96xf32, #tpu.memory_space<hbm>>
    tpu.enqueue_indirect_dma source(%dma_start3A_145 : memref<1000x96xf32, #tpu.memory_space<hbm>>) target(%arg18 : memref<128x96xf32, #tpu.memory_space<vmem>>) offsets(%arg12 : memref<128xi32, #tpu.memory_space<vmem>>) semaphore(%arg20 : memref<!tpu.dma_semaphore, #tpu.memory_space<semaphore_mem>>)
    %dma_wait3A_146 = arith.constant 0 : i32
    %dma_wait3A_147 = arith.constant 0 : i32
    %dma_wait3A_148 = tpu.memref_slice %arg6[%dma_wait3A_146, %dma_wait3A_147] : memref<100000x128xf32, #tpu.memory_space<hbm>> -> memref<100000x128xf32, #tpu.memory_space<hbm>>
    tpu.wait_indirect_dma semaphore(%arg20 : memref<!tpu.dma_semaphore, #tpu.memory_space<semaphore_mem>>) src(%dma_wait3A_148 : memref<100000x128xf32, #tpu.memory_space<hbm>>) dst(%arg14 : memref<128x128xf32, #tpu.memory_space<vmem>>)
    %dma_wait3A_149 = arith.constant 0 : i32
    %dma_wait3A_150 = arith.constant 0 : i32
    %dma_wait3A_151 = tpu.memref_slice %arg6[%dma_wait3A_149, %dma_wait3A_150] : memref<100000x128xf32, #tpu.memory_space<hbm>> -> memref<100000x128xf32, #tpu.memory_space<hbm>>
    tpu.wait_indirect_dma semaphore(%arg20 : memref<!tpu.dma_semaphore, #tpu.memory_space<semaphore_mem>>) src(%dma_wait3A_151 : memref<100000x128xf32, #tpu.memory_space<hbm>>) dst(%arg15 : memref<128x128xf32, #tpu.memory_space<vmem>>)
    %dma_wait3A_152 = arith.constant 0 : i32
    %dma_wait3A_153 = arith.constant 0 : i32
    %dma_wait3A_154 = tpu.memref_slice %arg7[%dma_wait3A_152, %dma_wait3A_153] : memref<100000x128xf32, #tpu.memory_space<hbm>> -> memref<100000x128xf32, #tpu.memory_space<hbm>>
    tpu.wait_indirect_dma semaphore(%arg20 : memref<!tpu.dma_semaphore, #tpu.memory_space<semaphore_mem>>) src(%dma_wait3A_154 : memref<100000x128xf32, #tpu.memory_space<hbm>>) dst(%arg16 : memref<128x128xf32, #tpu.memory_space<vmem>>)
    %dma_wait3A_155 = arith.constant 0 : i32
    %dma_wait3A_156 = arith.constant 0 : i32
    %dma_wait3A_157 = tpu.memref_slice %arg7[%dma_wait3A_155, %dma_wait3A_156] : memref<100000x128xf32, #tpu.memory_space<hbm>> -> memref<100000x128xf32, #tpu.memory_space<hbm>>
    tpu.wait_indirect_dma semaphore(%arg20 : memref<!tpu.dma_semaphore, #tpu.memory_space<semaphore_mem>>) src(%dma_wait3A_157 : memref<100000x128xf32, #tpu.memory_space<hbm>>) dst(%arg17 : memref<128x128xf32, #tpu.memory_space<vmem>>)
    %dma_wait3A_158 = arith.constant 0 : i32
    %dma_wait3A_159 = arith.constant 0 : i32
    %dma_wait3A_160 = tpu.memref_slice %arg8[%dma_wait3A_158, %dma_wait3A_159] : memref<1000x96xf32, #tpu.memory_space<hbm>> -> memref<1000x96xf32, #tpu.memory_space<hbm>>
    tpu.wait_indirect_dma semaphore(%arg20 : memref<!tpu.dma_semaphore, #tpu.memory_space<semaphore_mem>>) src(%dma_wait3A_160 : memref<1000x96xf32, #tpu.memory_space<hbm>>) dst(%arg18 : memref<128x96xf32, #tpu.memory_space<vmem>>)
    %iota3A_161 = tpu.iota {dimensions = array<i32: 0>} : vector<16xi32>
    %broadcast_in_dim3A_162 = arith.constant 0.000000e+00 : f32
    %broadcast_in_dim3A_163 = vector.broadcast %broadcast_in_dim3A_162 : f32 to vector<16xf32>
    %scan3A_164 = arith.constant 0 : i32
    %scan3A_165 = arith.constant 128 : i32
    %scan3A_166 = arith.addi %scan3A_164, %scan3A_165 : i32
    %scan3A_167 = arith.constant 1 : i32
    %scan3A_168 = scf.for %scan3A_170 = %scan3A_164 to %scan3A_166 step %scan3A_167 iter_args(%scan3A_171 = %broadcast_in_dim3A_163) -> (vector<16xf32>)  : i32 {
      %mul3A_172 = arith.constant 16 : i32
      %mul3A_173 = arith.muli %scan3A_170, %mul3A_172 : i32
      %get3A = arith.index_cast %mul3A_173 : i32 to index
      %get3A_174 = tpu.vector_load %arg13[%get3A] {strides = array<i32>} : memref<2048xf32, #tpu.memory_space<vmem>>, vector<16xf32>,
      %get3A_175 = vector.shape_cast %get3A_174 : vector<16xf32> to vector<16xf32>
      %get3A_176 = arith.index_cast %scan3A_170 : i32 to index
      %get3A_177 = arith.constant 0 : index
      %get3A_178 = tpu.vector_load %arg14[%get3A_176, %get3A_177] {strides = array<i32>} : memref<128x128xf32, #tpu.memory_space<vmem>>, vector<1x16xf32>,
      %get3A_179 = vector.shape_cast %get3A_178 : vector<1x16xf32> to vector<16xf32>
      %get3A_180 = arith.index_cast %scan3A_170 : i32 to index
      %get3A_181 = arith.constant 0 : index
      %get3A_182 = tpu.vector_load %arg18[%get3A_180, %get3A_181] {strides = array<i32>} : memref<128x96xf32, #tpu.memory_space<vmem>>, vector<1x16xf32>,
      %get3A_183 = vector.shape_cast %get3A_182 : vector<1x16xf32> to vector<16xf32>
      %add3A_184 = arith.addf %get3A_179, %get3A_183 : vector<16xf32>
      %get3A_185 = arith.index_cast %scan3A_170 : i32 to index
      %get3A_186 = arith.constant 0 : index
      %get3A_187 = tpu.vector_load %arg15[%get3A_185, %get3A_186] {strides = array<i32>} : memref<128x128xf32, #tpu.memory_space<vmem>>, vector<1x16xf32>,
      %get3A_188 = vector.shape_cast %get3A_187 : vector<1x16xf32> to vector<16xf32>
      %sub3A = arith.subf %add3A_184, %get3A_188 : vector<16xf32>
      %abs3A = math.absf %sub3A : vector<16xf32>
      %get3A_189 = arith.index_cast %scan3A_170 : i32 to index
      %get3A_190 = arith.constant 16 : index
      %get3A_191 = tpu.vector_load %arg14[%get3A_189, %get3A_190] {strides = array<i32>} : memref<128x128xf32, #tpu.memory_space<vmem>>, vector<1x16xf32>,
      %get3A_192 = vector.shape_cast %get3A_191 : vector<1x16xf32> to vector<16xf32>
      %get3A_193 = arith.index_cast %scan3A_170 : i32 to index
      %get3A_194 = arith.constant 16 : index
      %get3A_195 = tpu.vector_load %arg18[%get3A_193, %get3A_194] {strides = array<i32>} : memref<128x96xf32, #tpu.memory_space<vmem>>, vector<1x16xf32>,
      %get3A_196 = vector.shape_cast %get3A_195 : vector<1x16xf32> to vector<16xf32>
      %add3A_197 = arith.addf %get3A_192, %get3A_196 : vector<16xf32>
      %get3A_198 = arith.index_cast %scan3A_170 : i32 to index
      %get3A_199 = arith.constant 16 : index
      %get3A_200 = tpu.vector_load %arg15[%get3A_198, %get3A_199] {strides = array<i32>} : memref<128x128xf32, #tpu.memory_space<vmem>>, vector<1x16xf32>,
      %get3A_201 = vector.shape_cast %get3A_200 : vector<1x16xf32> to vector<16xf32>
      %sub3A_202 = arith.subf %add3A_197, %get3A_201 : vector<16xf32>
      %abs3A_203 = math.absf %sub3A_202 : vector<16xf32>
      %add3A_204 = arith.addf %abs3A, %abs3A_203 : vector<16xf32>
      %get3A_205 = arith.index_cast %scan3A_170 : i32 to index
      %get3A_206 = arith.constant 32 : index
      %get3A_207 = tpu.vector_load %arg14[%get3A_205, %get3A_206] {strides = array<i32>} : memref<128x128xf32, #tpu.memory_space<vmem>>, vector<1x16xf32>,
      %get3A_208 = vector.shape_cast %get3A_207 : vector<1x16xf32> to vector<16xf32>
      %get3A_209 = arith.index_cast %scan3A_170 : i32 to index
      %get3A_210 = arith.constant 32 : index
      %get3A_211 = tpu.vector_load %arg18[%get3A_209, %get3A_210] {strides = array<i32>} : memref<128x96xf32, #tpu.memory_space<vmem>>, vector<1x16xf32>,
      %get3A_212 = vector.shape_cast %get3A_211 : vector<1x16xf32> to vector<16xf32>
      %add3A_213 = arith.addf %get3A_208, %get3A_212 : vector<16xf32>
      %get3A_214 = arith.index_cast %scan3A_170 : i32 to index
      %get3A_215 = arith.constant 32 : index
      %get3A_216 = tpu.vector_load %arg15[%get3A_214, %get3A_215] {strides = array<i32>} : memref<128x128xf32, #tpu.memory_space<vmem>>, vector<1x16xf32>,
      %get3A_217 = vector.shape_cast %get3A_216 : vector<1x16xf32> to vector<16xf32>
      %sub3A_218 = arith.subf %add3A_213, %get3A_217 : vector<16xf32>
      %abs3A_219 = math.absf %sub3A_218 : vector<16xf32>
      %add3A_220 = arith.addf %add3A_204, %abs3A_219 : vector<16xf32>
      %get3A_221 = arith.index_cast %scan3A_170 : i32 to index
      %get3A_222 = arith.constant 48 : index
      %get3A_223 = tpu.vector_load %arg14[%get3A_221, %get3A_222] {strides = array<i32>} : memref<128x128xf32, #tpu.memory_space<vmem>>, vector<1x16xf32>,
      %get3A_224 = vector.shape_cast %get3A_223 : vector<1x16xf32> to vector<16xf32>
      %get3A_225 = arith.index_cast %scan3A_170 : i32 to index
      %get3A_226 = arith.constant 48 : index
      %get3A_227 = tpu.vector_load %arg18[%get3A_225, %get3A_226] {strides = array<i32>} : memref<128x96xf32, #tpu.memory_space<vmem>>, vector<1x16xf32>,
      %get3A_228 = vector.shape_cast %get3A_227 : vector<1x16xf32> to vector<16xf32>
      %add3A_229 = arith.addf %get3A_224, %get3A_228 : vector<16xf32>
      %get3A_230 = arith.index_cast %scan3A_170 : i32 to index
      %get3A_231 = arith.constant 48 : index
      %get3A_232 = tpu.vector_load %arg15[%get3A_230, %get3A_231] {strides = array<i32>} : memref<128x128xf32, #tpu.memory_space<vmem>>, vector<1x16xf32>,
      %get3A_233 = vector.shape_cast %get3A_232 : vector<1x16xf32> to vector<16xf32>
      %sub3A_234 = arith.subf %add3A_229, %get3A_233 : vector<16xf32>
      %abs3A_235 = math.absf %sub3A_234 : vector<16xf32>
      %add3A_236 = arith.addf %add3A_220, %abs3A_235 : vector<16xf32>
      %get3A_237 = arith.index_cast %scan3A_170 : i32 to index
      %get3A_238 = arith.constant 64 : index
      %get3A_239 = tpu.vector_load %arg14[%get3A_237, %get3A_238] {strides = array<i32>} : memref<128x128xf32, #tpu.memory_space<vmem>>, vector<1x16xf32>,
      %get3A_240 = vector.shape_cast %get3A_239 : vector<1x16xf32> to vector<16xf32>
      %mul3A_241 = arith.mulf %get3A_175, %get3A_240 : vector<16xf32>
      %get3A_242 = arith.index_cast %scan3A_170 : i32 to index
      %get3A_243 = arith.constant 96 : index
      %get3A_244 = tpu.vector_load %arg14[%get3A_242, %get3A_243] {strides = array<i32>} : memref<128x128xf32, #tpu.memory_space<vmem>>, vector<1x16xf32>,
      %get3A_245 = vector.shape_cast %get3A_244 : vector<1x16xf32> to vector<16xf32>
      %add3A_246 = arith.addf %mul3A_241, %get3A_245 : vector<16xf32>
      %mul3A_247 = arith.constant 0.159154937 : f32
      %mul3A_248 = vector.broadcast %mul3A_247 : f32 to vector<16xf32>
      %mul3A_249 = arith.mulf %add3A_246, %mul3A_248 : vector<16xf32>
      %ge3A = arith.constant 0.000000e+00 : f32
      %ge3A_250 = vector.broadcast %ge3A : f32 to vector<16xf32>
      %ge3A_251 = arith.cmpf oge, %mul3A_249, %ge3A_250 : vector<16xf32>
      %jit3A = arith.constant 5.000000e-01 : f32
      %jit3A_252 = arith.constant -5.000000e-01 : f32
      %broadcast_in_dim3A_253 = vector.broadcast %jit3A : f32 to vector<16xf32>
      %broadcast_in_dim3A_254 = vector.broadcast %jit3A_252 : f32 to vector<16xf32>
      %select_n3A = arith.select %ge3A_251, %broadcast_in_dim3A_253, %broadcast_in_dim3A_254 : vector<16xi1>, vector<16xf32>
      %add3A_255 = arith.addf %mul3A_249, %select_n3A : vector<16xf32>
      %convert_element_type3A = arith.fptosi %add3A_255 : vector<16xf32> to vector<16xi32>
      %convert_element_type3A_256 = arith.sitofp %convert_element_type3A : vector<16xi32> to vector<16xf32>
      %mul3A_257 = arith.constant 6.28318548 : f32
      %mul3A_258 = vector.broadcast %mul3A_257 : f32 to vector<16xf32>
      %mul3A_259 = arith.mulf %convert_element_type3A_256, %mul3A_258 : vector<16xf32>
      %sub3A_260 = arith.subf %add3A_246, %mul3A_259 : vector<16xf32>
      %mul3A_261 = arith.mulf %sub3A_260, %sub3A_260 : vector<16xf32>
      %mul3A_262 = arith.constant 1.35332676E-10 : f32
      %mul3A_263 = vector.broadcast %mul3A_262 : f32 to vector<16xf32>
      %mul3A_264 = arith.mulf %mul3A_263, %mul3A_261 : vector<16xf32>
      %add3A_265 = arith.constant -2.47016096E-8 : f32
      %add3A_266 = vector.broadcast %add3A_265 : f32 to vector<16xf32>
      %add3A_267 = arith.addf %mul3A_264, %add3A_266 : vector<16xf32>
      %mul3A_268 = arith.mulf %add3A_267, %mul3A_261 : vector<16xf32>
      %add3A_269 = arith.constant 2.75322918E-6 : f32
      %add3A_270 = vector.broadcast %add3A_269 : f32 to vector<16xf32>
      %add3A_271 = arith.addf %mul3A_268, %add3A_270 : vector<16xf32>
      %mul3A_272 = arith.mulf %add3A_271, %mul3A_261 : vector<16xf32>
      %add3A_273 = arith.constant -1.98403111E-4 : f32
      %add3A_274 = vector.broadcast %add3A_273 : f32 to vector<16xf32>
      %add3A_275 = arith.addf %mul3A_272, %add3A_274 : vector<16xf32>
      %mul3A_276 = arith.mulf %add3A_275, %mul3A_261 : vector<16xf32>
      %add3A_277 = arith.constant 0.00833331421 : f32
      %add3A_278 = vector.broadcast %add3A_277 : f32 to vector<16xf32>
      %add3A_279 = arith.addf %mul3A_276, %add3A_278 : vector<16xf32>
      %mul3A_280 = arith.mulf %add3A_279, %mul3A_261 : vector<16xf32>
      %add3A_281 = arith.constant -0.166666657 : f32
      %add3A_282 = vector.broadcast %add3A_281 : f32 to vector<16xf32>
      %add3A_283 = arith.addf %mul3A_280, %add3A_282 : vector<16xf32>
      %mul3A_284 = arith.mulf %add3A_283, %mul3A_261 : vector<16xf32>
      %add3A_285 = arith.constant 1.000000e+00 : f32
      %add3A_286 = vector.broadcast %add3A_285 : f32 to vector<16xf32>
      %add3A_287 = arith.addf %mul3A_284, %add3A_286 : vector<16xf32>
      %mul3A_288 = arith.mulf %add3A_287, %sub3A_260 : vector<16xf32>
      %get3A_289 = arith.index_cast %scan3A_170 : i32 to index
      %get3A_290 = arith.constant 0 : index
      %get3A_291 = tpu.vector_load %arg16[%get3A_289, %get3A_290] {strides = array<i32>} : memref<128x128xf32, #tpu.memory_space<vmem>>, vector<1x16xf32>,
      %get3A_292 = vector.shape_cast %get3A_291 : vector<1x16xf32> to vector<16xf32>
      %mul3A_293 = arith.mulf %mul3A_288, %get3A_292 : vector<16xf32>
      %get3A_294 = arith.index_cast %scan3A_170 : i32 to index
      %get3A_295 = arith.constant 64 : index
      %get3A_296 = tpu.vector_load %arg15[%get3A_294, %get3A_295] {strides = array<i32>} : memref<128x128xf32, #tpu.memory_space<vmem>>, vector<1x16xf32>,
      %get3A_297 = vector.shape_cast %get3A_296 : vector<1x16xf32> to vector<16xf32>
      %mul3A_298 = arith.mulf %get3A_175, %get3A_297 : vector<16xf32>
      %get3A_299 = arith.index_cast %scan3A_170 : i32 to index
      %get3A_300 = arith.constant 96 : index
      %get3A_301 = tpu.vector_load %arg15[%get3A_299, %get3A_300] {strides = array<i32>} : memref<128x128xf32, #tpu.memory_space<vmem>>, vector<1x16xf32>,
      %get3A_302 = vector.shape_cast %get3A_301 : vector<1x16xf32> to vector<16xf32>
      %add3A_303 = arith.addf %mul3A_298, %get3A_302 : vector<16xf32>
      %mul3A_304 = arith.constant 0.159154937 : f32
      %mul3A_305 = vector.broadcast %mul3A_304 : f32 to vector<16xf32>
      %mul3A_306 = arith.mulf %add3A_303, %mul3A_305 : vector<16xf32>
      %ge3A_307 = arith.constant 0.000000e+00 : f32
      %ge3A_308 = vector.broadcast %ge3A_307 : f32 to vector<16xf32>
      %ge3A_309 = arith.cmpf oge, %mul3A_306, %ge3A_308 : vector<16xf32>
      %jit3A_310 = arith.constant 5.000000e-01 : f32
      %jit3A_311 = arith.constant -5.000000e-01 : f32
      %broadcast_in_dim3A_312 = vector.broadcast %jit3A_310 : f32 to vector<16xf32>
      %broadcast_in_dim3A_313 = vector.broadcast %jit3A_311 : f32 to vector<16xf32>
      %select_n3A_314 = arith.select %ge3A_309, %broadcast_in_dim3A_312, %broadcast_in_dim3A_313 : vector<16xi1>, vector<16xf32>
      %add3A_315 = arith.addf %mul3A_306, %select_n3A_314 : vector<16xf32>
      %convert_element_type3A_316 = arith.fptosi %add3A_315 : vector<16xf32> to vector<16xi32>
      %convert_element_type3A_317 = arith.sitofp %convert_element_type3A_316 : vector<16xi32> to vector<16xf32>
      %mul3A_318 = arith.constant 6.28318548 : f32
      %mul3A_319 = vector.broadcast %mul3A_318 : f32 to vector<16xf32>
      %mul3A_320 = arith.mulf %convert_element_type3A_317, %mul3A_319 : vector<16xf32>
      %sub3A_321 = arith.subf %add3A_303, %mul3A_320 : vector<16xf32>
      %mul3A_322 = arith.mulf %sub3A_321, %sub3A_321 : vector<16xf32>
      %mul3A_323 = arith.constant 1.35332676E-10 : f32
      %mul3A_324 = vector.broadcast %mul3A_323 : f32 to vector<16xf32>
      %mul3A_325 = arith.mulf %mul3A_324, %mul3A_322 : vector<16xf32>
      %add3A_326 = arith.constant -2.47016096E-8 : f32
      %add3A_327 = vector.broadcast %add3A_326 : f32 to vector<16xf32>
      %add3A_328 = arith.addf %mul3A_325, %add3A_327 : vector<16xf32>
      %mul3A_329 = arith.mulf %add3A_328, %mul3A_322 : vector<16xf32>
      %add3A_330 = arith.constant 2.75322918E-6 : f32
      %add3A_331 = vector.broadcast %add3A_330 : f32 to vector<16xf32>
      %add3A_332 = arith.addf %mul3A_329, %add3A_331 : vector<16xf32>
      %mul3A_333 = arith.mulf %add3A_332, %mul3A_322 : vector<16xf32>
      %add3A_334 = arith.constant -1.98403111E-4 : f32
      %add3A_335 = vector.broadcast %add3A_334 : f32 to vector<16xf32>
      %add3A_336 = arith.addf %mul3A_333, %add3A_335 : vector<16xf32>
      %mul3A_337 = arith.mulf %add3A_336, %mul3A_322 : vector<16xf32>
      %add3A_338 = arith.constant 0.00833331421 : f32
      %add3A_339 = vector.broadcast %add3A_338 : f32 to vector<16xf32>
      %add3A_340 = arith.addf %mul3A_337, %add3A_339 : vector<16xf32>
      %mul3A_341 = arith.mulf %add3A_340, %mul3A_322 : vector<16xf32>
      %add3A_342 = arith.constant -0.166666657 : f32
      %add3A_343 = vector.broadcast %add3A_342 : f32 to vector<16xf32>
      %add3A_344 = arith.addf %mul3A_341, %add3A_343 : vector<16xf32>
      %mul3A_345 = arith.mulf %add3A_344, %mul3A_322 : vector<16xf32>
      %add3A_346 = arith.constant 1.000000e+00 : f32
      %add3A_347 = vector.broadcast %add3A_346 : f32 to vector<16xf32>
      %add3A_348 = arith.addf %mul3A_345, %add3A_347 : vector<16xf32>
      %mul3A_349 = arith.mulf %add3A_348, %sub3A_321 : vector<16xf32>
      %get3A_350 = arith.index_cast %scan3A_170 : i32 to index
      %get3A_351 = arith.constant 0 : index
      %get3A_352 = tpu.vector_load %arg17[%get3A_350, %get3A_351] {strides = array<i32>} : memref<128x128xf32, #tpu.memory_space<vmem>>, vector<1x16xf32>,
      %get3A_353 = vector.shape_cast %get3A_352 : vector<1x16xf32> to vector<16xf32>
      %mul3A_354 = arith.mulf %mul3A_349, %get3A_353 : vector<16xf32>
      %get3A_355 = arith.index_cast %scan3A_170 : i32 to index
      %get3A_356 = arith.constant 64 : index
      %get3A_357 = tpu.vector_load %arg18[%get3A_355, %get3A_356] {strides = array<i32>} : memref<128x96xf32, #tpu.memory_space<vmem>>, vector<1x16xf32>,
      %get3A_358 = vector.shape_cast %get3A_357 : vector<1x16xf32> to vector<16xf32>
      %add3A_359 = arith.addf %mul3A_293, %get3A_358 : vector<16xf32>
      %sub3A_360 = arith.subf %add3A_359, %mul3A_354 : vector<16xf32>
      %abs3A_361 = math.absf %sub3A_360 : vector<16xf32>
      %add3A_362 = arith.addf %add3A_236, %abs3A_361 : vector<16xf32>
      %get3A_363 = arith.index_cast %scan3A_170 : i32 to index
      %get3A_364 = arith.constant 80 : index
      %get3A_365 = tpu.vector_load %arg14[%get3A_363, %get3A_364] {strides = array<i32>} : memref<128x128xf32, #tpu.memory_space<vmem>>, vector<1x16xf32>,
      %get3A_366 = vector.shape_cast %get3A_365 : vector<1x16xf32> to vector<16xf32>
      %mul3A_367 = arith.mulf %get3A_175, %get3A_366 : vector<16xf32>
      %get3A_368 = arith.index_cast %scan3A_170 : i32 to index
      %get3A_369 = arith.constant 112 : index
      %get3A_370 = tpu.vector_load %arg14[%get3A_368, %get3A_369] {strides = array<i32>} : memref<128x128xf32, #tpu.memory_space<vmem>>, vector<1x16xf32>,
      %get3A_371 = vector.shape_cast %get3A_370 : vector<1x16xf32> to vector<16xf32>
      %add3A_372 = arith.addf %mul3A_367, %get3A_371 : vector<16xf32>
      %mul3A_373 = arith.constant 0.159154937 : f32
      %mul3A_374 = vector.broadcast %mul3A_373 : f32 to vector<16xf32>
      %mul3A_375 = arith.mulf %add3A_372, %mul3A_374 : vector<16xf32>
      %ge3A_376 = arith.constant 0.000000e+00 : f32
      %ge3A_377 = vector.broadcast %ge3A_376 : f32 to vector<16xf32>
      %ge3A_378 = arith.cmpf oge, %mul3A_375, %ge3A_377 : vector<16xf32>
      %jit3A_379 = arith.constant 5.000000e-01 : f32
      %jit3A_380 = arith.constant -5.000000e-01 : f32
      %broadcast_in_dim3A_381 = vector.broadcast %jit3A_379 : f32 to vector<16xf32>
      %broadcast_in_dim3A_382 = vector.broadcast %jit3A_380 : f32 to vector<16xf32>
      %select_n3A_383 = arith.select %ge3A_378, %broadcast_in_dim3A_381, %broadcast_in_dim3A_382 : vector<16xi1>, vector<16xf32>
      %add3A_384 = arith.addf %mul3A_375, %select_n3A_383 : vector<16xf32>
      %convert_element_type3A_385 = arith.fptosi %add3A_384 : vector<16xf32> to vector<16xi32>
      %convert_element_type3A_386 = arith.sitofp %convert_element_type3A_385 : vector<16xi32> to vector<16xf32>
      %mul3A_387 = arith.constant 6.28318548 : f32
      %mul3A_388 = vector.broadcast %mul3A_387 : f32 to vector<16xf32>
      %mul3A_389 = arith.mulf %convert_element_type3A_386, %mul3A_388 : vector<16xf32>
      %sub3A_390 = arith.subf %add3A_372, %mul3A_389 : vector<16xf32>
      %mul3A_391 = arith.mulf %sub3A_390, %sub3A_390 : vector<16xf32>
      %mul3A_392 = arith.constant 1.35332676E-10 : f32
      %mul3A_393 = vector.broadcast %mul3A_392 : f32 to vector<16xf32>
      %mul3A_394 = arith.mulf %mul3A_393, %mul3A_391 : vector<16xf32>
      %add3A_395 = arith.constant -2.47016096E-8 : f32
      %add3A_396 = vector.broadcast %add3A_395 : f32 to vector<16xf32>
      %add3A_397 = arith.addf %mul3A_394, %add3A_396 : vector<16xf32>
      %mul3A_398 = arith.mulf %add3A_397, %mul3A_391 : vector<16xf32>
      %add3A_399 = arith.constant 2.75322918E-6 : f32
      %add3A_400 = vector.broadcast %add3A_399 : f32 to vector<16xf32>
      %add3A_401 = arith.addf %mul3A_398, %add3A_400 : vector<16xf32>
      %mul3A_402 = arith.mulf %add3A_401, %mul3A_391 : vector<16xf32>
      %add3A_403 = arith.constant -1.98403111E-4 : f32
      %add3A_404 = vector.broadcast %add3A_403 : f32 to vector<16xf32>
      %add3A_405 = arith.addf %mul3A_402, %add3A_404 : vector<16xf32>
      %mul3A_406 = arith.mulf %add3A_405, %mul3A_391 : vector<16xf32>
      %add3A_407 = arith.constant 0.00833331421 : f32
      %add3A_408 = vector.broadcast %add3A_407 : f32 to vector<16xf32>
      %add3A_409 = arith.addf %mul3A_406, %add3A_408 : vector<16xf32>
      %mul3A_410 = arith.mulf %add3A_409, %mul3A_391 : vector<16xf32>
      %add3A_411 = arith.constant -0.166666657 : f32
      %add3A_412 = vector.broadcast %add3A_411 : f32 to vector<16xf32>
      %add3A_413 = arith.addf %mul3A_410, %add3A_412 : vector<16xf32>
      %mul3A_414 = arith.mulf %add3A_413, %mul3A_391 : vector<16xf32>
      %add3A_415 = arith.constant 1.000000e+00 : f32
      %add3A_416 = vector.broadcast %add3A_415 : f32 to vector<16xf32>
      %add3A_417 = arith.addf %mul3A_414, %add3A_416 : vector<16xf32>
      %mul3A_418 = arith.mulf %add3A_417, %sub3A_390 : vector<16xf32>
      %get3A_419 = arith.index_cast %scan3A_170 : i32 to index
      %get3A_420 = arith.constant 16 : index
      %get3A_421 = tpu.vector_load %arg16[%get3A_419, %get3A_420] {strides = array<i32>} : memref<128x128xf32, #tpu.memory_space<vmem>>, vector<1x16xf32>,
      %get3A_422 = vector.shape_cast %get3A_421 : vector<1x16xf32> to vector<16xf32>
      %mul3A_423 = arith.mulf %mul3A_418, %get3A_422 : vector<16xf32>
      %get3A_424 = arith.index_cast %scan3A_170 : i32 to index
      %get3A_425 = arith.constant 80 : index
      %get3A_426 = tpu.vector_load %arg15[%get3A_424, %get3A_425] {strides = array<i32>} : memref<128x128xf32, #tpu.memory_space<vmem>>, vector<1x16xf32>,
      %get3A_427 = vector.shape_cast %get3A_426 : vector<1x16xf32> to vector<16xf32>
      %mul3A_428 = arith.mulf %get3A_175, %get3A_427 : vector<16xf32>
      %get3A_429 = arith.index_cast %scan3A_170 : i32 to index
      %get3A_430 = arith.constant 112 : index
      %get3A_431 = tpu.vector_load %arg15[%get3A_429, %get3A_430] {strides = array<i32>} : memref<128x128xf32, #tpu.memory_space<vmem>>, vector<1x16xf32>,
      %get3A_432 = vector.shape_cast %get3A_431 : vector<1x16xf32> to vector<16xf32>
      %add3A_433 = arith.addf %mul3A_428, %get3A_432 : vector<16xf32>
      %mul3A_434 = arith.constant 0.159154937 : f32
      %mul3A_435 = vector.broadcast %mul3A_434 : f32 to vector<16xf32>
      %mul3A_436 = arith.mulf %add3A_433, %mul3A_435 : vector<16xf32>
      %ge3A_437 = arith.constant 0.000000e+00 : f32
      %ge3A_438 = vector.broadcast %ge3A_437 : f32 to vector<16xf32>
      %ge3A_439 = arith.cmpf oge, %mul3A_436, %ge3A_438 : vector<16xf32>
      %jit3A_440 = arith.constant 5.000000e-01 : f32
      %jit3A_441 = arith.constant -5.000000e-01 : f32
      %broadcast_in_dim3A_442 = vector.broadcast %jit3A_440 : f32 to vector<16xf32>
      %broadcast_in_dim3A_443 = vector.broadcast %jit3A_441 : f32 to vector<16xf32>
      %select_n3A_444 = arith.select %ge3A_439, %broadcast_in_dim3A_442, %broadcast_in_dim3A_443 : vector<16xi1>, vector<16xf32>
      %add3A_445 = arith.addf %mul3A_436, %select_n3A_444 : vector<16xf32>
      %convert_element_type3A_446 = arith.fptosi %add3A_445 : vector<16xf32> to vector<16xi32>
      %convert_element_type3A_447 = arith.sitofp %convert_element_type3A_446 : vector<16xi32> to vector<16xf32>
      %mul3A_448 = arith.constant 6.28318548 : f32
      %mul3A_449 = vector.broadcast %mul3A_448 : f32 to vector<16xf32>
      %mul3A_450 = arith.mulf %convert_element_type3A_447, %mul3A_449 : vector<16xf32>
      %sub3A_451 = arith.subf %add3A_433, %mul3A_450 : vector<16xf32>
      %mul3A_452 = arith.mulf %sub3A_451, %sub3A_451 : vector<16xf32>
      %mul3A_453 = arith.constant 1.35332676E-10 : f32
      %mul3A_454 = vector.broadcast %mul3A_453 : f32 to vector<16xf32>
      %mul3A_455 = arith.mulf %mul3A_454, %mul3A_452 : vector<16xf32>
      %add3A_456 = arith.constant -2.47016096E-8 : f32
      %add3A_457 = vector.broadcast %add3A_456 : f32 to vector<16xf32>
      %add3A_458 = arith.addf %mul3A_455, %add3A_457 : vector<16xf32>
      %mul3A_459 = arith.mulf %add3A_458, %mul3A_452 : vector<16xf32>
      %add3A_460 = arith.constant 2.75322918E-6 : f32
      %add3A_461 = vector.broadcast %add3A_460 : f32 to vector<16xf32>
      %add3A_462 = arith.addf %mul3A_459, %add3A_461 : vector<16xf32>
      %mul3A_463 = arith.mulf %add3A_462, %mul3A_452 : vector<16xf32>
      %add3A_464 = arith.constant -1.98403111E-4 : f32
      %add3A_465 = vector.broadcast %add3A_464 : f32 to vector<16xf32>
      %add3A_466 = arith.addf %mul3A_463, %add3A_465 : vector<16xf32>
      %mul3A_467 = arith.mulf %add3A_466, %mul3A_452 : vector<16xf32>
      %add3A_468 = arith.constant 0.00833331421 : f32
      %add3A_469 = vector.broadcast %add3A_468 : f32 to vector<16xf32>
      %add3A_470 = arith.addf %mul3A_467, %add3A_469 : vector<16xf32>
      %mul3A_471 = arith.mulf %add3A_470, %mul3A_452 : vector<16xf32>
      %add3A_472 = arith.constant -0.166666657 : f32
      %add3A_473 = vector.broadcast %add3A_472 : f32 to vector<16xf32>
      %add3A_474 = arith.addf %mul3A_471, %add3A_473 : vector<16xf32>
      %mul3A_475 = arith.mulf %add3A_474, %mul3A_452 : vector<16xf32>
      %add3A_476 = arith.constant 1.000000e+00 : f32
      %add3A_477 = vector.broadcast %add3A_476 : f32 to vector<16xf32>
      %add3A_478 = arith.addf %mul3A_475, %add3A_477 : vector<16xf32>
      %mul3A_479 = arith.mulf %add3A_478, %sub3A_451 : vector<16xf32>
      %get3A_480 = arith.index_cast %scan3A_170 : i32 to index
      %get3A_481 = arith.constant 16 : index
      %get3A_482 = tpu.vector_load %arg17[%get3A_480, %get3A_481] {strides = array<i32>} : memref<128x128xf32, #tpu.memory_space<vmem>>, vector<1x16xf32>,
      %get3A_483 = vector.shape_cast %get3A_482 : vector<1x16xf32> to vector<16xf32>
      %mul3A_484 = arith.mulf %mul3A_479, %get3A_483 : vector<16xf32>
      %get3A_485 = arith.index_cast %scan3A_170 : i32 to index
      %get3A_486 = arith.constant 80 : index
      %get3A_487 = tpu.vector_load %arg18[%get3A_485, %get3A_486] {strides = array<i32>} : memref<128x96xf32, #tpu.memory_space<vmem>>, vector<1x16xf32>,
      %get3A_488 = vector.shape_cast %get3A_487 : vector<1x16xf32> to vector<16xf32>
      %add3A_489 = arith.addf %mul3A_423, %get3A_488 : vector<16xf32>
      %sub3A_490 = arith.subf %add3A_489, %mul3A_484 : vector<16xf32>
      %abs3A_491 = math.absf %sub3A_490 : vector<16xf32>
      %add3A_492 = arith.addf %add3A_362, %abs3A_491 : vector<16xf32>
      %slice3A = vector.extract_strided_slice %add3A_492 {offsets = [0], sizes = [1], strides = [1]} : vector<16xf32> to vector<1xf32>
      %squeeze3A = vector.extract %slice3A[0] : f32 from vector<1xf32>
      %slice3A_493 = vector.extract_strided_slice %add3A_492 {offsets = [1], sizes = [1], strides = [1]} : vector<16xf32> to vector<1xf32>
      %squeeze3A_494 = vector.extract %slice3A_493[0] : f32 from vector<1xf32>
      %slice3A_495 = vector.extract_strided_slice %add3A_492 {offsets = [2], sizes = [1], strides = [1]} : vector<16xf32> to vector<1xf32>
      %squeeze3A_496 = vector.extract %slice3A_495[0] : f32 from vector<1xf32>
      %slice3A_497 = vector.extract_strided_slice %add3A_492 {offsets = [3], sizes = [1], strides = [1]} : vector<16xf32> to vector<1xf32>
      %squeeze3A_498 = vector.extract %slice3A_497[0] : f32 from vector<1xf32>
      %slice3A_499 = vector.extract_strided_slice %add3A_492 {offsets = [4], sizes = [1], strides = [1]} : vector<16xf32> to vector<1xf32>
      %squeeze3A_500 = vector.extract %slice3A_499[0] : f32 from vector<1xf32>
      %slice3A_501 = vector.extract_strided_slice %add3A_492 {offsets = [5], sizes = [1], strides = [1]} : vector<16xf32> to vector<1xf32>
      %squeeze3A_502 = vector.extract %slice3A_501[0] : f32 from vector<1xf32>
      %slice3A_503 = vector.extract_strided_slice %add3A_492 {offsets = [6], sizes = [1], strides = [1]} : vector<16xf32> to vector<1xf32>
      %squeeze3A_504 = vector.extract %slice3A_503[0] : f32 from vector<1xf32>
      %slice3A_505 = vector.extract_strided_slice %add3A_492 {offsets = [7], sizes = [1], strides = [1]} : vector<16xf32> to vector<1xf32>
      %squeeze3A_506 = vector.extract %slice3A_505[0] : f32 from vector<1xf32>
      %slice3A_507 = vector.extract_strided_slice %add3A_492 {offsets = [8], sizes = [1], strides = [1]} : vector<16xf32> to vector<1xf32>
      %squeeze3A_508 = vector.extract %slice3A_507[0] : f32 from vector<1xf32>
      %slice3A_509 = vector.extract_strided_slice %add3A_492 {offsets = [9], sizes = [1], strides = [1]} : vector<16xf32> to vector<1xf32>
      %squeeze3A_510 = vector.extract %slice3A_509[0] : f32 from vector<1xf32>
      %slice3A_511 = vector.extract_strided_slice %add3A_492 {offsets = [10], sizes = [1], strides = [1]} : vector<16xf32> to vector<1xf32>
      %squeeze3A_512 = vector.extract %slice3A_511[0] : f32 from vector<1xf32>
      %slice3A_513 = vector.extract_strided_slice %add3A_492 {offsets = [11], sizes = [1], strides = [1]} : vector<16xf32> to vector<1xf32>
      %squeeze3A_514 = vector.extract %slice3A_513[0] : f32 from vector<1xf32>
      %slice3A_515 = vector.extract_strided_slice %add3A_492 {offsets = [12], sizes = [1], strides = [1]} : vector<16xf32> to vector<1xf32>
      %squeeze3A_516 = vector.extract %slice3A_515[0] : f32 from vector<1xf32>
      %slice3A_517 = vector.extract_strided_slice %add3A_492 {offsets = [13], sizes = [1], strides = [1]} : vector<16xf32> to vector<1xf32>
      %squeeze3A_518 = vector.extract %slice3A_517[0] : f32 from vector<1xf32>
      %slice3A_519 = vector.extract_strided_slice %add3A_492 {offsets = [14], sizes = [1], strides = [1]} : vector<16xf32> to vector<1xf32>
      %squeeze3A_520 = vector.extract %slice3A_519[0] : f32 from vector<1xf32>
      %slice3A_521 = vector.extract_strided_slice %add3A_492 {offsets = [15], sizes = [1], strides = [1]} : vector<16xf32> to vector<1xf32>
      %squeeze3A_522 = vector.extract %slice3A_521[0] : f32 from vector<1xf32>
      %add3A_523 = arith.addf %squeeze3A, %squeeze3A_494 : f32
      %add3A_524 = arith.addf %squeeze3A_496, %squeeze3A_498 : f32
      %add3A_525 = arith.addf %squeeze3A_500, %squeeze3A_502 : f32
      %add3A_526 = arith.addf %squeeze3A_504, %squeeze3A_506 : f32
      %add3A_527 = arith.addf %squeeze3A_508, %squeeze3A_510 : f32
      %add3A_528 = arith.addf %squeeze3A_512, %squeeze3A_514 : f32
      %add3A_529 = arith.addf %squeeze3A_516, %squeeze3A_518 : f32
      %add3A_530 = arith.addf %squeeze3A_520, %squeeze3A_522 : f32
      %add3A_531 = arith.addf %add3A_523, %add3A_524 : f32
      %add3A_532 = arith.addf %add3A_525, %add3A_526 : f32
      %add3A_533 = arith.addf %add3A_527, %add3A_528 : f32
      %add3A_534 = arith.addf %add3A_529, %add3A_530 : f32
      %add3A_535 = arith.addf %add3A_531, %add3A_532 : f32
      %add3A_536 = arith.addf %add3A_533, %add3A_534 : f32
      %add3A_537 = arith.addf %add3A_535, %add3A_536 : f32
      %sub3A_538 = arith.constant 1.200000e+01 : f32
      %sub3A_539 = arith.subf %sub3A_538, %add3A_537 : f32
      %and3A = arith.constant 15 : i32
      %and3A_540 = arith.andi %scan3A_170, %and3A : i32
      %eq3A = vector.broadcast %and3A_540 : i32 to vector<16xi32>
      %eq3A_541 = arith.cmpi eq, %iota3A_161, %eq3A : vector<16xi32>
      %broadcast_in_dim3A_542 = vector.broadcast %sub3A_539 : f32 to vector<16xf32>
      %select_n3A_543 = arith.select %eq3A_541, %broadcast_in_dim3A_542, %scan3A_171 : vector<16xi1>, vector<16xf32>
      %eq3A_544 = arith.constant 15 : i32
      %eq3A_545 = arith.cmpi eq, %and3A_540, %eq3A_544 : i32
      %convert_element_type3A_546 = arith.extui %eq3A_545 : i1 to i32
      %cond3A = arith.constant 0 : i32
      %cond3A_547 = arith.cmpi ne, %convert_element_type3A_546, %cond3A : i32
      scf.if %cond3A_547 {
        %add3A_548 = arith.constant 384 : i32
        %add3A_549 = arith.addi %add3A_548, %scan3A_170 : i32
        %sub3A_550 = arith.constant 15 : i32
        %sub3A_551 = arith.subi %add3A_549, %sub3A_550 : i32
        %swap3A = arith.index_cast %sub3A_551 : i32 to index
        %swap3A_552 = tpu.vector_load %arg19[%swap3A] {strides = array<i32>} : memref<512xf32, #tpu.memory_space<vmem>>, vector<16xf32>,
        %swap3A_553 = vector.shape_cast %swap3A_552 : vector<16xf32> to vector<16xf32>
        %swap3A_554 = vector.shape_cast %select_n3A_543 : vector<16xf32> to vector<16xf32>
        tpu.vector_store %arg19[%swap3A], %swap3A_554 {strides = array<i32>} : memref<512xf32, #tpu.memory_space<vmem>>, vector<16xf32>,
      } else {
      }
      scf.yield %select_n3A_543 : vector<16xf32>
    }
    %scan3A_169 = arith.constant 128 : i32
    "tpu.region"() ({
      %run_scoped3A = tpu.sem_alloc : memref<!tpu.dma_semaphore, #tpu.memory_space<semaphore_mem>>
      %dma_start3A_170 = tpu.memref_slice %arg9[%mul3A_2] : memref<16384xf32, #tpu.memory_space<hbm>> -> memref<512xf32, #tpu.memory_space<hbm>>
      %dma_start3A_171 = tpu.memref_slice %arg9[%mul3A_2] : memref<16384xf32, #tpu.memory_space<hbm>> -> memref<512xf32, #tpu.memory_space<hbm>>
      tpu.enqueue_dma source(%arg19 : memref<512xf32, #tpu.memory_space<vmem>>) target(%dma_start3A_171 : memref<512xf32, #tpu.memory_space<hbm>>) target_semaphore(%run_scoped3A : memref<!tpu.dma_semaphore, #tpu.memory_space<semaphore_mem>>)
      %dma_wait3A_172 = tpu.memref_slice %arg9[%mul3A_2] : memref<16384xf32, #tpu.memory_space<hbm>> -> memref<512xf32, #tpu.memory_space<hbm>>
      %dma_wait3A_173 = tpu.memref_slice %arg9[%mul3A_2] : memref<16384xf32, #tpu.memory_space<hbm>> -> memref<512xf32, #tpu.memory_space<hbm>>
      tpu.wait_dma2 semaphore(%run_scoped3A : memref<!tpu.dma_semaphore, #tpu.memory_space<semaphore_mem>>) src(%arg19 : memref<512xf32, #tpu.memory_space<vmem>>) dst(%dma_wait3A_173 : memref<512xf32, #tpu.memory_space<hbm>>)
      tpu.yield
    }) : () -> ()
    return
  }
}

</mosaic_0001>

<sc_bundles>
// kernel: kernel.3.cloned.1.call-start
scs
__scs_entry_jumppad:
0x0: {  	(pc) =	sbr.rel $0x88, $3  }
0x1: {  	(tag) =	ssettag $0x0;
	lr =	simm.s32 $0x1  }
0x2: {  	[smem:$0x3F9B] =	sst lr;
	_ =	strace $0xD0000000  }
0x3: {  	_ = 	snop  }
0x4: {  	_ = 	snop  }
0x5: {  	_ = 	snop  }
0x6: {  	_ = 	snop  }
0x7: {  	_ = 	snop  }
__scs_overlays_trampoline_lowered:
0x8: {  	[smem:$0x3FAA] =	sst s0  }
0x9: {  	[smem:$0x3FAB] =	sst s1  }
0xa: {  	[smem:$0x3FAC] =	sst s2  }
0xb: {  	[smem:$0x3FAD] =	sst s3  }
0xc: {  	[smem:$0x3FAE] =	sst s4  }
0xd: {  	[smem:$0x3FAF] =	sst s5  }
0xe: {  	[smem:$0x3FB0] =	sst s6  }
0xf: {  	[smem:$0x3FB1] =	sst s7  }
0x10: {  	[smem:$0x3FB2] =	sst s8  }
0x11: {  	[smem:$0x3FB3] =	sst s9;
	s0 =	simm.s32 @!p0 $0x0  }
0x12: {  	s1 =	sld [smem:$0x3F99];
	s0 =	simm.s32 @p0 $0x1  }
0x13: {  	[smem:$0x3FB4] =	sst s0;
	s0 =	simm.s32 @!p1 $0x0  }
0x14: {  	s2 =	sld [smem:$0x3F98];
	s0 =	simm.s32 @p1 $0x1  }
0x15: {  	[smem:$0x3FB5] =	sst s0;
	s0 =	simm.s32 @!p2 $0x0  }
0x16: {  	s3 =	sld [smem:$0x3FDB];
	s0 =	simm.s32 @p2 $0x1  }
0x17: {  	s4 =	simm.s32 $0x1BF5;
	[smem:$0x3FB7] =	sst s0  }
0x18: {  	s0 =	sld [smem:$0x3F9A];
	_ =	swait.ge [sflag:s4], $0x0  }
0x19: {  	s7 =	sld [smem:$0x3F9B]  }
0x1a: {  	s8 =	sadd.s32 $0xFFFFE003, lr  }
0x1b: {  	s9 =	sadd.s32 $0xFFFFFEF7, lr;
	s5 =	simm.s32 $0xFFFFFFFF;
	p2 =	slt.u32 s8, $0xFFFFF086  }
0x1c: {  	p1 =	slt.u32 s9, $0xF7A;
	s5 =	simm.s32 @!p2 $0x0  }
0x1d: {  	s5 =	simm.s32 @p1 $0x1;
	p0 =	seq.s32 s7, s2  }
0x1e: {  	s7 =	smul.u32 @!p0 $0xF7A, s2;
	p2 =	seq.s32 @!p0 s5, $0x0  }
0x1f: {  	s9 =	smul.u32 $0xF7A, s1;
	s8 =	simm.s32 @!p0 $0x1BF5;
	p2 =	por !p2, p0  }
0x20: {  	[sflag:s8] =	ssyncset.s32 @!p0 $0xFFFFF086;
	s6 =	sadd.s32 @!p0 s3, s7;
	s7 =	simm.s32 @!p0 $0x108  }
0x21: {  	s3 =	sadd.s32 s3, s9;
	s6 =	sadd.s32 @!p0 $0x88, s6;
	s7 =	simm.s32 @p2 $0x1082  }
0x22: {  	[simem:s7], [sflag:s8] =	dma.local @!p0 [hbm:s6], $0xF7A  }
0x23: {  	s9 =	sor.u32 $0xD0000000, s2;
	s6 =	simm.s32 $0x108;
	_ =	swait.ge @!p0 [sflag:s8], $0x0  }
0x24: {  	s3 =	sadd.s32 $0x88, s3;
	s6 =	simm.s32 @!p1 $0x1082;
	[sflag:s4] =	ssyncset.s32 $0xFFFFF086  }
0x25: {  	[simem:s6], [sflag:s4] =	dma.local [hbm:s3], $0xF7A  }
0x26: {  	[smem:$0x3F9B] =	sst s1;
	(tag) =	ssettag s2;
	_ =	strace s9  }
0x27: {  	s1 =	sld [smem:$0x3FAB]  }
0x28: {  	s2 =	sld [smem:$0x3FAC]  }
0x29: {  	s4 =	sld [smem:$0x3FAE]  }
0x2a: {  	p0 =	seq.s32 s5, $0x0;
	s5 =	sld [smem:$0x3FAF]  }
0x2b: {  	s6 =	sld [smem:$0x3FB0]  }
0x2c: {  	s7 =	sld [smem:$0x3FB1]  }
0x2d: {  	s3 =	simm.s32 $0x108;
	s8 =	sld [smem:$0x3FB2]  }
0x2e: {  	s3 =	simm.s32 @!p0 $0x1082;
	s9 =	sld [smem:$0x3FB3]  }
0x2f: {  	lr =	sadd.s32 s0, s3;
	s0 =	sld [smem:$0x3FAA]  }
0x30: {  	s3 =	sld [smem:$0x3FAD]  }
0x31: {  	[smem:$0x3FB6] =	sst s10  }
0x32: {  	s10 =	sld [smem:$0x3FB4];
	_ =	sdelay $0x3  }
0x33: {  	p0 =	seq.s32 s10, $0x1;
	s10 =	sld [smem:$0x3FB6];
	_ =	sdelay $0x3  }
0x34: {  	[smem:$0x3FB6] =	sst s10  }
0x35: {  	s10 =	sld [smem:$0x3FB5];
	_ =	sdelay $0x3  }
0x36: {  	p1 =	seq.s32 s10, $0x1;
	s10 =	sld [smem:$0x3FB6];
	_ =	sdelay $0x3  }
0x37: {  	[smem:$0x3FB6] =	sst s10  }
0x38: {  	s10 =	sld [smem:$0x3FB7]  }
0x39: {  	_ = 	snop;
	(pc) =	sbr.ind lr, $3  }
0x3a: {  	_ = 	snop  }
0x3b: {  	_ = 	snop  }
0x3c: {  	p2 =	seq.s32 s10, $0x1;
	s10 =	sld [smem:$0x3FB6]  }
0x3d: {  	_ =	shalt  }
0x3e: {  	_ =	shalt  }
0x3f: {  	_ =	shalt  }
0x40: {  	_ =	shalt  }
0x41: {  	_ =	shalt  }
0x42: {  	_ =	shalt  }
0x43: {  	_ =	shalt  }
0x44: {  	_ =	shalt  }
0x45: {  	_ =	shalt  }
0x46: {  	_ =	shalt  }
0x47: {  	_ =	shalt  }
0x48: {  	_ =	shalt  }
0x49: {  	_ =	shalt  }
0x4a: {  	_ =	shalt  }
0x4b: {  	_ =	shalt  }
0x4c: {  	_ =	shalt  }
0x4d: {  	_ =	shalt  }
0x4e: {  	_ =	shalt  }
0x4f: {  	_ =	shalt  }
0x50: {  	_ =	shalt  }
0x51: {  	_ =	shalt  }
0x52: {  	_ =	shalt  }
0x53: {  	_ =	shalt  }
0x54: {  	_ =	shalt  }
0x55: {  	_ =	shalt  }
0x56: {  	_ =	shalt  }
0x57: {  	_ =	shalt  }
0x58: {  	_ =	shalt  }
0x59: {  	_ =	shalt  }
0x5a: {  	_ =	shalt  }
0x5b: {  	_ =	shalt  }
0x5c: {  	_ =	shalt  }
0x5d: {  	_ =	shalt  }
0x5e: {  	_ =	shalt  }
0x5f: {  	_ =	shalt  }
0x60: {  	_ =	shalt  }
0x61: {  	_ =	shalt  }
0x62: {  	_ =	shalt  }
0x63: {  	_ =	shalt  }
0x64: {  	_ =	shalt  }
0x65: {  	_ =	shalt  }
0x66: {  	_ =	shalt  }
0x67: {  	_ =	shalt  }
0x68: {  	_ =	shalt  }
0x69: {  	_ =	shalt  }
0x6a: {  	_ =	shalt  }
0x6b: {  	_ =	shalt  }
0x6c: {  	_ =	shalt  }
0x6d: {  	_ =	shalt  }
0x6e: {  	_ =	shalt  }
0x6f: {  	_ =	shalt  }
0x70: {  	_ =	shalt  }
0x71: {  	_ =	shalt  }
0x72: {  	_ =	shalt  }
0x73: {  	_ =	shalt  }
0x74: {  	_ =	shalt  }
0x75: {  	_ =	shalt  }
0x76: {  	_ =	shalt  }
0x77: {  	_ =	shalt  }
0x78: {  	_ =	shalt  }
0x79: {  	_ =	shalt  }
0x7a: {  	_ =	shalt  }
0x7b: {  	_ =	shalt  }
0x7c: {  	_ =	shalt  }
0x7d: {  	_ =	shalt  }
0x7e: {  	_ =	shalt  }
0x7f: {  	_ =	shalt  }
0x80: {  	_ =	shalt  }
0x81: {  	_ =	shalt  }
0x82: {  	_ =	shalt  }
0x83: {  	_ =	shalt  }
0x84: {  	_ =	shalt  }
0x85: {  	_ =	shalt  }
0x86: {  	_ =	shalt  }
0x87: {  	_ =	shalt  }
.Lfunc_end0:
.L_simem_size_0:
called_computation_lowered:
.L_overlay_start_0:
0x88: {  	s2 =	sld [smem:$0x3FD9]  }
0x89: {  	s3 =	sld [smem:$0x3FFE];
	_ =	sdelay $0x1  }
0x8a: {  	s1 =	srdreg.scid  }
0x8b: {  	s0 =	sand.u32 $0x1, s1  }
0x8c: {  	s17 =	sshll.u32 s0, $0xA;
	s2 =	sadd.s32 s3, s2  }
0x8d: {  	s2 =	sadd.s32 s2, s17  }
0x8e: {  	[smem:$0x3FC2] =	sst s2  }
0x8f: {  	_ = 	snop  }
0x90: {  	s2 =	sld [smem:$0x3FD0];
	(tm) =	ssettm $0x1  }
0x91: {  	s18 =	sld [smem:$0x3FFB];
	_ =	sdelay $0x3  }
0x92: {  	_ =	strace s18  }
0x93: {  	s3 =	sld [smem:$0x3FFC];
	_ =	sdelay $0x3  }
0x94: {  	_ =	strace s3  }
0x95: {  	s3 =	sld [smem:$0x3FFD];
	_ =	sdelay $0x3  }
0x96: {  	_ =	strace s3  }
0x97: {  	_ =	strace $0x8FFFFFFF  }
0x98: {  	s19 =	sld [smem:$0x3FDB];
	_ =	sdelay $0x1  }
0x99: {  	s4 =	simm.s32 $_scs_section_size  }
0x9a: {  	s5 =	simm.s32 $_size__tile_overlayer_lowered;
	s6 =	simm.s32 $_tile_overlayer_lowered  }
0x9b: {  	s22 =	simm.s32 $0x1BFF;
	s21 =	sshll.u32 s6, $0x1;
	s3 =	sadd.s32 s4, s19  }
0x9c: {  	s7 =	simm.s32 $0x0;
	s20 =	sshll.u32 s5, $0x1;
	s5 =	sadd.s32 s21, s3  }
0x9d: {  	[timem:s7], [sflag:s22] =	dma.local [hbm:s5], s20  }
0x9e: {  	_ =	swait.ge [sflag:s22], s20  }
0x9f: {  	s4 =	ssub.s32 $0x0, s20;
	[sflag:s22] =	ssyncset.done $0x0  }
0xa0: {  	[sflag:s22] =	ssyncadd.s32 s4;
	_ =	sdelay $0x1  }
0xa1: {  	s23 =	simm.s32 $0x1B8B  }
0xa2: {  	_ =	swait.ge [sflag:s23], $0x1  }
0xa3: {  	[sflag:s23] =	ssyncset.done $0x0  }
0xa4: {  	s25 =	simm.s32 $0x1B8E;
	s24 =	sld [smem:$0x3FFE];
	[sflag:s23] =	ssyncadd.s32 $0xFFFFFFFF  }
0xa5: {  	s26 =	simm.s32 $execute0_lowered;
	[smem:$0x3FD2] =	sst s25  }
0xa6: {  	s5 =	sshll.u32 s26, $0x1;
	_ =	strace $0x80000046;
	[dreg:$0x1] =	wrdreg $0xFFFFFFFF  }
0xa7: {  	s28 =	simm.s32 $_size_execute0_lowered;
	s3 =	sadd.s32 s3, s5;
	[dreg:$0x0] =	wrdreg $0x0  }
0xa8: {  	s5 =	sshll.u32 s28, $0x1;
	[dreg:$0x2] =	wrdreg s3  }
0xa9: {  	[dreg:$0x3] =	wrdreg s5  }
0xaa: {  	[dreg:$0x4] =	wrdreg $0xC0  }
0xab: {  	_ =	task [dreg:s7], $0x5FFFF  }
0xac: {  	[dreg:$0x1] =	wrdreg $0xFFFFFFFF  }
0xad: {  	[dreg:$0x0] =	wrdreg $0x60  }
0xae: {  	[dreg:$0x2] =	wrdreg s24  }
0xaf: {  	[dreg:$0x3] =	wrdreg s2  }
0xb0: {  	[dreg:$0x4] =	wrdreg $0x9  }
0xb1: {  	_ =	task.clear_ibuf [dreg:s7], $0x5FFFF;
	_ =	strace $0x90000046  }
0xb2: {  	s29 =	simm.s32 $0x9;
	_ =	strace $0x80000048  }
0xb3: {  	_ =	swait.ge [sflag:s29], $0x1  }
0xb4: {  	[sflag:s29] =	ssyncadd.s32 $0xFFFFFFFF  }
0xb5: {  	_ =	strace $0x90000048  }
0xb6: {  	_ =	sfence  }
0xb7: {  	s30 =	sld [smem:$0x0];
	_ =	sdelay $0x2  }
0xb8: {  	s31 =	sshll.u32 s1, $0xD;
	s1 =	sshrl.u32 s1, $0x2  }
0xb9: {  	s3 =	sand.u32 $0x4000, s31;
	s1 =	sadd.s32 s1, s30  }
0xba: {  	s0 =	sor.u32 s3, s0;
	s1 =	sshll.u32 s1, $0x11  }
0xbb: {  	s0 =	sor.u32 s1, s0  }
0xbc: {  	s0 =	sadd.s32 $0x8F2B, s0  }
0xbd: {  	[sflag:s0] =	ssyncadd.remote.s32 $0x1  }
0xbe: {  	_ =	sfence.sel $0xFFFF  }
0xbf: {  	[dreg:$0x0] =	wrdreg $0xFFFFFFFF;
	(pc) =	sbr.abs _section_cstart, $3  }
0xc0: {  	[dreg:$0x1] =	wrdreg $0xFFFFFFFF  }
0xc1: {  	_ =	task.clear_ibuf [dreg:s7], $0x2FFFF;
	_ =	strace $0x9FFFFFFF  }
0xc2: {  	(tm) =	ssettm $0x7FFFFFFF  }
0xc3: {  	_ =	shalt  }
tec
execute0_lowered:
.L_overlay_start_1:
0x0: {  	(tag) =	ssettag $0x1  }
0x1: {  	s0 =	rddreg [dreg:$0x0]  }
0x2: {  	s2 =	rddreg [dreg:$0x1];
	s1 =	simm.s32 $0x0  }
0x3: {  	s4 =	srdreg.scid;
	s5 =	stileid.u32;
	s28 =	simm.s32 $0x980  }
0x4: {  	s29 =	simm.s32 $0x4980;
	[smem:$0x7FF] =	sst s1;
	s6 =	sadd.s32 $0x3800, s0  }
0x5: {  	s7 =	sadd.s32 $0x3000, s0;
	s8 =	sadd.s32 $0x2800, s0;
	s9 =	sadd.s32 $0x4000, s0  }
0x6: {  	s3 =	sadd.s32 $0x49FE00, s0;
	s10 =	sand.u32 $0x1, s4;
	s4 =	sadd.s32 $0x629800, s0  }
0x7: {  	s12 =	sshll.u32 s5, $0x1;
	s5 =	sadd.s32 $0x626800, s0;
	s11 =	ssub.s32 $0x2, s10  }
0x8: {  	_ =	strace $0x80000047;
	s10 =	sor.u32 s10, s12;
	s21 =	sshrl.u32 s11, $0x1  }
0x9: {  	s22 =	sshll.u32 s10, $0x9;
	s12 =	sshll.u32 s10, $0x6;
	s10 =	sshll.u32 s10, $0xA  }
0xa: {  	s0 =	ssub.s32 s11, s21;
	s13 =	sadd.s32 s6, s12;
	s23 =	sadd.s32 s8, s12  }
0xb: {  	s19 =	sor.u32 $0x80, s22;
	s20 =	sor.u32 $0x100, s22;
	[dreg:$0x3] =	wrdreg s13  }
0xc: {  	s11 =	sor.u32 $0x180, s22;
	s22 =	sadd.s32 s7, s12;
	[dreg:$0x4] =	wrdreg s23  }
0xd: {  	s24 =	sshrl.u32 s19, $0x3;
	[dreg:$0xe] =	wrdreg s22;
	s23 =	sadd.s32 s9, s10  }
0xe: {  	s30 =	simm.s32 $0x8980;
	s14 =	sadd.s32 s6, s24;
	[dreg:$0xf] =	wrdreg s23  }
0xf: {  	s31 =	simm.s32 $0xC980;
	s25 =	sadd.s32 s8, s24;
	[dreg:$0x5] =	wrdreg s14  }
0x10: {  	s26 =	sshrl.u32 s20, $0x3;
	s13 =	sadd.s32 s7, s24;
	[dreg:$0x6] =	wrdreg s25  }
0x11: {  	s22 =	sadd.s32 s2, s12;
	s15 =	sadd.s32 s6, s26;
	[dreg:$0x7] =	wrdreg s13  }
0x12: {  	s2 =	simm.s32 $0x1;
	s16 =	sadd.s32 s8, s26;
	[dreg:$0x8] =	wrdreg s15  }
0x13: {  	s17 =	sadd.s32 s7, s26;
	[dreg:$0x9] =	wrdreg s16;
	s16 =	sshrl.u32 s11, $0x3  }
0x14: {  	s24 =	sshll.u32 s19, $0x1;
	[dreg:$0xa] =	wrdreg s17;
	s6 =	sadd.s32 s6, s16  }
0x15: {  	s26 =	sshll.u32 s11, $0x1;
	s18 =	sadd.s32 s8, s16;
	[dreg:$0xb] =	wrdreg s6  }
0x16: {  	s23 =	smax.u32 s0, $0x1;
	s21 =	sadd.s32 s7, s16;
	[dreg:$0xc] =	wrdreg s18  }
0x17: {  	s0 =	simm.s32 $0x10980;
	s25 =	sshll.u32 s20, $0x1;
	[dreg:$0xd] =	wrdreg s21  }
0x18: {  	s6 =	sadd.s32 s9, s24;
	s21 =	sadd.s32 s9, s26;
	s24 =	simm.s32 $0x2  }
0x19: {  	s26 =	simm.s32 $0x100;
	[dreg:$0x10] =	wrdreg s6;
	s6 =	sadd.s32 s9, s25  }
0x1a: {  	v0 =	vimm.f32 $-5.000000000e-01;
	v1 =	vlaneseq.u32;
	s25 =	simm.s32 $0x80;
	[dreg:$0x11] =	wrdreg s6;
	s6 =	simm.s32 $0x0  }
.LBB2_1:
0x1b: {  	s7 =	rddreg [dreg:$0x3]  }
0x1c: {  	[tilespmem:s1], [sflag:$0x2] =	stream.linear.gather [hbm4b:s7+s1], $0x80, $0x38;
	[tilespmem:$0x13B80] =	vst v63  }
0x1d: {  	_ =	swait.ge [sflag:s24], $0x80  }
0x1e: {  	[sflag:s24] =	ssyncset.done $0x0  }
0x1f: {  	s18 =	rddreg [dreg:$0x4];
	[sflag:s24] =	ssyncadd.s32 $0xFFFFFF80  }
0x20: {  	[tilespmem:s25], [sflag:$0x2] =	stream.linear.gather [hbm4b:s18+s1], $0x80, $0x38;
	[tilespmem:$0x13B80] =	vst v63  }
0x21: {  	_ =	swait.ge [sflag:s24], $0x80  }
0x22: {  	[sflag:s24] =	ssyncset.done $0x0  }
0x23: {  	s19 =	rddreg [dreg:$0xe];
	[sflag:s24] =	ssyncadd.s32 $0xFFFFFF80  }
0x24: {  	[tilespmem:s26], [sflag:$0x2] =	stream.linear.gather [hbm4b:s19+s1], $0x80, $0x38;
	[tilespmem:$0x13B80] =	vst v63  }
0x25: {  	_ =	swait.ge [sflag:s24], $0x80  }
0x26: {  	[sflag:s24] =	ssyncset.done $0x0  }
0x27: {  	s7 =	simm.s32 $0x180;
	s8 =	rddreg [dreg:$0xf];
	[sflag:s24] =	ssyncadd.s32 $0xFFFFFF80  }
0x28: {  	[tilespmem:s7], [sflag:$0x2] =	stream.linear.gather [hbm4b:s8+s1], $0x800, $0x38;
	[tilespmem:$0x13B80] =	vst v63  }
0x29: {  	_ =	swait.ge [sflag:s24], $0x800  }
0x2a: {  	[sflag:s24] =	ssyncset.done $0x0  }
0x2b: {  	[sflag:s24] =	ssyncadd.s32 $0xFFFFF800  }
0x2c: {  	[tilespmem:s28], [sflag:$0x1] =	stream.indirect.gather [hbm4b:s3+s25], $0x80, s1, s25, $0xb8;
	[tilespmem:$0x13B80] =	vst v63  }
0x2d: {  	_ = 	snop  }
0x2e: {  	[tilespmem:s29], [sflag:$0x1] =	stream.indirect.gather [hbm4b:s3+s25], $0x80, s25, s25, $0xb8;
	[tilespmem:$0x13B80] =	vst v63  }
0x2f: {  	_ = 	snop  }
0x30: {  	[tilespmem:s30], [sflag:$0x1] =	stream.indirect.gather [hbm4b:s4+s25], $0x80, s1, s25, $0xb8;
	[tilespmem:$0x13B80] =	vst v63  }
0x31: {  	_ = 	snop  }
0x32: {  	[tilespmem:s31], [sflag:$0x1] =	stream.indirect.gather [hbm4b:s4+s25], $0x80, s25, s25, $0xb8;
	[tilespmem:$0x13B80] =	vst v63  }
0x33: {  	_ = 	snop  }
0x34: {  	[tilespmem:s0], [sflag:$0x1] =	stream.indirect.gather [hbm4b:s5+s25], $0x60, s26, s25, $0xb8;
	[tilespmem:$0x13B80] =	vst v63  }
0x35: {  	_ =	swait.ge [sflag:s2], $0x4000  }
0x36: {  	[sflag:s2] =	ssyncset.done $0x0  }
0x37: {  	[sflag:s2] =	ssyncadd.s32 $0xFFFFC000  }
0x38: {  	_ =	swait.ge [sflag:s2], $0x4000  }
0x39: {  	[sflag:s2] =	ssyncset.done $0x0  }
0x3a: {  	[sflag:s2] =	ssyncadd.s32 $0xFFFFC000  }
0x3b: {  	_ =	swait.ge [sflag:s2], $0x4000  }
0x3c: {  	[sflag:s2] =	ssyncset.done $0x0  }
0x3d: {  	[sflag:s2] =	ssyncadd.s32 $0xFFFFC000  }
0x3e: {  	_ =	swait.ge [sflag:s2], $0x4000  }
0x3f: {  	[sflag:s2] =	ssyncset.done $0x0  }
0x40: {  	[sflag:s2] =	ssyncadd.s32 $0xFFFFC000  }
0x41: {  	_ =	swait.ge [sflag:s2], $0x3000  }
0x42: {  	[sflag:s2] =	ssyncset.done $0x0  }
0x43: {  	s9 =	simm.s32 $0x0;
	[sflag:s2] =	ssyncadd.s32 $0xFFFFD000  }
0x44: {  	v2 =	vld [tilespmem:s9+$0x49F0]  }
0x45: {  	v3 =	vld [tilespmem:s9+$0x49D0]  }
0x46: {  	v4 =	vld [tilespmem:s9+$0x49E0]  }
0x47: {  	v5 =	vld [tilespmem:s9+$0x49C0]  }
0x48: {  	v6 =	vld [tilespmem:s7+$0x0]  }
0x49: {  	v7 =	vld [tilespmem:s9+$0x9C0]  }
0x4a: {  	v8 =	vld [tilespmem:s9+$0x9D0]  }
0x4b: {  	v9 =	vld [tilespmem:s9+$0x9E0]  }
0x4c: {  	v10 =	vld [tilespmem:s9+$0x9F0]  }
0x4d: {  	v3 =	vmul.f32 v3, v6  }
0x4e: {  	v7 =	vmul.f32 v7, v6;
	v5 =	vmul.f32 v5, v6  }
0x4f: {  	v6 =	vmul.f32 v8, v6;
	v2 =	vadd.f32 v2, v3  }
0x50: {  	v3 =	vadd.f32 v9, v7;
	v4 =	vadd.f32 v4, v5  }
0x51: {  	v28 =	vadd.f32 v10, v6;
	v29 =	vmul.f32 $1.591549370e-01, v2  }
0x52: {  	v7 =	vmul.f32 $1.591549370e-01, v3;
	v30 =	vmul.f32 $1.591549370e-01, v4  }
0x53: {  	v31 =	vmul.f32 $1.591549370e-01, v28  }
0x54: {  	vm0 =	vge.f32 v7, $0.0e+00;
	vm1 =	vge.f32 v30, $0.0e+00;
	vm2 =	vge.f32 v29, $0.0e+00  }
0x55: {  	vm14 =	vge.f32 v31, $0.0e+00;
	v32 =	vsel vm0, $0x3F000000, v0;
	v11 =	vsel vm2, $0x3F000000, v0  }
0x56: {  	v33 =	vsel vm1, $0x3F000000, v0;
	v7 =	vadd.f32 v32, v7;
	v6 =	vadd.f32 v11, v29  }
0x57: {  	v34 =	vsel vm14, $0x3F000000, v0;
	v8 =	vadd.f32 v33, v30  }
0x58: {  	v9 =	vadd.f32 v34, v31;
	v7 =	vtrunc.f32 v7;
	v6 =	vtrunc.f32 v6  }
0x59: {  	v8 =	vtrunc.f32 v8;
	v7 =	vcvt.f32.s32 v7  }
0x5a: {  	v9 =	vtrunc.f32 v9;
	v8 =	vcvt.f32.s32 v8  }
0x5b: {  	v9 =	vcvt.f32.s32 v9;
	v7 =	vcvt.s32.f32 v7  }
0x5c: {  	v6 =	vcvt.f32.s32 v6;
	v8 =	vcvt.s32.f32 v8  }
0x5d: {  	v9 =	vcvt.s32.f32 v9;
	v7 =	vmul.f32 $6.283185480e+00, v7  }
0x5e: {  	v6 =	vcvt.s32.f32 v6;
	v8 =	vmul.f32 $6.283185480e+00, v8  }
0x5f: {  	v35 =	vmul.f32 $6.283185480e+00, v9;
	v3 =	vsub.f32 v3, v7  }
0x60: {  	v6 =	vmul.f32 $6.283185480e+00, v6;
	v4 =	vsub.f32 v4, v8  }
0x61: {  	v5 =	vsub.f32 v28, v35;
	v36 =	vmul.f32 v3, v3  }
0x62: {  	v2 =	vsub.f32 v2, v6;
	v37 =	vmul.f32 v4, v4  }
0x63: {  	v39 =	vmul.f32 v5, v5;
	v38 =	vmul.f32 $1.353326760e-10, v36  }
0x64: {  	v41 =	vmul.f32 v2, v2;
	v40 =	vmul.f32 $1.353326760e-10, v37  }
0x65: {  	v12 =	vmul.f32 $1.353326760e-10, v39;
	v6 =	vadd.f32 $-2.470160960e-08, v38  }
0x66: {  	v13 =	vmul.f32 $1.353326760e-10, v41;
	v10 =	vadd.f32 $-2.470160960e-08, v40  }
0x67: {  	v12 =	vadd.f32 $-2.470160960e-08, v12;
	v6 =	vmul.f32 v6, v36  }
0x68: {  	v13 =	vadd.f32 $-2.470160960e-08, v13;
	v10 =	vmul.f32 v10, v37  }
0x69: {  	v12 =	vmul.f32 v12, v39;
	v6 =	vadd.f32 $2.753229180e-06, v6  }
0x6a: {  	s8 =	simm.s32 $0x109B0;
	v13 =	vmul.f32 v13, v41;
	v10 =	vadd.f32 $2.753229180e-06, v10  }
0x6b: {  	v15 =	vld [tilespmem:s8+$0x0];
	v12 =	vadd.f32 $2.753229180e-06, v12;
	v6 =	vmul.f32 v6, v36  }
0x6c: {  	v16 =	vld [tilespmem:s9+$0x9B0];
	v13 =	vadd.f32 $2.753229180e-06, v13;
	v10 =	vmul.f32 v10, v37  }
0x6d: {  	v18 =	vld [tilespmem:s8+$0xFFFFFFF0];
	v12 =	vmul.f32 v12, v39;
	v6 =	vadd.f32 $-1.984031110e-04, v6  }
0x6e: {  	v19 =	vld [tilespmem:s9+$0x9A0];
	v13 =	vmul.f32 v13, v41;
	v10 =	vadd.f32 $-1.984031110e-04, v10  }
0x6f: {  	v20 =	vld [tilespmem:s8+$0xFFFFFFE0];
	v12 =	vadd.f32 $-1.984031110e-04, v12;
	v6 =	vmul.f32 v6, v36  }
0x70: {  	v21 =	vld [tilespmem:s9+$0x990];
	v13 =	vadd.f32 $-1.984031110e-04, v13;
	v10 =	vmul.f32 v10, v37  }
0x71: {  	v22 =	vld [tilespmem:s8+$0xFFFFFFD0];
	v12 =	vmul.f32 v12, v39;
	v6 =	vadd.f32 $8.333314210e-03, v6  }
0x72: {  	v23 =	vld [tilespmem:s9+$0x980];
	v13 =	vmul.f32 v13, v41;
	v10 =	vadd.f32 $8.333314210e-03, v10  }
0x73: {  	v14 =	vld [tilespmem:s9+$0x49B0];
	v12 =	vadd.f32 $8.333314210e-03, v12;
	v6 =	vmul.f32 v6, v36  }
0x74: {  	v17 =	vld [tilespmem:s9+$0x49A0];
	v15 =	vadd.f32 v15, v16;
	v13 =	vadd.f32 $8.333314210e-03, v13;
	v10 =	vmul.f32 v10, v37  }
0x75: {  	v43 =	vld [tilespmem:s9+$0x4980];
	v18 =	vadd.f32 v18, v19;
	v12 =	vmul.f32 v12, v39;
	v6 =	vadd.f32 $-1.666666570e-01, v6  }
0x76: {  	v42 =	vld [tilespmem:s9+$0x4990];
	v47 =	vadd.f32 v20, v21;
	v13 =	vmul.f32 v13, v41;
	v10 =	vadd.f32 $-1.666666570e-01, v10  }
0x77: {  	v46 =	vld [tilespmem:s9+$0x8990];
	v50 =	vadd.f32 v22, v23;
	v45 =	vadd.f32 $-1.666666570e-01, v12;
	v6 =	vmul.f32 v6, v36  }
0x78: {  	v48 =	vld [tilespmem:s9+$0x8980];
	v14 =	vsub.f32 v15, v14;
	v49 =	vadd.f32 $-1.666666570e-01, v13;
	v7 =	vmul.f32 v10, v37  }
0x79: {  	v51 =	vld [tilespmem:s8+$0x10];
	v44 =	vsub.f32 v18, v17;
	v8 =	vmul.f32 v45, v39;
	v6 =	vadd.f32 $1.000000000e+00, v6  }
0x7a: {  	v53 =	vld [tilespmem:s9+$0xC980];
	v54 =	vsub.f32 v50, v43;
	v10 =	vmul.f32 v49, v41;
	v7 =	vadd.f32 $1.000000000e+00, v7  }
0x7b: {  	v56 =	vld [tilespmem:s8+$0x20];
	v52 =	vsub.f32 v47, v42;
	v55 =	vadd.f32 $1.000000000e+00, v8;
	v3 =	vmul.f32 v6, v3  }
0x7c: {  	v58 =	vld [tilespmem:s9+$0xC990];
	v11 =	vand.u32 $0x7FFFFFFF, v54;
	v57 =	vadd.f32 $1.000000000e+00, v10;
	v4 =	vmul.f32 v7, v4  }
0x7d: {  	v9 =	vand.u32 $0x7FFFFFFF, v52;
	v5 =	vmul.f32 v55, v5;
	v3 =	vmul.f32 v3, v48  }
0x7e: {  	v60 =	vand.u32 $0x7FFFFFFF, v44;
	v59 =	vadd.f32 v9, v11;
	v2 =	vmul.f32 v57, v2  }
0x7f: {  	v4 =	vmul.f32 v4, v53;
	v5 =	vmul.f32 v5, v46;
	v3 =	vadd.f32 v3, v51  }
0x80: {  	v61 =	vand.u32 $0x7FFFFFFF, v14;
	v6 =	vadd.f32 v60, v59  }
0x81: {  	v2 =	vmul.f32 v2, v58;
	v62 =	vadd.f32 v5, v56;
	v3 =	vsub.f32 v3, v4  }
0x82: {  	v63 =	vadd.f32 v61, v6  }
0x83: {  	v2 =	vsub.f32 v62, v2;
	v3 =	vand.u32 $0x7FFFFFFF, v3  }
0x84: {  	v3 =	vadd.f32 v3, v63  }
0x85: {  	v2 =	vand.u32 $0x7FFFFFFF, v2  }
0x86: {  	v2 =	vadd.f32 v2, v3;
	_ =	sdelay $0x1  }
0x87: {  	(v2sf) =	vpush v2, $0x0  }
0x88: {  	(v2sf) =	vpush v2, $0x1  }
0x89: {  	(v2sf) =	vpush v2, $0x2  }
0x8a: {  	(v2sf) =	vpush v2, $0x3  }
0x8b: {  	(v2sf) =	vpush v2, $0x4  }
0x8c: {  	(v2sf) =	vpush v2, $0x5  }
0x8d: {  	(v2sf) =	vpush v2, $0x6  }
0x8e: {  	(v2sf) =	vpush v2, $0x7  }
0x8f: {  	(v2sf) =	vpush v2, $0x8  }
0x90: {  	(v2sf) =	vpush v2, $0x9  }
0x91: {  	(v2sf) =	vpush v2, $0xA  }
0x92: {  	(v2sf) =	vpush v2, $0xB  }
0x93: {  	(v2sf) =	vpush v2, $0xC  }
0x94: {  	(v2sf) =	vpush v2, $0xD  }
0x95: {  	(v2sf) =	vpush v2, $0xE  }
0x96: {  	s20 =	spop (v2sf);
	(v2sf) =	vpush v2, $0xF  }
0x97: {  	s10 =	spop (v2sf)  }
0x98: {  	s11 =	spop (v2sf)  }
0x99: {  	s12 =	spop (v2sf)  }
0x9a: {  	s13 =	spop (v2sf)  }
0x9b: {  	s14 =	spop (v2sf)  }
0x9c: {  	s15 =	spop (v2sf)  }
0x9d: {  	s9 =	sadd.f32 s10, s20;
	s16 =	spop (v2sf)  }
0x9e: {  	s11 =	sadd.f32 s12, s11;
	s17 =	spop (v2sf)  }
0x9f: {  	s13 =	sadd.f32 s14, s13;
	s18 =	spop (v2sf)  }
0xa0: {  	s9 =	sadd.f32 s11, s9;
	s12 =	spop (v2sf)  }
0xa1: {  	s15 =	sadd.f32 s16, s15;
	s19 =	spop (v2sf)  }
0xa2: {  	s10 =	sadd.f32 s18, s17;
	s20 =	spop (v2sf)  }
0xa3: {  	s12 =	sadd.f32 s19, s12;
	s18 =	spop (v2sf)  }
0xa4: {  	s19 =	spop (v2sf);
	s16 =	sadd.f32 s18, s20  }
0xa5: {  	s18 =	sadd.f32 s15, s13;
	s20 =	spop (v2sf)  }
0xa6: {  	s14 =	sadd.f32 s20, s19  }
0xa7: {  	s10 =	sadd.f32 s12, s10  }
0xa8: {  	s19 =	sadd.f32 s14, s16  }
0xa9: {  	s9 =	sadd.f32 s18, s9  }
0xaa: {  	s10 =	sadd.f32 s19, s10;
	_ =	sdelay $0x1  }
0xab: {  	s9 =	sadd.f32 s10, s9  }
0xac: {  	s20 =	sand.u32 $0xF, s1  }
0xad: {  	v2 =	vmov s20;
	s10 =	ssub.f32 $1.200000000e+01, s9  }
0xae: {  	v3 =	vimm.f32 $0.0e+00;
	s11 =	simm.s32 $0x0;
	vm15 =	veq.s32 v2, v1  }
0xaf: {  	p1 =	sne.s32 s20, $0xF;
	s9 =	simm.s32 $0x13971;
	v2 =	vsel vm15, s10, v3;
	s10 =	simm.s32 $0x200  }
.LBB2_2:
0xb0: {  	s12 =	sshra.s32 s10, $0x2;
	[tilespmem:s9+$0x0] =	vst @!p1 v2  }
0xb1: {  	v3 =	vld [tilespmem:s12+$0x49F0]  }
0xb2: {  	v4 =	vld [tilespmem:s12+$0x49D0]  }
0xb3: {  	v5 =	vld [tilespmem:s12+$0x49E0]  }
0xb4: {  	s7 =	sadd.s32 $0x10, s7;
	v6 =	vld [tilespmem:s12+$0x49C0]  }
0xb5: {  	v7 =	vld [tilespmem:s7+$0x0]  }
0xb6: {  	v8 =	vld [tilespmem:s12+$0x9C0]  }
0xb7: {  	v9 =	vld [tilespmem:s12+$0x9D0]  }
0xb8: {  	v10 =	vld [tilespmem:s12+$0x9E0]  }
0xb9: {  	v11 =	vld [tilespmem:s12+$0x9F0]  }
0xba: {  	v4 =	vmul.f32 v4, v7  }
0xbb: {  	v6 =	vmul.f32 v6, v7;
	v8 =	vmul.f32 v8, v7  }
0xbc: {  	v7 =	vmul.f32 v9, v7;
	v3 =	vadd.f32 v3, v4  }
0xbd: {  	v5 =	vadd.f32 v5, v6;
	v4 =	vadd.f32 v10, v8  }
0xbe: {  	v6 =	vadd.f32 v11, v7;
	v7 =	vmul.f32 $1.591549370e-01, v3  }
0xbf: {  	v9 =	vmul.f32 $1.591549370e-01, v5;
	v8 =	vmul.f32 $1.591549370e-01, v4  }
0xc0: {  	v10 =	vmul.f32 $1.591549370e-01, v6  }
0xc1: {  	vm1 =	vge.f32 v9, $0.0e+00;
	vm2 =	vge.f32 v7, $0.0e+00;
	vm0 =	vge.f32 v8, $0.0e+00  }
0xc2: {  	v12 =	vsel vm2, $0x3F000000, v0;
	v11 =	vsel vm0, $0x3F000000, v0;
	vm0 =	vge.f32 v10, $0.0e+00  }
0xc3: {  	v7 =	vadd.f32 v12, v7;
	v8 =	vadd.f32 v11, v8;
	v11 =	vsel vm1, $0x3F000000, v0  }
0xc4: {  	v9 =	vadd.f32 v11, v9;
	v11 =	vsel vm0, $0x3F000000, v0  }
0xc5: {  	v7 =	vtrunc.f32 v7;
	v8 =	vtrunc.f32 v8;
	v10 =	vadd.f32 v11, v10  }
0xc6: {  	s10 =	sadd.s32 $0x200, s10;
	v8 =	vcvt.f32.s32 v8;
	v9 =	vtrunc.f32 v9  }
0xc7: {  	p0 =	sne.s32 s10, $0x10000;
	v9 =	vcvt.f32.s32 v9;
	v10 =	vtrunc.f32 v10  }
0xc8: {  	v8 =	vcvt.s32.f32 v8;
	v10 =	vcvt.f32.s32 v10  }
0xc9: {  	v7 =	vcvt.f32.s32 v7;
	v9 =	vcvt.s32.f32 v9  }
0xca: {  	v8 =	vmul.f32 $6.283185480e+00, v8;
	v10 =	vcvt.s32.f32 v10  }
0xcb: {  	v7 =	vcvt.s32.f32 v7;
	v9 =	vmul.f32 $6.283185480e+00, v9  }
0xcc: {  	v4 =	vsub.f32 v4, v8;
	v8 =	vmul.f32 $6.283185480e+00, v10  }
0xcd: {  	v7 =	vmul.f32 $6.283185480e+00, v7;
	v5 =	vsub.f32 v5, v9  }
0xce: {  	v9 =	vmul.f32 v4, v4;
	v6 =	vsub.f32 v6, v8  }
0xcf: {  	v3 =	vsub.f32 v3, v7;
	v8 =	vmul.f32 v5, v5  }
0xd0: {  	v7 =	vmul.f32 $1.353326760e-10, v9;
	v10 =	vmul.f32 v6, v6  }
0xd1: {  	v12 =	vmul.f32 v3, v3;
	v11 =	vmul.f32 $1.353326760e-10, v8  }
0xd2: {  	v7 =	vadd.f32 $-2.470160960e-08, v7;
	v13 =	vmul.f32 $1.353326760e-10, v10  }
0xd3: {  	v14 =	vmul.f32 $1.353326760e-10, v12;
	v11 =	vadd.f32 $-2.470160960e-08, v11  }
0xd4: {  	v7 =	vmul.f32 v7, v9;
	v13 =	vadd.f32 $-2.470160960e-08, v13  }
0xd5: {  	v14 =	vadd.f32 $-2.470160960e-08, v14;
	v11 =	vmul.f32 v11, v8  }
0xd6: {  	v7 =	vadd.f32 $2.753229180e-06, v7;
	v13 =	vmul.f32 v13, v10  }
0xd7: {  	v14 =	vmul.f32 v14, v12;
	v11 =	vadd.f32 $2.753229180e-06, v11  }
0xd8: {  	s8 =	sadd.s32 $0x60, s8;
	v15 =	vld [tilespmem:s12+$0x49B0];
	v7 =	vmul.f32 v7, v9;
	v13 =	vadd.f32 $2.753229180e-06, v13  }
0xd9: {  	v14 =	vadd.f32 $2.753229180e-06, v14;
	v16 =	vld [tilespmem:s8+$0x0];
	v11 =	vmul.f32 v11, v8  }
0xda: {  	v17 =	vld [tilespmem:s12+$0x9B0];
	v7 =	vadd.f32 $-1.984031110e-04, v7;
	v13 =	vmul.f32 v13, v10  }
0xdb: {  	v14 =	vmul.f32 v14, v12;
	v18 =	vld [tilespmem:s12+$0x49A0];
	v11 =	vadd.f32 $-1.984031110e-04, v11  }
0xdc: {  	v19 =	vld [tilespmem:s8+$0xFFFFFFF0];
	v7 =	vmul.f32 v7, v9;
	v13 =	vadd.f32 $-1.984031110e-04, v13  }
0xdd: {  	v14 =	vadd.f32 $-1.984031110e-04, v14;
	v20 =	vld [tilespmem:s12+$0x9A0];
	v11 =	vmul.f32 v11, v8  }
0xde: {  	v21 =	vld [tilespmem:s8+$0xFFFFFFE0];
	v7 =	vadd.f32 $8.333314210e-03, v7;
	v13 =	vmul.f32 v13, v10  }
0xdf: {  	v14 =	vmul.f32 v14, v12;
	v22 =	vld [tilespmem:s12+$0x990];
	v11 =	vadd.f32 $8.333314210e-03, v11  }
0xe0: {  	v23 =	vld [tilespmem:s8+$0xFFFFFFD0];
	v7 =	vmul.f32 v7, v9;
	v13 =	vadd.f32 $8.333314210e-03, v13  }
0xe1: {  	v14 =	vadd.f32 $8.333314210e-03, v14;
	v16 =	vadd.f32 v16, v17;
	v24 =	vld [tilespmem:s12+$0x980];
	v11 =	vmul.f32 v11, v8  }
0xe2: {  	v17 =	vld [tilespmem:s12+$0x4990];
	v19 =	vadd.f32 v19, v20;
	v7 =	vadd.f32 $-1.666666570e-01, v7;
	v13 =	vmul.f32 v13, v10  }
0xe3: {  	v14 =	vmul.f32 v14, v12;
	v15 =	vsub.f32 v16, v15;
	v20 =	vld [tilespmem:s12+$0x4980];
	v11 =	vadd.f32 $-1.666666570e-01, v11  }
0xe4: {  	v16 =	vsub.f32 v19, v18;
	v7 =	vmul.f32 v7, v9;
	v9 =	vadd.f32 $-1.666666570e-01, v13;
	v13 =	vld [tilespmem:s12+$0x8990]  }
0xe5: {  	v18 =	vadd.f32 v21, v22;
	v19 =	vld [tilespmem:s12+$0x8980];
	v8 =	vmul.f32 v11, v8;
	v11 =	vadd.f32 $-1.666666570e-01, v14  }
0xe6: {  	v14 =	vadd.f32 v23, v24;
	v7 =	vadd.f32 $1.000000000e+00, v7;
	v21 =	vld [tilespmem:s8+$0x10];
	v9 =	vmul.f32 v9, v10  }
0xe7: {  	v10 =	vsub.f32 v18, v17;
	v8 =	vadd.f32 $1.000000000e+00, v8;
	v17 =	vld [tilespmem:s12+$0xC980];
	v11 =	vmul.f32 v11, v12  }
0xe8: {  	v12 =	vsub.f32 v14, v20;
	v4 =	vmul.f32 v7, v4;
	v7 =	vadd.f32 $1.000000000e+00, v9;
	v9 =	vld [tilespmem:s8+$0x20]  }
0xe9: {  	v10 =	vand.u32 $0x7FFFFFFF, v10;
	v5 =	vmul.f32 v8, v5;
	v8 =	vadd.f32 $1.000000000e+00, v11;
	v11 =	vld [tilespmem:s12+$0xC990]  }
0xea: {  	v12 =	vand.u32 $0x7FFFFFFF, v12;
	v4 =	vmul.f32 v4, v19;
	v6 =	vmul.f32 v7, v6  }
0xeb: {  	v7 =	vadd.f32 v10, v12;
	v10 =	vand.u32 $0x7FFFFFFF, v16;
	v3 =	vmul.f32 v8, v3  }
0xec: {  	v5 =	vmul.f32 v5, v17;
	v4 =	vadd.f32 v4, v21;
	v6 =	vmul.f32 v6, v13  }
0xed: {  	v8 =	vand.u32 $0x7FFFFFFF, v15;
	v7 =	vadd.f32 v10, v7  }
0xee: {  	v4 =	vsub.f32 v4, v5;
	v3 =	vmul.f32 v3, v11;
	v5 =	vadd.f32 v6, v9  }
0xef: {  	v6 =	vadd.f32 v8, v7  }
0xf0: {  	v4 =	vand.u32 $0x7FFFFFFF, v4;
	v3 =	vsub.f32 v5, v3  }
0xf1: {  	v4 =	vadd.f32 v4, v6  }
0xf2: {  	v3 =	vand.u32 $0x7FFFFFFF, v3  }
0xf3: {  	v3 =	vadd.f32 v3, v4;
	_ =	sdelay $0x1  }
0xf4: {  	(v2sf) =	vpush v3, $0x0  }
0xf5: {  	(v2sf) =	vpush v3, $0x1  }
0xf6: {  	(v2sf) =	vpush v3, $0x2  }
0xf7: {  	(v2sf) =	vpush v3, $0x3  }
0xf8: {  	(v2sf) =	vpush v3, $0x4  }
0xf9: {  	(v2sf) =	vpush v3, $0x5  }
0xfa: {  	(v2sf) =	vpush v3, $0x6  }
0xfb: {  	(v2sf) =	vpush v3, $0x7  }
0xfc: {  	(v2sf) =	vpush v3, $0x8  }
0xfd: {  	(v2sf) =	vpush v3, $0x9  }
0xfe: {  	(v2sf) =	vpush v3, $0xA  }
0xff: {  	(v2sf) =	vpush v3, $0xB  }
0x100: {  	(v2sf) =	vpush v3, $0xC  }
0x101: {  	(v2sf) =	vpush v3, $0xD  }
0x102: {  	(v2sf) =	vpush v3, $0xE  }
0x103: {  	s12 =	spop (v2sf);
	(v2sf) =	vpush v3, $0xF  }
0x104: {  	s13 =	spop (v2sf)  }
0x105: {  	s14 =	spop (v2sf)  }
0x106: {  	s15 =	spop (v2sf)  }
0x107: {  	s16 =	spop (v2sf)  }
0x108: {  	s17 =	spop (v2sf)  }
0x109: {  	s18 =	spop (v2sf)  }
0x10a: {  	s19 =	spop (v2sf)  }
0x10b: {  	s20 =	spop (v2sf)  }
0x10c: {  	s12 =	sadd.f32 s13, s12;
	s13 =	spop (v2sf)  }
0x10d: {  	s14 =	sadd.f32 s15, s14;
	s15 =	spop (v2sf)  }
0x10e: {  	s16 =	sadd.f32 s17, s16;
	s17 =	spop (v2sf)  }
0x10f: {  	s18 =	sadd.f32 s19, s18;
	s19 =	spop (v2sf)  }
0x110: {  	s13 =	sadd.f32 s13, s20;
	s20 =	spop (v2sf)  }
0x111: {  	s15 =	sadd.f32 s17, s15;
	s17 =	spop (v2sf)  }
0x112: {  	s19 =	sadd.f32 s20, s19;
	s20 =	spop (v2sf)  }
0x113: {  	s17 =	sadd.f32 s20, s17  }
0x114: {  	s12 =	sadd.f32 s14, s12  }
0x115: {  	s14 =	sadd.f32 s18, s16  }
0x116: {  	s13 =	sadd.f32 s15, s13  }
0x117: {  	s15 =	sadd.f32 s17, s19  }
0x118: {  	s12 =	sadd.f32 s14, s12  }
0x119: {  	s13 =	sadd.f32 s15, s13;
	_ =	sdelay $0x1  }
.Ltmp0:
0x11a: {  	s11 =	sadd.s32 $0x1, s11;
	s12 =	sadd.f32 s13, s12;
	(pc) =	sbr.rel @p0 .LBB2_2-.Ltmp0, $4  }
0x11b: {  	s13 =	sand.u32 $0xF, s11  }
0x11c: {  	v3 =	vmov s13;
	s12 =	ssub.f32 $1.200000000e+01, s12  }
0x11d: {  	vm0 =	veq.s32 v3, v1  }
0x11e: {  	s9 =	sadd.s32 $0x1, s9;
	p1 =	sne.s32 s13, $0xF;
	v2 =	vsel vm0, s12, v2  }
0x11f: {  	[tilespmem:s9+$0x0] =	vst @!p1 v2;
	s7 =	simm.s32 $0x0;
	s8 =	rddreg [dreg:$0x5]  }
0x120: {  	[tilespmem:s7], [sflag:$0x2] =	stream.linear.gather [hbm4b:s8+s7], $0x80, $0x38;
	[tilespmem:$0x13B80] =	vst v63  }
0x121: {  	_ =	swait.ge [sflag:s24], $0x80  }
0x122: {  	[sflag:s24] =	ssyncset.done $0x0  }
0x123: {  	s16 =	rddreg [dreg:$0x6];
	[sflag:s24] =	ssyncadd.s32 $0xFFFFFF80  }
0x124: {  	[tilespmem:s25], [sflag:$0x2] =	stream.linear.gather [hbm4b:s16+s7], $0x80, $0x38;
	[tilespmem:$0x13B80] =	vst v63  }
0x125: {  	_ =	swait.ge [sflag:s24], $0x80  }
0x126: {  	[sflag:s24] =	ssyncset.done $0x0  }
0x127: {  	s17 =	rddreg [dreg:$0x7];
	[sflag:s24] =	ssyncadd.s32 $0xFFFFFF80  }
0x128: {  	[tilespmem:s26], [sflag:$0x2] =	stream.linear.gather [hbm4b:s17+s7], $0x80, $0x38;
	[tilespmem:$0x13B80] =	vst v63  }
0x129: {  	_ =	swait.ge [sflag:s24], $0x80  }
0x12a: {  	[sflag:s24] =	ssyncset.done $0x0  }
0x12b: {  	s8 =	simm.s32 $0x180;
	s18 =	rddreg [dreg:$0x10];
	[sflag:s24] =	ssyncadd.s32 $0xFFFFFF80  }
0x12c: {  	[tilespmem:s8], [sflag:$0x2] =	stream.linear.gather [hbm4b:s18+s7], $0x800, $0x38;
	[tilespmem:$0x13B80] =	vst v63  }
0x12d: {  	_ =	swait.ge [sflag:s24], $0x800  }
0x12e: {  	[sflag:s24] =	ssyncset.done $0x0  }
0x12f: {  	[sflag:s24] =	ssyncadd.s32 $0xFFFFF800  }
0x130: {  	[tilespmem:s28], [sflag:$0x1] =	stream.indirect.gather [hbm4b:s3+s25], $0x80, s7, s25, $0xb8;
	[tilespmem:$0x13B80] =	vst v63  }
0x131: {  	_ = 	snop  }
0x132: {  	[tilespmem:s29], [sflag:$0x1] =	stream.indirect.gather [hbm4b:s3+s25], $0x80, s25, s25, $0xb8;
	[tilespmem:$0x13B80] =	vst v63  }
0x133: {  	_ = 	snop  }
0x134: {  	[tilespmem:s30], [sflag:$0x1] =	stream.indirect.gather [hbm4b:s4+s25], $0x80, s7, s25, $0xb8;
	[tilespmem:$0x13B80] =	vst v63  }
0x135: {  	_ = 	snop  }
0x136: {  	[tilespmem:s31], [sflag:$0x1] =	stream.indirect.gather [hbm4b:s4+s25], $0x80, s25, s25, $0xb8;
	[tilespmem:$0x13B80] =	vst v63  }
0x137: {  	_ = 	snop  }
0x138: {  	[tilespmem:s0], [sflag:$0x1] =	stream.indirect.gather [hbm4b:s5+s25], $0x60, s26, s25, $0xb8;
	[tilespmem:$0x13B80] =	vst v63  }
0x139: {  	_ =	swait.ge [sflag:s2], $0x4000  }
0x13a: {  	[sflag:s2] =	ssyncset.done $0x0  }
0x13b: {  	[sflag:s2] =	ssyncadd.s32 $0xFFFFC000  }
0x13c: {  	_ =	swait.ge [sflag:s2], $0x4000  }
0x13d: {  	[sflag:s2] =	ssyncset.done $0x0  }
0x13e: {  	[sflag:s2] =	ssyncadd.s32 $0xFFFFC000  }
0x13f: {  	_ =	swait.ge [sflag:s2], $0x4000  }
0x140: {  	[sflag:s2] =	ssyncset.done $0x0  }
0x141: {  	[sflag:s2] =	ssyncadd.s32 $0xFFFFC000  }
0x142: {  	_ =	swait.ge [sflag:s2], $0x4000  }
0x143: {  	[sflag:s2] =	ssyncset.done $0x0  }
0x144: {  	[sflag:s2] =	ssyncadd.s32 $0xFFFFC000  }
0x145: {  	_ =	swait.ge [sflag:s2], $0x3000  }
0x146: {  	[sflag:s2] =	ssyncset.done $0x0  }
0x147: {  	s10 =	simm.s32 $0x0;
	[sflag:s2] =	ssyncadd.s32 $0xFFFFD000  }
0x148: {  	v2 =	vld [tilespmem:s10+$0x49F0]  }
0x149: {  	v3 =	vld [tilespmem:s10+$0x49D0]  }
0x14a: {  	v4 =	vld [tilespmem:s10+$0x49E0]  }
0x14b: {  	v5 =	vld [tilespmem:s10+$0x49C0]  }
0x14c: {  	v6 =	vld [tilespmem:s8+$0x0]  }
0x14d: {  	v7 =	vld [tilespmem:s10+$0x9C0]  }
0x14e: {  	v8 =	vld [tilespmem:s10+$0x9D0]  }
0x14f: {  	v9 =	vld [tilespmem:s10+$0x9E0]  }
0x150: {  	v10 =	vld [tilespmem:s10+$0x9F0]  }
0x151: {  	v3 =	vmul.f32 v3, v6  }
0x152: {  	v7 =	vmul.f32 v7, v6;
	v5 =	vmul.f32 v5, v6  }
0x153: {  	v6 =	vmul.f32 v8, v6;
	v2 =	vadd.f32 v2, v3  }
0x154: {  	v3 =	vadd.f32 v9, v7;
	v4 =	vadd.f32 v4, v5  }
0x155: {  	v28 =	vadd.f32 v10, v6;
	v29 =	vmul.f32 $1.591549370e-01, v2  }
0x156: {  	v7 =	vmul.f32 $1.591549370e-01, v3;
	v30 =	vmul.f32 $1.591549370e-01, v4  }
0x157: {  	v31 =	vmul.f32 $1.591549370e-01, v28  }
0x158: {  	vm0 =	vge.f32 v7, $0.0e+00;
	vm1 =	vge.f32 v30, $0.0e+00;
	vm2 =	vge.f32 v29, $0.0e+00  }
0x159: {  	vm14 =	vge.f32 v31, $0.0e+00;
	v32 =	vsel vm0, $0x3F000000, v0;
	v11 =	vsel vm2, $0x3F000000, v0  }
0x15a: {  	v33 =	vsel vm1, $0x3F000000, v0;
	v7 =	vadd.f32 v32, v7;
	v6 =	vadd.f32 v11, v29  }
0x15b: {  	v34 =	vsel vm14, $0x3F000000, v0;
	v8 =	vadd.f32 v33, v30  }
0x15c: {  	v9 =	vadd.f32 v34, v31;
	v7 =	vtrunc.f32 v7;
	v6 =	vtrunc.f32 v6  }
0x15d: {  	v8 =	vtrunc.f32 v8;
	v7 =	vcvt.f32.s32 v7  }
0x15e: {  	v9 =	vtrunc.f32 v9;
	v8 =	vcvt.f32.s32 v8  }
0x15f: {  	v9 =	vcvt.f32.s32 v9;
	v7 =	vcvt.s32.f32 v7  }
0x160: {  	v6 =	vcvt.f32.s32 v6;
	v8 =	vcvt.s32.f32 v8  }
0x161: {  	v9 =	vcvt.s32.f32 v9;
	v7 =	vmul.f32 $6.283185480e+00, v7  }
0x162: {  	v6 =	vcvt.s32.f32 v6;
	v8 =	vmul.f32 $6.283185480e+00, v8  }
0x163: {  	v35 =	vmul.f32 $6.283185480e+00, v9;
	v3 =	vsub.f32 v3, v7  }
0x164: {  	v6 =	vmul.f32 $6.283185480e+00, v6;
	v4 =	vsub.f32 v4, v8  }
0x165: {  	v5 =	vsub.f32 v28, v35;
	v36 =	vmul.f32 v3, v3  }
0x166: {  	v2 =	vsub.f32 v2, v6;
	v37 =	vmul.f32 v4, v4  }
0x167: {  	v39 =	vmul.f32 v5, v5;
	v38 =	vmul.f32 $1.353326760e-10, v36  }
0x168: {  	v41 =	vmul.f32 v2, v2;
	v40 =	vmul.f32 $1.353326760e-10, v37  }
0x169: {  	v12 =	vmul.f32 $1.353326760e-10, v39;
	v6 =	vadd.f32 $-2.470160960e-08, v38  }
0x16a: {  	v13 =	vmul.f32 $1.353326760e-10, v41;
	v10 =	vadd.f32 $-2.470160960e-08, v40  }
0x16b: {  	v12 =	vadd.f32 $-2.470160960e-08, v12;
	v6 =	vmul.f32 v6, v36  }
0x16c: {  	v13 =	vadd.f32 $-2.470160960e-08, v13;
	v10 =	vmul.f32 v10, v37  }
0x16d: {  	v12 =	vmul.f32 v12, v39;
	v6 =	vadd.f32 $2.753229180e-06, v6  }
0x16e: {  	s9 =	simm.s32 $0x109B0;
	v13 =	vmul.f32 v13, v41;
	v10 =	vadd.f32 $2.753229180e-06, v10  }
0x16f: {  	v15 =	vld [tilespmem:s9+$0x0];
	v12 =	vadd.f32 $2.753229180e-06, v12;
	v6 =	vmul.f32 v6, v36  }
0x170: {  	v16 =	vld [tilespmem:s10+$0x9B0];
	v13 =	vadd.f32 $2.753229180e-06, v13;
	v10 =	vmul.f32 v10, v37  }
0x171: {  	v18 =	vld [tilespmem:s9+$0xFFFFFFF0];
	v12 =	vmul.f32 v12, v39;
	v6 =	vadd.f32 $-1.984031110e-04, v6  }
0x172: {  	v19 =	vld [tilespmem:s10+$0x9A0];
	v13 =	vmul.f32 v13, v41;
	v10 =	vadd.f32 $-1.984031110e-04, v10  }
0x173: {  	v20 =	vld [tilespmem:s9+$0xFFFFFFE0];
	v12 =	vadd.f32 $-1.984031110e-04, v12;
	v6 =	vmul.f32 v6, v36  }
0x174: {  	v21 =	vld [tilespmem:s10+$0x990];
	v13 =	vadd.f32 $-1.984031110e-04, v13;
	v10 =	vmul.f32 v10, v37  }
0x175: {  	v22 =	vld [tilespmem:s9+$0xFFFFFFD0];
	v12 =	vmul.f32 v12, v39;
	v6 =	vadd.f32 $8.333314210e-03, v6  }
0x176: {  	v23 =	vld [tilespmem:s10+$0x980];
	v13 =	vmul.f32 v13, v41;
	v10 =	vadd.f32 $8.333314210e-03, v10  }
0x177: {  	v14 =	vld [tilespmem:s10+$0x49B0];
	v12 =	vadd.f32 $8.333314210e-03, v12;
	v6 =	vmul.f32 v6, v36  }
0x178: {  	v17 =	vld [tilespmem:s10+$0x49A0];
	v15 =	vadd.f32 v15, v16;
	v13 =	vadd.f32 $8.333314210e-03, v13;
	v10 =	vmul.f32 v10, v37  }
0x179: {  	v43 =	vld [tilespmem:s10+$0x4980];
	v18 =	vadd.f32 v18, v19;
	v12 =	vmul.f32 v12, v39;
	v6 =	vadd.f32 $-1.666666570e-01, v6  }
0x17a: {  	v42 =	vld [tilespmem:s10+$0x4990];
	v47 =	vadd.f32 v20, v21;
	v13 =	vmul.f32 v13, v41;
	v10 =	vadd.f32 $-1.666666570e-01, v10  }
0x17b: {  	v46 =	vld [tilespmem:s10+$0x8990];
	v50 =	vadd.f32 v22, v23;
	v45 =	vadd.f32 $-1.666666570e-01, v12;
	v6 =	vmul.f32 v6, v36  }
0x17c: {  	v48 =	vld [tilespmem:s10+$0x8980];
	v14 =	vsub.f32 v15, v14;
	v49 =	vadd.f32 $-1.666666570e-01, v13;
	v7 =	vmul.f32 v10, v37  }
0x17d: {  	v51 =	vld [tilespmem:s9+$0x10];
	v44 =	vsub.f32 v18, v17;
	v8 =	vmul.f32 v45, v39;
	v6 =	vadd.f32 $1.000000000e+00, v6  }
0x17e: {  	v53 =	vld [tilespmem:s10+$0xC980];
	v54 =	vsub.f32 v50, v43;
	v10 =	vmul.f32 v49, v41;
	v7 =	vadd.f32 $1.000000000e+00, v7  }
0x17f: {  	v56 =	vld [tilespmem:s9+$0x20];
	v52 =	vsub.f32 v47, v42;
	v55 =	vadd.f32 $1.000000000e+00, v8;
	v3 =	vmul.f32 v6, v3  }
0x180: {  	v58 =	vld [tilespmem:s10+$0xC990];
	v11 =	vand.u32 $0x7FFFFFFF, v54;
	v57 =	vadd.f32 $1.000000000e+00, v10;
	v4 =	vmul.f32 v7, v4  }
0x181: {  	v9 =	vand.u32 $0x7FFFFFFF, v52;
	v5 =	vmul.f32 v55, v5;
	v3 =	vmul.f32 v3, v48  }
0x182: {  	v60 =	vand.u32 $0x7FFFFFFF, v44;
	v59 =	vadd.f32 v9, v11;
	v2 =	vmul.f32 v57, v2  }
0x183: {  	v4 =	vmul.f32 v4, v53;
	v5 =	vmul.f32 v5, v46;
	v3 =	vadd.f32 v3, v51  }
0x184: {  	v61 =	vand.u32 $0x7FFFFFFF, v14;
	v6 =	vadd.f32 v60, v59  }
0x185: {  	v2 =	vmul.f32 v2, v58;
	v62 =	vadd.f32 v5, v56;
	v3 =	vsub.f32 v3, v4  }
0x186: {  	v63 =	vadd.f32 v61, v6  }
0x187: {  	v2 =	vsub.f32 v62, v2;
	v3 =	vand.u32 $0x7FFFFFFF, v3  }
0x188: {  	v3 =	vadd.f32 v3, v63  }
0x189: {  	v2 =	vand.u32 $0x7FFFFFFF, v2  }
0x18a: {  	v2 =	vadd.f32 v2, v3;
	_ =	sdelay $0x1  }
0x18b: {  	(v2sf) =	vpush v2, $0x0  }
0x18c: {  	(v2sf) =	vpush v2, $0x1  }
0x18d: {  	(v2sf) =	vpush v2, $0x2  }
0x18e: {  	(v2sf) =	vpush v2, $0x3  }
0x18f: {  	(v2sf) =	vpush v2, $0x4  }
0x190: {  	(v2sf) =	vpush v2, $0x5  }
0x191: {  	(v2sf) =	vpush v2, $0x6  }
0x192: {  	(v2sf) =	vpush v2, $0x7  }
0x193: {  	(v2sf) =	vpush v2, $0x8  }
0x194: {  	(v2sf) =	vpush v2, $0x9  }
0x195: {  	(v2sf) =	vpush v2, $0xA  }
0x196: {  	(v2sf) =	vpush v2, $0xB  }
0x197: {  	(v2sf) =	vpush v2, $0xC  }
0x198: {  	(v2sf) =	vpush v2, $0xD  }
0x199: {  	(v2sf) =	vpush v2, $0xE  }
0x19a: {  	s19 =	spop (v2sf);
	(v2sf) =	vpush v2, $0xF  }
0x19b: {  	s11 =	spop (v2sf)  }
0x19c: {  	s12 =	spop (v2sf)  }
0x19d: {  	s13 =	spop (v2sf)  }
0x19e: {  	s14 =	spop (v2sf)  }
0x19f: {  	s15 =	spop (v2sf)  }
0x1a0: {  	s16 =	spop (v2sf)  }
0x1a1: {  	s10 =	sadd.f32 s11, s19;
	s17 =	spop (v2sf)  }
0x1a2: {  	s12 =	sadd.f32 s13, s12;
	s18 =	spop (v2sf)  }
0x1a3: {  	s14 =	sadd.f32 s15, s14;
	s20 =	spop (v2sf)  }
0x1a4: {  	s10 =	sadd.f32 s12, s10;
	s13 =	spop (v2sf)  }
0x1a5: {  	s16 =	sadd.f32 s17, s16;
	s19 =	spop (v2sf)  }
0x1a6: {  	s11 =	sadd.f32 s20, s18;
	s17 =	spop (v2sf)  }
0x1a7: {  	s18 =	sadd.f32 s16, s14;
	s20 =	spop (v2sf)  }
0x1a8: {  	s13 =	sadd.f32 s19, s13;
	s19 =	spop (v2sf)  }
0x1a9: {  	s17 =	sadd.f32 s20, s17;
	s20 =	spop (v2sf)  }
0x1aa: {  	s15 =	sadd.f32 s20, s19  }
0x1ab: {  	s11 =	sadd.f32 s13, s11  }
0x1ac: {  	s19 =	sadd.f32 s15, s17  }
0x1ad: {  	s10 =	sadd.f32 s18, s10  }
0x1ae: {  	s11 =	sadd.f32 s19, s11;
	_ =	sdelay $0x1  }
0x1af: {  	s10 =	sadd.f32 s11, s10  }
0x1b0: {  	s20 =	sand.u32 $0xF, s7  }
0x1b1: {  	v2 =	vmov s20;
	s10 =	ssub.f32 $1.200000000e+01, s10  }
0x1b2: {  	v3 =	vimm.f32 $0.0e+00;
	vm15 =	veq.s32 v2, v1  }
0x1b3: {  	p1 =	sne.s32 s20, $0xF;
	s11 =	simm.s32 $0x200;
	v2 =	vsel vm15, s10, v3;
	s10 =	simm.s32 $0x139F1  }
.LBB2_4:
0x1b4: {  	s12 =	sshra.s32 s11, $0x2;
	[tilespmem:s10+$0x0] =	vst @!p1 v2  }
0x1b5: {  	v3 =	vld [tilespmem:s12+$0x49F0]  }
0x1b6: {  	v4 =	vld [tilespmem:s12+$0x49D0]  }
0x1b7: {  	v5 =	vld [tilespmem:s12+$0x49E0]  }
0x1b8: {  	s8 =	sadd.s32 $0x10, s8;
	v6 =	vld [tilespmem:s12+$0x49C0]  }
0x1b9: {  	v7 =	vld [tilespmem:s8+$0x0]  }
0x1ba: {  	v8 =	vld [tilespmem:s12+$0x9C0]  }
0x1bb: {  	v9 =	vld [tilespmem:s12+$0x9D0]  }
0x1bc: {  	v10 =	vld [tilespmem:s12+$0x9E0]  }
0x1bd: {  	v11 =	vld [tilespmem:s12+$0x9F0]  }
0x1be: {  	v4 =	vmul.f32 v4, v7  }
0x1bf: {  	v6 =	vmul.f32 v6, v7;
	v8 =	vmul.f32 v8, v7  }
0x1c0: {  	v7 =	vmul.f32 v9, v7;
	v3 =	vadd.f32 v3, v4  }
0x1c1: {  	v5 =	vadd.f32 v5, v6;
	v4 =	vadd.f32 v10, v8  }
0x1c2: {  	v6 =	vadd.f32 v11, v7;
	v7 =	vmul.f32 $1.591549370e-01, v3  }
0x1c3: {  	v9 =	vmul.f32 $1.591549370e-01, v5;
	v8 =	vmul.f32 $1.591549370e-01, v4  }
0x1c4: {  	v10 =	vmul.f32 $1.591549370e-01, v6  }
0x1c5: {  	vm1 =	vge.f32 v9, $0.0e+00;
	vm2 =	vge.f32 v7, $0.0e+00;
	vm0 =	vge.f32 v8, $0.0e+00  }
0x1c6: {  	v12 =	vsel vm2, $0x3F000000, v0;
	v11 =	vsel vm0, $0x3F000000, v0;
	vm0 =	vge.f32 v10, $0.0e+00  }
0x1c7: {  	v7 =	vadd.f32 v12, v7;
	v8 =	vadd.f32 v11, v8;
	v11 =	vsel vm1, $0x3F000000, v0  }
0x1c8: {  	v9 =	vadd.f32 v11, v9;
	v11 =	vsel vm0, $0x3F000000, v0  }
0x1c9: {  	v7 =	vtrunc.f32 v7;
	v8 =	vtrunc.f32 v8;
	v10 =	vadd.f32 v11, v10  }
0x1ca: {  	s11 =	sadd.s32 $0x200, s11;
	v8 =	vcvt.f32.s32 v8;
	v9 =	vtrunc.f32 v9  }
0x1cb: {  	p0 =	sne.s32 s11, $0x10000;
	v9 =	vcvt.f32.s32 v9;
	v10 =	vtrunc.f32 v10  }
0x1cc: {  	v8 =	vcvt.s32.f32 v8;
	v10 =	vcvt.f32.s32 v10  }
0x1cd: {  	v7 =	vcvt.f32.s32 v7;
	v9 =	vcvt.s32.f32 v9  }
0x1ce: {  	v8 =	vmul.f32 $6.283185480e+00, v8;
	v10 =	vcvt.s32.f32 v10  }
0x1cf: {  	v7 =	vcvt.s32.f32 v7;
	v9 =	vmul.f32 $6.283185480e+00, v9  }
0x1d0: {  	v4 =	vsub.f32 v4, v8;
	v8 =	vmul.f32 $6.283185480e+00, v10  }
0x1d1: {  	v7 =	vmul.f32 $6.283185480e+00, v7;
	v5 =	vsub.f32 v5, v9  }
0x1d2: {  	v9 =	vmul.f32 v4, v4;
	v6 =	vsub.f32 v6, v8  }
0x1d3: {  	v3 =	vsub.f32 v3, v7;
	v8 =	vmul.f32 v5, v5  }
0x1d4: {  	v7 =	vmul.f32 $1.353326760e-10, v9;
	v10 =	vmul.f32 v6, v6  }
0x1d5: {  	v12 =	vmul.f32 v3, v3;
	v11 =	vmul.f32 $1.353326760e-10, v8  }
0x1d6: {  	v7 =	vadd.f32 $-2.470160960e-08, v7;
	v13 =	vmul.f32 $1.353326760e-10, v10  }
0x1d7: {  	v14 =	vmul.f32 $1.353326760e-10, v12;
	v11 =	vadd.f32 $-2.470160960e-08, v11  }
0x1d8: {  	v7 =	vmul.f32 v7, v9;
	v13 =	vadd.f32 $-2.470160960e-08, v13  }
0x1d9: {  	v14 =	vadd.f32 $-2.470160960e-08, v14;
	v11 =	vmul.f32 v11, v8  }
0x1da: {  	v7 =	vadd.f32 $2.753229180e-06, v7;
	v13 =	vmul.f32 v13, v10  }
0x1db: {  	v14 =	vmul.f32 v14, v12;
	v11 =	vadd.f32 $2.753229180e-06, v11  }
0x1dc: {  	s9 =	sadd.s32 $0x60, s9;
	v15 =	vld [tilespmem:s12+$0x49B0];
	v7 =	vmul.f32 v7, v9;
	v13 =	vadd.f32 $2.753229180e-06, v13  }
0x1dd: {  	v14 =	vadd.f32 $2.753229180e-06, v14;
	v16 =	vld [tilespmem:s9+$0x0];
	v11 =	vmul.f32 v11, v8  }
0x1de: {  	v17 =	vld [tilespmem:s12+$0x9B0];
	v7 =	vadd.f32 $-1.984031110e-04, v7;
	v13 =	vmul.f32 v13, v10  }
0x1df: {  	v14 =	vmul.f32 v14, v12;
	v18 =	vld [tilespmem:s12+$0x49A0];
	v11 =	vadd.f32 $-1.984031110e-04, v11  }
0x1e0: {  	v19 =	vld [tilespmem:s9+$0xFFFFFFF0];
	v7 =	vmul.f32 v7, v9;
	v13 =	vadd.f32 $-1.984031110e-04, v13  }
0x1e1: {  	v14 =	vadd.f32 $-1.984031110e-04, v14;
	v20 =	vld [tilespmem:s12+$0x9A0];
	v11 =	vmul.f32 v11, v8  }
0x1e2: {  	v21 =	vld [tilespmem:s9+$0xFFFFFFE0];
	v7 =	vadd.f32 $8.333314210e-03, v7;
	v13 =	vmul.f32 v13, v10  }
0x1e3: {  	v14 =	vmul.f32 v14, v12;
	v22 =	vld [tilespmem:s12+$0x990];
	v11 =	vadd.f32 $8.333314210e-03, v11  }
0x1e4: {  	v23 =	vld [tilespmem:s9+$0xFFFFFFD0];
	v7 =	vmul.f32 v7, v9;
	v13 =	vadd.f32 $8.333314210e-03, v13  }
0x1e5: {  	v14 =	vadd.f32 $8.333314210e-03, v14;
	v16 =	vadd.f32 v16, v17;
	v24 =	vld [tilespmem:s12+$0x980];
	v11 =	vmul.f32 v11, v8  }
0x1e6: {  	v17 =	vld [tilespmem:s12+$0x4990];
	v19 =	vadd.f32 v19, v20;
	v7 =	vadd.f32 $-1.666666570e-01, v7;
	v13 =	vmul.f32 v13, v10  }
0x1e7: {  	v14 =	vmul.f32 v14, v12;
	v15 =	vsub.f32 v16, v15;
	v20 =	vld [tilespmem:s12+$0x4980];
	v11 =	vadd.f32 $-1.666666570e-01, v11  }
0x1e8: {  	v16 =	vsub.f32 v19, v18;
	v7 =	vmul.f32 v7, v9;
	v9 =	vadd.f32 $-1.666666570e-01, v13;
	v13 =	vld [tilespmem:s12+$0x8990]  }
0x1e9: {  	v18 =	vadd.f32 v21, v22;
	v19 =	vld [tilespmem:s12+$0x8980];
	v8 =	vmul.f32 v11, v8;
	v11 =	vadd.f32 $-1.666666570e-01, v14  }
0x1ea: {  	v14 =	vadd.f32 v23, v24;
	v7 =	vadd.f32 $1.000000000e+00, v7;
	v21 =	vld [tilespmem:s9+$0x10];
	v9 =	vmul.f32 v9, v10  }
0x1eb: {  	v10 =	vsub.f32 v18, v17;
	v8 =	vadd.f32 $1.000000000e+00, v8;
	v17 =	vld [tilespmem:s12+$0xC980];
	v11 =	vmul.f32 v11, v12  }
0x1ec: {  	v12 =	vsub.f32 v14, v20;
	v4 =	vmul.f32 v7, v4;
	v7 =	vadd.f32 $1.000000000e+00, v9;
	v9 =	vld [tilespmem:s9+$0x20]  }
0x1ed: {  	v10 =	vand.u32 $0x7FFFFFFF, v10;
	v5 =	vmul.f32 v8, v5;
	v8 =	vadd.f32 $1.000000000e+00, v11;
	v11 =	vld [tilespmem:s12+$0xC990]  }
0x1ee: {  	v12 =	vand.u32 $0x7FFFFFFF, v12;
	v4 =	vmul.f32 v4, v19;
	v6 =	vmul.f32 v7, v6  }
0x1ef: {  	v7 =	vadd.f32 v10, v12;
	v10 =	vand.u32 $0x7FFFFFFF, v16;
	v3 =	vmul.f32 v8, v3  }
0x1f0: {  	v5 =	vmul.f32 v5, v17;
	v4 =	vadd.f32 v4, v21;
	v6 =	vmul.f32 v6, v13  }
0x1f1: {  	v8 =	vand.u32 $0x7FFFFFFF, v15;
	v7 =	vadd.f32 v10, v7  }
0x1f2: {  	v4 =	vsub.f32 v4, v5;
	v3 =	vmul.f32 v3, v11;
	v5 =	vadd.f32 v6, v9  }
0x1f3: {  	v6 =	vadd.f32 v8, v7  }
0x1f4: {  	v4 =	vand.u32 $0x7FFFFFFF, v4;
	v3 =	vsub.f32 v5, v3  }
0x1f5: {  	v4 =	vadd.f32 v4, v6  }
0x1f6: {  	v3 =	vand.u32 $0x7FFFFFFF, v3  }
0x1f7: {  	v3 =	vadd.f32 v3, v4;
	_ =	sdelay $0x1  }
0x1f8: {  	(v2sf) =	vpush v3, $0x0  }
0x1f9: {  	(v2sf) =	vpush v3, $0x1  }
0x1fa: {  	(v2sf) =	vpush v3, $0x2  }
0x1fb: {  	(v2sf) =	vpush v3, $0x3  }
0x1fc: {  	(v2sf) =	vpush v3, $0x4  }
0x1fd: {  	(v2sf) =	vpush v3, $0x5  }
0x1fe: {  	(v2sf) =	vpush v3, $0x6  }
0x1ff: {  	(v2sf) =	vpush v3, $0x7  }
0x200: {  	(v2sf) =	vpush v3, $0x8  }
0x201: {  	(v2sf) =	vpush v3, $0x9  }
0x202: {  	(v2sf) =	vpush v3, $0xA  }
0x203: {  	(v2sf) =	vpush v3, $0xB  }
0x204: {  	(v2sf) =	vpush v3, $0xC  }
0x205: {  	(v2sf) =	vpush v3, $0xD  }
0x206: {  	(v2sf) =	vpush v3, $0xE  }
0x207: {  	s12 =	spop (v2sf);
	(v2sf) =	vpush v3, $0xF  }
0x208: {  	s13 =	spop (v2sf)  }
0x209: {  	s14 =	spop (v2sf)  }
0x20a: {  	s15 =	spop (v2sf)  }
0x20b: {  	s16 =	spop (v2sf)  }
0x20c: {  	s17 =	spop (v2sf)  }
0x20d: {  	s18 =	spop (v2sf)  }
0x20e: {  	s19 =	spop (v2sf)  }
0x20f: {  	s20 =	spop (v2sf)  }
0x210: {  	s12 =	sadd.f32 s13, s12;
	s13 =	spop (v2sf)  }
0x211: {  	s14 =	sadd.f32 s15, s14;
	s15 =	spop (v2sf)  }
0x212: {  	s16 =	sadd.f32 s17, s16;
	s17 =	spop (v2sf)  }
0x213: {  	s18 =	sadd.f32 s19, s18;
	s19 =	spop (v2sf)  }
0x214: {  	s13 =	sadd.f32 s13, s20;
	s20 =	spop (v2sf)  }
0x215: {  	s15 =	sadd.f32 s17, s15;
	s17 =	spop (v2sf)  }
0x216: {  	s19 =	sadd.f32 s20, s19;
	s20 =	spop (v2sf)  }
0x217: {  	s17 =	sadd.f32 s20, s17  }
0x218: {  	s12 =	sadd.f32 s14, s12  }
0x219: {  	s14 =	sadd.f32 s18, s16  }
0x21a: {  	s13 =	sadd.f32 s15, s13  }
0x21b: {  	s15 =	sadd.f32 s17, s19  }
0x21c: {  	s12 =	sadd.f32 s14, s12  }
0x21d: {  	s13 =	sadd.f32 s15, s13;
	_ =	sdelay $0x1  }
.Ltmp1:
0x21e: {  	s7 =	sadd.s32 $0x1, s7;
	s12 =	sadd.f32 s13, s12;
	(pc) =	sbr.rel @p0 .LBB2_4-.Ltmp1, $4  }
0x21f: {  	s13 =	sand.u32 $0xF, s7  }
0x220: {  	v3 =	vmov s13;
	s12 =	ssub.f32 $1.200000000e+01, s12  }
0x221: {  	vm0 =	veq.s32 v3, v1  }
0x222: {  	s10 =	sadd.s32 $0x1, s10;
	p1 =	sne.s32 s13, $0xF;
	v2 =	vsel vm0, s12, v2  }
0x223: {  	[tilespmem:s10+$0x0] =	vst @!p1 v2;
	s7 =	simm.s32 $0x0;
	s8 =	rddreg [dreg:$0x8]  }
0x224: {  	[tilespmem:s7], [sflag:$0x2] =	stream.linear.gather [hbm4b:s8+s7], $0x80, $0x38;
	[tilespmem:$0x13B80] =	vst v63  }
0x225: {  	_ =	swait.ge [sflag:s24], $0x80  }
0x226: {  	[sflag:s24] =	ssyncset.done $0x0  }
0x227: {  	s16 =	rddreg [dreg:$0x9];
	[sflag:s24] =	ssyncadd.s32 $0xFFFFFF80  }
0x228: {  	[tilespmem:s25], [sflag:$0x2] =	stream.linear.gather [hbm4b:s16+s7], $0x80, $0x38;
	[tilespmem:$0x13B80] =	vst v63  }
0x229: {  	_ =	swait.ge [sflag:s24], $0x80  }
0x22a: {  	[sflag:s24] =	ssyncset.done $0x0  }
0x22b: {  	s17 =	rddreg [dreg:$0xa];
	[sflag:s24] =	ssyncadd.s32 $0xFFFFFF80  }
0x22c: {  	[tilespmem:s26], [sflag:$0x2] =	stream.linear.gather [hbm4b:s17+s7], $0x80, $0x38;
	[tilespmem:$0x13B80] =	vst v63  }
0x22d: {  	_ =	swait.ge [sflag:s24], $0x80  }
0x22e: {  	[sflag:s24] =	ssyncset.done $0x0  }
0x22f: {  	s8 =	simm.s32 $0x180;
	s9 =	rddreg [dreg:$0x11];
	[sflag:s24] =	ssyncadd.s32 $0xFFFFFF80  }
0x230: {  	[tilespmem:s8], [sflag:$0x2] =	stream.linear.gather [hbm4b:s9+s7], $0x800, $0x38;
	[tilespmem:$0x13B80] =	vst v63  }
0x231: {  	_ =	swait.ge [sflag:s24], $0x800  }
0x232: {  	[sflag:s24] =	ssyncset.done $0x0  }
0x233: {  	[sflag:s24] =	ssyncadd.s32 $0xFFFFF800  }
0x234: {  	[tilespmem:s28], [sflag:$0x1] =	stream.indirect.gather [hbm4b:s3+s25], $0x80, s7, s25, $0xb8;
	[tilespmem:$0x13B80] =	vst v63  }
0x235: {  	_ = 	snop  }
0x236: {  	[tilespmem:s29], [sflag:$0x1] =	stream.indirect.gather [hbm4b:s3+s25], $0x80, s25, s25, $0xb8;
	[tilespmem:$0x13B80] =	vst v63  }
0x237: {  	_ = 	snop  }
0x238: {  	[tilespmem:s30], [sflag:$0x1] =	stream.indirect.gather [hbm4b:s4+s25], $0x80, s7, s25, $0xb8;
	[tilespmem:$0x13B80] =	vst v63  }
0x239: {  	_ = 	snop  }
0x23a: {  	[tilespmem:s31], [sflag:$0x1] =	stream.indirect.gather [hbm4b:s4+s25], $0x80, s25, s25, $0xb8;
	[tilespmem:$0x13B80] =	vst v63  }
0x23b: {  	_ = 	snop  }
0x23c: {  	[tilespmem:s0], [sflag:$0x1] =	stream.indirect.gather [hbm4b:s5+s25], $0x60, s26, s25, $0xb8;
	[tilespmem:$0x13B80] =	vst v63  }
0x23d: {  	_ =	swait.ge [sflag:s2], $0x4000  }
0x23e: {  	[sflag:s2] =	ssyncset.done $0x0  }
0x23f: {  	[sflag:s2] =	ssyncadd.s32 $0xFFFFC000  }
0x240: {  	_ =	swait.ge [sflag:s2], $0x4000  }
0x241: {  	[sflag:s2] =	ssyncset.done $0x0  }
0x242: {  	[sflag:s2] =	ssyncadd.s32 $0xFFFFC000  }
0x243: {  	_ =	swait.ge [sflag:s2], $0x4000  }
0x244: {  	[sflag:s2] =	ssyncset.done $0x0  }
0x245: {  	[sflag:s2] =	ssyncadd.s32 $0xFFFFC000  }
0x246: {  	_ =	swait.ge [sflag:s2], $0x4000  }
0x247: {  	[sflag:s2] =	ssyncset.done $0x0  }
0x248: {  	[sflag:s2] =	ssyncadd.s32 $0xFFFFC000  }
0x249: {  	_ =	swait.ge [sflag:s2], $0x3000  }
0x24a: {  	[sflag:s2] =	ssyncset.done $0x0  }
0x24b: {  	s18 =	simm.s32 $0x0;
	[sflag:s2] =	ssyncadd.s32 $0xFFFFD000  }
0x24c: {  	v2 =	vld [tilespmem:s18+$0x49F0]  }
0x24d: {  	v3 =	vld [tilespmem:s18+$0x49D0]  }
0x24e: {  	v4 =	vld [tilespmem:s18+$0x49E0]  }
0x24f: {  	v5 =	vld [tilespmem:s18+$0x49C0]  }
0x250: {  	v6 =	vld [tilespmem:s8+$0x0]  }
0x251: {  	v7 =	vld [tilespmem:s18+$0x9C0]  }
0x252: {  	v8 =	vld [tilespmem:s18+$0x9D0]  }
0x253: {  	v9 =	vld [tilespmem:s18+$0x9E0]  }
0x254: {  	v10 =	vld [tilespmem:s18+$0x9F0]  }
0x255: {  	v3 =	vmul.f32 v3, v6  }
0x256: {  	v7 =	vmul.f32 v7, v6;
	v5 =	vmul.f32 v5, v6  }
0x257: {  	v6 =	vmul.f32 v8, v6;
	v2 =	vadd.f32 v2, v3  }
0x258: {  	v3 =	vadd.f32 v9, v7;
	v4 =	vadd.f32 v4, v5  }
0x259: {  	v28 =	vadd.f32 v10, v6;
	v29 =	vmul.f32 $1.591549370e-01, v2  }
0x25a: {  	v7 =	vmul.f32 $1.591549370e-01, v3;
	v30 =	vmul.f32 $1.591549370e-01, v4  }
0x25b: {  	v31 =	vmul.f32 $1.591549370e-01, v28  }
0x25c: {  	vm0 =	vge.f32 v7, $0.0e+00;
	vm1 =	vge.f32 v30, $0.0e+00;
	vm2 =	vge.f32 v29, $0.0e+00  }
0x25d: {  	vm14 =	vge.f32 v31, $0.0e+00;
	v32 =	vsel vm0, $0x3F000000, v0;
	v11 =	vsel vm2, $0x3F000000, v0  }
0x25e: {  	v33 =	vsel vm1, $0x3F000000, v0;
	v7 =	vadd.f32 v32, v7;
	v6 =	vadd.f32 v11, v29  }
0x25f: {  	v34 =	vsel vm14, $0x3F000000, v0;
	v8 =	vadd.f32 v33, v30  }
0x260: {  	v9 =	vadd.f32 v34, v31;
	v7 =	vtrunc.f32 v7;
	v6 =	vtrunc.f32 v6  }
0x261: {  	v8 =	vtrunc.f32 v8;
	v7 =	vcvt.f32.s32 v7  }
0x262: {  	v9 =	vtrunc.f32 v9;
	v8 =	vcvt.f32.s32 v8  }
0x263: {  	v9 =	vcvt.f32.s32 v9;
	v7 =	vcvt.s32.f32 v7  }
0x264: {  	v6 =	vcvt.f32.s32 v6;
	v8 =	vcvt.s32.f32 v8  }
0x265: {  	v9 =	vcvt.s32.f32 v9;
	v7 =	vmul.f32 $6.283185480e+00, v7  }
0x266: {  	v6 =	vcvt.s32.f32 v6;
	v8 =	vmul.f32 $6.283185480e+00, v8  }
0x267: {  	v35 =	vmul.f32 $6.283185480e+00, v9;
	v3 =	vsub.f32 v3, v7  }
0x268: {  	v6 =	vmul.f32 $6.283185480e+00, v6;
	v4 =	vsub.f32 v4, v8  }
0x269: {  	v5 =	vsub.f32 v28, v35;
	v36 =	vmul.f32 v3, v3  }
0x26a: {  	v2 =	vsub.f32 v2, v6;
	v37 =	vmul.f32 v4, v4  }
0x26b: {  	v39 =	vmul.f32 v5, v5;
	v38 =	vmul.f32 $1.353326760e-10, v36  }
0x26c: {  	v41 =	vmul.f32 v2, v2;
	v40 =	vmul.f32 $1.353326760e-10, v37  }
0x26d: {  	v12 =	vmul.f32 $1.353326760e-10, v39;
	v6 =	vadd.f32 $-2.470160960e-08, v38  }
0x26e: {  	v13 =	vmul.f32 $1.353326760e-10, v41;
	v10 =	vadd.f32 $-2.470160960e-08, v40  }
0x26f: {  	v12 =	vadd.f32 $-2.470160960e-08, v12;
	v6 =	vmul.f32 v6, v36  }
0x270: {  	v13 =	vadd.f32 $-2.470160960e-08, v13;
	v10 =	vmul.f32 v10, v37  }
0x271: {  	v12 =	vmul.f32 v12, v39;
	v6 =	vadd.f32 $2.753229180e-06, v6  }
0x272: {  	s9 =	simm.s32 $0x109B0;
	v13 =	vmul.f32 v13, v41;
	v10 =	vadd.f32 $2.753229180e-06, v10  }
0x273: {  	v15 =	vld [tilespmem:s9+$0x0];
	v12 =	vadd.f32 $2.753229180e-06, v12;
	v6 =	vmul.f32 v6, v36  }
0x274: {  	v16 =	vld [tilespmem:s18+$0x9B0];
	v13 =	vadd.f32 $2.753229180e-06, v13;
	v10 =	vmul.f32 v10, v37  }
0x275: {  	v18 =	vld [tilespmem:s9+$0xFFFFFFF0];
	v12 =	vmul.f32 v12, v39;
	v6 =	vadd.f32 $-1.984031110e-04, v6  }
0x276: {  	v19 =	vld [tilespmem:s18+$0x9A0];
	v13 =	vmul.f32 v13, v41;
	v10 =	vadd.f32 $-1.984031110e-04, v10  }
0x277: {  	v20 =	vld [tilespmem:s9+$0xFFFFFFE0];
	v12 =	vadd.f32 $-1.984031110e-04, v12;
	v6 =	vmul.f32 v6, v36  }
0x278: {  	v21 =	vld [tilespmem:s18+$0x990];
	v13 =	vadd.f32 $-1.984031110e-04, v13;
	v10 =	vmul.f32 v10, v37  }
0x279: {  	v22 =	vld [tilespmem:s9+$0xFFFFFFD0];
	v12 =	vmul.f32 v12, v39;
	v6 =	vadd.f32 $8.333314210e-03, v6  }
0x27a: {  	v23 =	vld [tilespmem:s18+$0x980];
	v13 =	vmul.f32 v13, v41;
	v10 =	vadd.f32 $8.333314210e-03, v10  }
0x27b: {  	v14 =	vld [tilespmem:s18+$0x49B0];
	v12 =	vadd.f32 $8.333314210e-03, v12;
	v6 =	vmul.f32 v6, v36  }
0x27c: {  	v17 =	vld [tilespmem:s18+$0x49A0];
	v15 =	vadd.f32 v15, v16;
	v13 =	vadd.f32 $8.333314210e-03, v13;
	v10 =	vmul.f32 v10, v37  }
0x27d: {  	v43 =	vld [tilespmem:s18+$0x4980];
	v18 =	vadd.f32 v18, v19;
	v12 =	vmul.f32 v12, v39;
	v6 =	vadd.f32 $-1.666666570e-01, v6  }
0x27e: {  	v42 =	vld [tilespmem:s18+$0x4990];
	v47 =	vadd.f32 v20, v21;
	v13 =	vmul.f32 v13, v41;
	v10 =	vadd.f32 $-1.666666570e-01, v10  }
0x27f: {  	v46 =	vld [tilespmem:s18+$0x8990];
	v50 =	vadd.f32 v22, v23;
	v45 =	vadd.f32 $-1.666666570e-01, v12;
	v6 =	vmul.f32 v6, v36  }
0x280: {  	v48 =	vld [tilespmem:s18+$0x8980];
	v14 =	vsub.f32 v15, v14;
	v49 =	vadd.f32 $-1.666666570e-01, v13;
	v7 =	vmul.f32 v10, v37  }
0x281: {  	v51 =	vld [tilespmem:s9+$0x10];
	v44 =	vsub.f32 v18, v17;
	v8 =	vmul.f32 v45, v39;
	v6 =	vadd.f32 $1.000000000e+00, v6  }
0x282: {  	v53 =	vld [tilespmem:s18+$0xC980];
	v54 =	vsub.f32 v50, v43;
	v10 =	vmul.f32 v49, v41;
	v7 =	vadd.f32 $1.000000000e+00, v7  }
0x283: {  	v56 =	vld [tilespmem:s9+$0x20];
	v52 =	vsub.f32 v47, v42;
	v55 =	vadd.f32 $1.000000000e+00, v8;
	v3 =	vmul.f32 v6, v3  }
0x284: {  	v58 =	vld [tilespmem:s18+$0xC990];
	v11 =	vand.u32 $0x7FFFFFFF, v54;
	v57 =	vadd.f32 $1.000000000e+00, v10;
	v4 =	vmul.f32 v7, v4  }
0x285: {  	v9 =	vand.u32 $0x7FFFFFFF, v52;
	v5 =	vmul.f32 v55, v5;
	v3 =	vmul.f32 v3, v48  }
0x286: {  	v60 =	vand.u32 $0x7FFFFFFF, v44;
	v59 =	vadd.f32 v9, v11;
	v2 =	vmul.f32 v57, v2  }
0x287: {  	v4 =	vmul.f32 v4, v53;
	v5 =	vmul.f32 v5, v46;
	v3 =	vadd.f32 v3, v51  }
0x288: {  	v61 =	vand.u32 $0x7FFFFFFF, v14;
	v6 =	vadd.f32 v60, v59  }
0x289: {  	v2 =	vmul.f32 v2, v58;
	v62 =	vadd.f32 v5, v56;
	v3 =	vsub.f32 v3, v4  }
0x28a: {  	v63 =	vadd.f32 v61, v6  }
0x28b: {  	v2 =	vsub.f32 v62, v2;
	v3 =	vand.u32 $0x7FFFFFFF, v3  }
0x28c: {  	v3 =	vadd.f32 v3, v63  }
0x28d: {  	v2 =	vand.u32 $0x7FFFFFFF, v2  }
0x28e: {  	v2 =	vadd.f32 v2, v3;
	_ =	sdelay $0x1  }
0x28f: {  	(v2sf) =	vpush v2, $0x0  }
0x290: {  	(v2sf) =	vpush v2, $0x1  }
0x291: {  	(v2sf) =	vpush v2, $0x2  }
0x292: {  	(v2sf) =	vpush v2, $0x3  }
0x293: {  	(v2sf) =	vpush v2, $0x4  }
0x294: {  	(v2sf) =	vpush v2, $0x5  }
0x295: {  	(v2sf) =	vpush v2, $0x6  }
0x296: {  	(v2sf) =	vpush v2, $0x7  }
0x297: {  	(v2sf) =	vpush v2, $0x8  }
0x298: {  	(v2sf) =	vpush v2, $0x9  }
0x299: {  	(v2sf) =	vpush v2, $0xA  }
0x29a: {  	(v2sf) =	vpush v2, $0xB  }
0x29b: {  	(v2sf) =	vpush v2, $0xC  }
0x29c: {  	(v2sf) =	vpush v2, $0xD  }
0x29d: {  	(v2sf) =	vpush v2, $0xE  }
0x29e: {  	s19 =	spop (v2sf);
	(v2sf) =	vpush v2, $0xF  }
0x29f: {  	s11 =	spop (v2sf)  }
0x2a0: {  	s12 =	spop (v2sf)  }
0x2a1: {  	s13 =	spop (v2sf)  }
0x2a2: {  	s14 =	spop (v2sf)  }
0x2a3: {  	s15 =	spop (v2sf)  }
0x2a4: {  	s16 =	spop (v2sf)  }
0x2a5: {  	s10 =	sadd.f32 s11, s19;
	s17 =	spop (v2sf)  }
0x2a6: {  	s12 =	sadd.f32 s13, s12;
	s18 =	spop (v2sf)  }
0x2a7: {  	s14 =	sadd.f32 s15, s14;
	s20 =	spop (v2sf)  }
0x2a8: {  	s10 =	sadd.f32 s12, s10;
	s13 =	spop (v2sf)  }
0x2a9: {  	s16 =	sadd.f32 s17, s16;
	s19 =	spop (v2sf)  }
0x2aa: {  	s11 =	sadd.f32 s20, s18;
	s17 =	spop (v2sf)  }
0x2ab: {  	s18 =	sadd.f32 s16, s14;
	s20 =	spop (v2sf)  }
0x2ac: {  	s13 =	sadd.f32 s19, s13;
	s19 =	spop (v2sf)  }
0x2ad: {  	s17 =	sadd.f32 s20, s17;
	s20 =	spop (v2sf)  }
0x2ae: {  	s15 =	sadd.f32 s20, s19  }
0x2af: {  	s11 =	sadd.f32 s13, s11  }
0x2b0: {  	s19 =	sadd.f32 s15, s17  }
0x2b1: {  	s10 =	sadd.f32 s18, s10  }
0x2b2: {  	s11 =	sadd.f32 s19, s11;
	_ =	sdelay $0x1  }
0x2b3: {  	s10 =	sadd.f32 s11, s10  }
0x2b4: {  	s20 =	sand.u32 $0xF, s7  }
0x2b5: {  	v2 =	vmov s20;
	s10 =	ssub.f32 $1.200000000e+01, s10  }
0x2b6: {  	v3 =	vimm.f32 $0.0e+00;
	vm15 =	veq.s32 v2, v1  }
0x2b7: {  	p1 =	sne.s32 s20, $0xF;
	s11 =	simm.s32 $0x200;
	v2 =	vsel vm15, s10, v3;
	s10 =	simm.s32 $0x13A71  }
.LBB2_6:
0x2b8: {  	s12 =	sshra.s32 s11, $0x2;
	[tilespmem:s10+$0x0] =	vst @!p1 v2  }
0x2b9: {  	v3 =	vld [tilespmem:s12+$0x49F0]  }
0x2ba: {  	v4 =	vld [tilespmem:s12+$0x49D0]  }
0x2bb: {  	v5 =	vld [tilespmem:s12+$0x49E0]  }
0x2bc: {  	s8 =	sadd.s32 $0x10, s8;
	v6 =	vld [tilespmem:s12+$0x49C0]  }
0x2bd: {  	v7 =	vld [tilespmem:s8+$0x0]  }
0x2be: {  	v8 =	vld [tilespmem:s12+$0x9C0]  }
0x2bf: {  	v9 =	vld [tilespmem:s12+$0x9D0]  }
0x2c0: {  	v10 =	vld [tilespmem:s12+$0x9E0]  }
0x2c1: {  	v11 =	vld [tilespmem:s12+$0x9F0]  }
0x2c2: {  	v4 =	vmul.f32 v4, v7  }
0x2c3: {  	v6 =	vmul.f32 v6, v7;
	v8 =	vmul.f32 v8, v7  }
0x2c4: {  	v7 =	vmul.f32 v9, v7;
	v3 =	vadd.f32 v3, v4  }
0x2c5: {  	v5 =	vadd.f32 v5, v6;
	v4 =	vadd.f32 v10, v8  }
0x2c6: {  	v6 =	vadd.f32 v11, v7;
	v7 =	vmul.f32 $1.591549370e-01, v3  }
0x2c7: {  	v9 =	vmul.f32 $1.591549370e-01, v5;
	v8 =	vmul.f32 $1.591549370e-01, v4  }
0x2c8: {  	v10 =	vmul.f32 $1.591549370e-01, v6  }
0x2c9: {  	vm1 =	vge.f32 v9, $0.0e+00;
	vm2 =	vge.f32 v7, $0.0e+00;
	vm0 =	vge.f32 v8, $0.0e+00  }
0x2ca: {  	v12 =	vsel vm2, $0x3F000000, v0;
	v11 =	vsel vm0, $0x3F000000, v0;
	vm0 =	vge.f32 v10, $0.0e+00  }
0x2cb: {  	v7 =	vadd.f32 v12, v7;
	v8 =	vadd.f32 v11, v8;
	v11 =	vsel vm1, $0x3F000000, v0  }
0x2cc: {  	v9 =	vadd.f32 v11, v9;
	v11 =	vsel vm0, $0x3F000000, v0  }
0x2cd: {  	v7 =	vtrunc.f32 v7;
	v8 =	vtrunc.f32 v8;
	v10 =	vadd.f32 v11, v10  }
0x2ce: {  	s11 =	sadd.s32 $0x200, s11;
	v8 =	vcvt.f32.s32 v8;
	v9 =	vtrunc.f32 v9  }
0x2cf: {  	p0 =	sne.s32 s11, $0x10000;
	v9 =	vcvt.f32.s32 v9;
	v10 =	vtrunc.f32 v10  }
0x2d0: {  	v8 =	vcvt.s32.f32 v8;
	v10 =	vcvt.f32.s32 v10  }
0x2d1: {  	v7 =	vcvt.f32.s32 v7;
	v9 =	vcvt.s32.f32 v9  }
0x2d2: {  	v8 =	vmul.f32 $6.283185480e+00, v8;
	v10 =	vcvt.s32.f32 v10  }
0x2d3: {  	v7 =	vcvt.s32.f32 v7;
	v9 =	vmul.f32 $6.283185480e+00, v9  }
0x2d4: {  	v4 =	vsub.f32 v4, v8;
	v8 =	vmul.f32 $6.283185480e+00, v10  }
0x2d5: {  	v7 =	vmul.f32 $6.283185480e+00, v7;
	v5 =	vsub.f32 v5, v9  }
0x2d6: {  	v9 =	vmul.f32 v4, v4;
	v6 =	vsub.f32 v6, v8  }
0x2d7: {  	v3 =	vsub.f32 v3, v7;
	v8 =	vmul.f32 v5, v5  }
0x2d8: {  	v7 =	vmul.f32 $1.353326760e-10, v9;
	v10 =	vmul.f32 v6, v6  }
0x2d9: {  	v12 =	vmul.f32 v3, v3;
	v11 =	vmul.f32 $1.353326760e-10, v8  }
0x2da: {  	v7 =	vadd.f32 $-2.470160960e-08, v7;
	v13 =	vmul.f32 $1.353326760e-10, v10  }
0x2db: {  	v14 =	vmul.f32 $1.353326760e-10, v12;
	v11 =	vadd.f32 $-2.470160960e-08, v11  }
0x2dc: {  	v7 =	vmul.f32 v7, v9;
	v13 =	vadd.f32 $-2.470160960e-08, v13  }
0x2dd: {  	v14 =	vadd.f32 $-2.470160960e-08, v14;
	v11 =	vmul.f32 v11, v8  }
0x2de: {  	v7 =	vadd.f32 $2.753229180e-06, v7;
	v13 =	vmul.f32 v13, v10  }
0x2df: {  	v14 =	vmul.f32 v14, v12;
	v11 =	vadd.f32 $2.753229180e-06, v11  }
0x2e0: {  	s9 =	sadd.s32 $0x60, s9;
	v15 =	vld [tilespmem:s12+$0x49B0];
	v7 =	vmul.f32 v7, v9;
	v13 =	vadd.f32 $2.753229180e-06, v13  }
0x2e1: {  	v14 =	vadd.f32 $2.753229180e-06, v14;
	v16 =	vld [tilespmem:s9+$0x0];
	v11 =	vmul.f32 v11, v8  }
0x2e2: {  	v17 =	vld [tilespmem:s12+$0x9B0];
	v7 =	vadd.f32 $-1.984031110e-04, v7;
	v13 =	vmul.f32 v13, v10  }
0x2e3: {  	v14 =	vmul.f32 v14, v12;
	v18 =	vld [tilespmem:s12+$0x49A0];
	v11 =	vadd.f32 $-1.984031110e-04, v11  }
0x2e4: {  	v19 =	vld [tilespmem:s9+$0xFFFFFFF0];
	v7 =	vmul.f32 v7, v9;
	v13 =	vadd.f32 $-1.984031110e-04, v13  }
0x2e5: {  	v14 =	vadd.f32 $-1.984031110e-04, v14;
	v20 =	vld [tilespmem:s12+$0x9A0];
	v11 =	vmul.f32 v11, v8  }
0x2e6: {  	v21 =	vld [tilespmem:s9+$0xFFFFFFE0];
	v7 =	vadd.f32 $8.333314210e-03, v7;
	v13 =	vmul.f32 v13, v10  }
0x2e7: {  	v14 =	vmul.f32 v14, v12;
	v22 =	vld [tilespmem:s12+$0x990];
	v11 =	vadd.f32 $8.333314210e-03, v11  }
0x2e8: {  	v23 =	vld [tilespmem:s9+$0xFFFFFFD0];
	v7 =	vmul.f32 v7, v9;
	v13 =	vadd.f32 $8.333314210e-03, v13  }
0x2e9: {  	v14 =	vadd.f32 $8.333314210e-03, v14;
	v16 =	vadd.f32 v16, v17;
	v24 =	vld [tilespmem:s12+$0x980];
	v11 =	vmul.f32 v11, v8  }
0x2ea: {  	v17 =	vld [tilespmem:s12+$0x4990];
	v19 =	vadd.f32 v19, v20;
	v7 =	vadd.f32 $-1.666666570e-01, v7;
	v13 =	vmul.f32 v13, v10  }
0x2eb: {  	v14 =	vmul.f32 v14, v12;
	v15 =	vsub.f32 v16, v15;
	v20 =	vld [tilespmem:s12+$0x4980];
	v11 =	vadd.f32 $-1.666666570e-01, v11  }
0x2ec: {  	v16 =	vsub.f32 v19, v18;
	v7 =	vmul.f32 v7, v9;
	v9 =	vadd.f32 $-1.666666570e-01, v13;
	v13 =	vld [tilespmem:s12+$0x8990]  }
0x2ed: {  	v18 =	vadd.f32 v21, v22;
	v19 =	vld [tilespmem:s12+$0x8980];
	v8 =	vmul.f32 v11, v8;
	v11 =	vadd.f32 $-1.666666570e-01, v14  }
0x2ee: {  	v14 =	vadd.f32 v23, v24;
	v7 =	vadd.f32 $1.000000000e+00, v7;
	v21 =	vld [tilespmem:s9+$0x10];
	v9 =	vmul.f32 v9, v10  }
0x2ef: {  	v10 =	vsub.f32 v18, v17;
	v8 =	vadd.f32 $1.000000000e+00, v8;
	v17 =	vld [tilespmem:s12+$0xC980];
	v11 =	vmul.f32 v11, v12  }
0x2f0: {  	v12 =	vsub.f32 v14, v20;
	v4 =	vmul.f32 v7, v4;
	v7 =	vadd.f32 $1.000000000e+00, v9;
	v9 =	vld [tilespmem:s9+$0x20]  }
0x2f1: {  	v10 =	vand.u32 $0x7FFFFFFF, v10;
	v5 =	vmul.f32 v8, v5;
	v8 =	vadd.f32 $1.000000000e+00, v11;
	v11 =	vld [tilespmem:s12+$0xC990]  }
0x2f2: {  	v12 =	vand.u32 $0x7FFFFFFF, v12;
	v4 =	vmul.f32 v4, v19;
	v6 =	vmul.f32 v7, v6  }
0x2f3: {  	v7 =	vadd.f32 v10, v12;
	v10 =	vand.u32 $0x7FFFFFFF, v16;
	v3 =	vmul.f32 v8, v3  }
0x2f4: {  	v5 =	vmul.f32 v5, v17;
	v4 =	vadd.f32 v4, v21;
	v6 =	vmul.f32 v6, v13  }
0x2f5: {  	v8 =	vand.u32 $0x7FFFFFFF, v15;
	v7 =	vadd.f32 v10, v7  }
0x2f6: {  	v4 =	vsub.f32 v4, v5;
	v3 =	vmul.f32 v3, v11;
	v5 =	vadd.f32 v6, v9  }
0x2f7: {  	v6 =	vadd.f32 v8, v7  }
0x2f8: {  	v4 =	vand.u32 $0x7FFFFFFF, v4;
	v3 =	vsub.f32 v5, v3  }
0x2f9: {  	v4 =	vadd.f32 v4, v6  }
0x2fa: {  	v3 =	vand.u32 $0x7FFFFFFF, v3  }
0x2fb: {  	v3 =	vadd.f32 v3, v4;
	_ =	sdelay $0x1  }
0x2fc: {  	(v2sf) =	vpush v3, $0x0  }
0x2fd: {  	(v2sf) =	vpush v3, $0x1  }
0x2fe: {  	(v2sf) =	vpush v3, $0x2  }
0x2ff: {  	(v2sf) =	vpush v3, $0x3  }
0x300: {  	(v2sf) =	vpush v3, $0x4  }
0x301: {  	(v2sf) =	vpush v3, $0x5  }
0x302: {  	(v2sf) =	vpush v3, $0x6  }
0x303: {  	(v2sf) =	vpush v3, $0x7  }
0x304: {  	(v2sf) =	vpush v3, $0x8  }
0x305: {  	(v2sf) =	vpush v3, $0x9  }
0x306: {  	(v2sf) =	vpush v3, $0xA  }
0x307: {  	(v2sf) =	vpush v3, $0xB  }
0x308: {  	(v2sf) =	vpush v3, $0xC  }
0x309: {  	(v2sf) =	vpush v3, $0xD  }
0x30a: {  	(v2sf) =	vpush v3, $0xE  }
0x30b: {  	s12 =	spop (v2sf);
	(v2sf) =	vpush v3, $0xF  }
0x30c: {  	s13 =	spop (v2sf)  }
0x30d: {  	s14 =	spop (v2sf)  }
0x30e: {  	s15 =	spop (v2sf)  }
0x30f: {  	s16 =	spop (v2sf)  }
0x310: {  	s17 =	spop (v2sf)  }
0x311: {  	s18 =	spop (v2sf)  }
0x312: {  	s19 =	spop (v2sf)  }
0x313: {  	s20 =	spop (v2sf)  }
0x314: {  	s12 =	sadd.f32 s13, s12;
	s13 =	spop (v2sf)  }
0x315: {  	s14 =	sadd.f32 s15, s14;
	s15 =	spop (v2sf)  }
0x316: {  	s16 =	sadd.f32 s17, s16;
	s17 =	spop (v2sf)  }
0x317: {  	s18 =	sadd.f32 s19, s18;
	s19 =	spop (v2sf)  }
0x318: {  	s13 =	sadd.f32 s13, s20;
	s20 =	spop (v2sf)  }
0x319: {  	s15 =	sadd.f32 s17, s15;
	s17 =	spop (v2sf)  }
0x31a: {  	s19 =	sadd.f32 s20, s19;
	s20 =	spop (v2sf)  }
0x31b: {  	s17 =	sadd.f32 s20, s17  }
0x31c: {  	s12 =	sadd.f32 s14, s12  }
0x31d: {  	s14 =	sadd.f32 s18, s16  }
0x31e: {  	s13 =	sadd.f32 s15, s13  }
0x31f: {  	s15 =	sadd.f32 s17, s19  }
0x320: {  	s12 =	sadd.f32 s14, s12  }
0x321: {  	s13 =	sadd.f32 s15, s13;
	_ =	sdelay $0x1  }
.Ltmp2:
0x322: {  	s7 =	sadd.s32 $0x1, s7;
	s12 =	sadd.f32 s13, s12;
	(pc) =	sbr.rel @p0 .LBB2_6-.Ltmp2, $4  }
0x323: {  	s13 =	sand.u32 $0xF, s7  }
0x324: {  	v3 =	vmov s13;
	s12 =	ssub.f32 $1.200000000e+01, s12  }
0x325: {  	vm0 =	veq.s32 v3, v1  }
0x326: {  	s10 =	sadd.s32 $0x1, s10;
	p1 =	sne.s32 s13, $0xF;
	v2 =	vsel vm0, s12, v2  }
0x327: {  	[tilespmem:s10+$0x0] =	vst @!p1 v2;
	s7 =	simm.s32 $0x0;
	s8 =	rddreg [dreg:$0xb]  }
0x328: {  	[tilespmem:s7], [sflag:$0x2] =	stream.linear.gather [hbm4b:s8+s7], $0x80, $0x38;
	[tilespmem:$0x13B80] =	vst v63  }
0x329: {  	_ =	swait.ge [sflag:s24], $0x80  }
0x32a: {  	[sflag:s24] =	ssyncset.done $0x0  }
0x32b: {  	s16 =	rddreg [dreg:$0xc];
	[sflag:s24] =	ssyncadd.s32 $0xFFFFFF80  }
0x32c: {  	[tilespmem:s25], [sflag:$0x2] =	stream.linear.gather [hbm4b:s16+s7], $0x80, $0x38;
	[tilespmem:$0x13B80] =	vst v63  }
0x32d: {  	_ =	swait.ge [sflag:s24], $0x80  }
0x32e: {  	[sflag:s24] =	ssyncset.done $0x0  }
0x32f: {  	s17 =	rddreg [dreg:$0xd];
	[sflag:s24] =	ssyncadd.s32 $0xFFFFFF80  }
0x330: {  	[tilespmem:s26], [sflag:$0x2] =	stream.linear.gather [hbm4b:s17+s7], $0x80, $0x38;
	[tilespmem:$0x13B80] =	vst v63  }
0x331: {  	_ =	swait.ge [sflag:s24], $0x80  }
0x332: {  	[sflag:s24] =	ssyncset.done $0x0  }
0x333: {  	s8 =	simm.s32 $0x180;
	[sflag:s24] =	ssyncadd.s32 $0xFFFFFF80  }
0x334: {  	[tilespmem:s8], [sflag:$0x2] =	stream.linear.gather [hbm4b:s21+s7], $0x800, $0x38;
	[tilespmem:$0x13B80] =	vst v63  }
0x335: {  	_ =	swait.ge [sflag:s24], $0x800  }
0x336: {  	[sflag:s24] =	ssyncset.done $0x0  }
0x337: {  	[sflag:s24] =	ssyncadd.s32 $0xFFFFF800  }
0x338: {  	[tilespmem:s28], [sflag:$0x1] =	stream.indirect.gather [hbm4b:s3+s25], $0x80, s7, s25, $0xb8;
	[tilespmem:$0x13B80] =	vst v63  }
0x339: {  	_ = 	snop  }
0x33a: {  	[tilespmem:s29], [sflag:$0x1] =	stream.indirect.gather [hbm4b:s3+s25], $0x80, s25, s25, $0xb8;
	[tilespmem:$0x13B80] =	vst v63  }
0x33b: {  	_ = 	snop  }
0x33c: {  	[tilespmem:s30], [sflag:$0x1] =	stream.indirect.gather [hbm4b:s4+s25], $0x80, s7, s25, $0xb8;
	[tilespmem:$0x13B80] =	vst v63  }
0x33d: {  	_ = 	snop  }
0x33e: {  	[tilespmem:s31], [sflag:$0x1] =	stream.indirect.gather [hbm4b:s4+s25], $0x80, s25, s25, $0xb8;
	[tilespmem:$0x13B80] =	vst v63  }
0x33f: {  	_ = 	snop  }
0x340: {  	[tilespmem:s0], [sflag:$0x1] =	stream.indirect.gather [hbm4b:s5+s25], $0x60, s26, s25, $0xb8;
	[tilespmem:$0x13B80] =	vst v63  }
0x341: {  	_ =	swait.ge [sflag:s2], $0x4000  }
0x342: {  	[sflag:s2] =	ssyncset.done $0x0  }
0x343: {  	[sflag:s2] =	ssyncadd.s32 $0xFFFFC000  }
0x344: {  	_ =	swait.ge [sflag:s2], $0x4000  }
0x345: {  	[sflag:s2] =	ssyncset.done $0x0  }
0x346: {  	[sflag:s2] =	ssyncadd.s32 $0xFFFFC000  }
0x347: {  	_ =	swait.ge [sflag:s2], $0x4000  }
0x348: {  	[sflag:s2] =	ssyncset.done $0x0  }
0x349: {  	[sflag:s2] =	ssyncadd.s32 $0xFFFFC000  }
0x34a: {  	_ =	swait.ge [sflag:s2], $0x4000  }
0x34b: {  	[sflag:s2] =	ssyncset.done $0x0  }
0x34c: {  	[sflag:s2] =	ssyncadd.s32 $0xFFFFC000  }
0x34d: {  	_ =	swait.ge [sflag:s2], $0x3000  }
0x34e: {  	[sflag:s2] =	ssyncset.done $0x0  }
0x34f: {  	s18 =	simm.s32 $0x0;
	[sflag:s2] =	ssyncadd.s32 $0xFFFFD000  }
0x350: {  	v2 =	vld [tilespmem:s18+$0x49F0]  }
0x351: {  	v3 =	vld [tilespmem:s18+$0x49D0]  }
0x352: {  	v4 =	vld [tilespmem:s18+$0x49E0]  }
0x353: {  	v5 =	vld [tilespmem:s18+$0x49C0]  }
0x354: {  	v6 =	vld [tilespmem:s8+$0x0]  }
0x355: {  	v7 =	vld [tilespmem:s18+$0x9C0]  }
0x356: {  	v8 =	vld [tilespmem:s18+$0x9D0]  }
0x357: {  	v9 =	vld [tilespmem:s18+$0x9E0]  }
0x358: {  	v10 =	vld [tilespmem:s18+$0x9F0]  }
0x359: {  	v3 =	vmul.f32 v3, v6  }
0x35a: {  	v7 =	vmul.f32 v7, v6;
	v5 =	vmul.f32 v5, v6  }
0x35b: {  	v6 =	vmul.f32 v8, v6;
	v2 =	vadd.f32 v2, v3  }
0x35c: {  	v3 =	vadd.f32 v9, v7;
	v4 =	vadd.f32 v4, v5  }
0x35d: {  	v28 =	vadd.f32 v10, v6;
	v29 =	vmul.f32 $1.591549370e-01, v2  }
0x35e: {  	v7 =	vmul.f32 $1.591549370e-01, v3;
	v30 =	vmul.f32 $1.591549370e-01, v4  }
0x35f: {  	v31 =	vmul.f32 $1.591549370e-01, v28  }
0x360: {  	vm0 =	vge.f32 v7, $0.0e+00;
	vm1 =	vge.f32 v30, $0.0e+00;
	vm2 =	vge.f32 v29, $0.0e+00  }
0x361: {  	vm14 =	vge.f32 v31, $0.0e+00;
	v32 =	vsel vm0, $0x3F000000, v0;
	v11 =	vsel vm2, $0x3F000000, v0  }
0x362: {  	v33 =	vsel vm1, $0x3F000000, v0;
	v7 =	vadd.f32 v32, v7;
	v6 =	vadd.f32 v11, v29  }
0x363: {  	v34 =	vsel vm14, $0x3F000000, v0;
	v8 =	vadd.f32 v33, v30  }
0x364: {  	v9 =	vadd.f32 v34, v31;
	v7 =	vtrunc.f32 v7;
	v6 =	vtrunc.f32 v6  }
0x365: {  	v8 =	vtrunc.f32 v8;
	v7 =	vcvt.f32.s32 v7  }
0x366: {  	v9 =	vtrunc.f32 v9;
	v8 =	vcvt.f32.s32 v8  }
0x367: {  	v9 =	vcvt.f32.s32 v9;
	v7 =	vcvt.s32.f32 v7  }
0x368: {  	v6 =	vcvt.f32.s32 v6;
	v8 =	vcvt.s32.f32 v8  }
0x369: {  	v9 =	vcvt.s32.f32 v9;
	v7 =	vmul.f32 $6.283185480e+00, v7  }
0x36a: {  	v6 =	vcvt.s32.f32 v6;
	v8 =	vmul.f32 $6.283185480e+00, v8  }
0x36b: {  	v35 =	vmul.f32 $6.283185480e+00, v9;
	v3 =	vsub.f32 v3, v7  }
0x36c: {  	v6 =	vmul.f32 $6.283185480e+00, v6;
	v4 =	vsub.f32 v4, v8  }
0x36d: {  	v5 =	vsub.f32 v28, v35;
	v36 =	vmul.f32 v3, v3  }
0x36e: {  	v2 =	vsub.f32 v2, v6;
	v37 =	vmul.f32 v4, v4  }
0x36f: {  	v39 =	vmul.f32 v5, v5;
	v38 =	vmul.f32 $1.353326760e-10, v36  }
0x370: {  	v41 =	vmul.f32 v2, v2;
	v40 =	vmul.f32 $1.353326760e-10, v37  }
0x371: {  	v12 =	vmul.f32 $1.353326760e-10, v39;
	v6 =	vadd.f32 $-2.470160960e-08, v38  }
0x372: {  	v13 =	vmul.f32 $1.353326760e-10, v41;
	v10 =	vadd.f32 $-2.470160960e-08, v40  }
0x373: {  	v12 =	vadd.f32 $-2.470160960e-08, v12;
	v6 =	vmul.f32 v6, v36  }
0x374: {  	v13 =	vadd.f32 $-2.470160960e-08, v13;
	v10 =	vmul.f32 v10, v37  }
0x375: {  	v12 =	vmul.f32 v12, v39;
	v6 =	vadd.f32 $2.753229180e-06, v6  }
0x376: {  	s9 =	simm.s32 $0x109B0;
	v13 =	vmul.f32 v13, v41;
	v10 =	vadd.f32 $2.753229180e-06, v10  }
0x377: {  	v15 =	vld [tilespmem:s9+$0x0];
	v12 =	vadd.f32 $2.753229180e-06, v12;
	v6 =	vmul.f32 v6, v36  }
0x378: {  	v16 =	vld [tilespmem:s18+$0x9B0];
	v13 =	vadd.f32 $2.753229180e-06, v13;
	v10 =	vmul.f32 v10, v37  }
0x379: {  	v18 =	vld [tilespmem:s9+$0xFFFFFFF0];
	v12 =	vmul.f32 v12, v39;
	v6 =	vadd.f32 $-1.984031110e-04, v6  }
0x37a: {  	v19 =	vld [tilespmem:s18+$0x9A0];
	v13 =	vmul.f32 v13, v41;
	v10 =	vadd.f32 $-1.984031110e-04, v10  }
0x37b: {  	v20 =	vld [tilespmem:s9+$0xFFFFFFE0];
	v12 =	vadd.f32 $-1.984031110e-04, v12;
	v6 =	vmul.f32 v6, v36  }
0x37c: {  	v21 =	vld [tilespmem:s18+$0x990];
	v13 =	vadd.f32 $-1.984031110e-04, v13;
	v10 =	vmul.f32 v10, v37  }
0x37d: {  	v22 =	vld [tilespmem:s9+$0xFFFFFFD0];
	v12 =	vmul.f32 v12, v39;
	v6 =	vadd.f32 $8.333314210e-03, v6  }
0x37e: {  	v23 =	vld [tilespmem:s18+$0x980];
	v13 =	vmul.f32 v13, v41;
	v10 =	vadd.f32 $8.333314210e-03, v10  }
0x37f: {  	v14 =	vld [tilespmem:s18+$0x49B0];
	v12 =	vadd.f32 $8.333314210e-03, v12;
	v6 =	vmul.f32 v6, v36  }
0x380: {  	v17 =	vld [tilespmem:s18+$0x49A0];
	v15 =	vadd.f32 v15, v16;
	v13 =	vadd.f32 $8.333314210e-03, v13;
	v10 =	vmul.f32 v10, v37  }
0x381: {  	v43 =	vld [tilespmem:s18+$0x4980];
	v18 =	vadd.f32 v18, v19;
	v12 =	vmul.f32 v12, v39;
	v6 =	vadd.f32 $-1.666666570e-01, v6  }
0x382: {  	v42 =	vld [tilespmem:s18+$0x4990];
	v47 =	vadd.f32 v20, v21;
	v13 =	vmul.f32 v13, v41;
	v10 =	vadd.f32 $-1.666666570e-01, v10  }
0x383: {  	v46 =	vld [tilespmem:s18+$0x8990];
	v50 =	vadd.f32 v22, v23;
	v45 =	vadd.f32 $-1.666666570e-01, v12;
	v6 =	vmul.f32 v6, v36  }
0x384: {  	v48 =	vld [tilespmem:s18+$0x8980];
	v14 =	vsub.f32 v15, v14;
	v49 =	vadd.f32 $-1.666666570e-01, v13;
	v7 =	vmul.f32 v10, v37  }
0x385: {  	v51 =	vld [tilespmem:s9+$0x10];
	v44 =	vsub.f32 v18, v17;
	v8 =	vmul.f32 v45, v39;
	v6 =	vadd.f32 $1.000000000e+00, v6  }
0x386: {  	v53 =	vld [tilespmem:s18+$0xC980];
	v54 =	vsub.f32 v50, v43;
	v10 =	vmul.f32 v49, v41;
	v7 =	vadd.f32 $1.000000000e+00, v7  }
0x387: {  	v56 =	vld [tilespmem:s9+$0x20];
	v52 =	vsub.f32 v47, v42;
	v55 =	vadd.f32 $1.000000000e+00, v8;
	v3 =	vmul.f32 v6, v3  }
0x388: {  	v58 =	vld [tilespmem:s18+$0xC990];
	v11 =	vand.u32 $0x7FFFFFFF, v54;
	v57 =	vadd.f32 $1.000000000e+00, v10;
	v4 =	vmul.f32 v7, v4  }
0x389: {  	v9 =	vand.u32 $0x7FFFFFFF, v52;
	v5 =	vmul.f32 v55, v5;
	v3 =	vmul.f32 v3, v48  }
0x38a: {  	v60 =	vand.u32 $0x7FFFFFFF, v44;
	v59 =	vadd.f32 v9, v11;
	v2 =	vmul.f32 v57, v2  }
0x38b: {  	v4 =	vmul.f32 v4, v53;
	v5 =	vmul.f32 v5, v46;
	v3 =	vadd.f32 v3, v51  }
0x38c: {  	v61 =	vand.u32 $0x7FFFFFFF, v14;
	v6 =	vadd.f32 v60, v59  }
0x38d: {  	v2 =	vmul.f32 v2, v58;
	v62 =	vadd.f32 v5, v56;
	v3 =	vsub.f32 v3, v4  }
0x38e: {  	v63 =	vadd.f32 v61, v6  }
0x38f: {  	v2 =	vsub.f32 v62, v2;
	v3 =	vand.u32 $0x7FFFFFFF, v3  }
0x390: {  	v3 =	vadd.f32 v3, v63  }
0x391: {  	v2 =	vand.u32 $0x7FFFFFFF, v2  }
0x392: {  	v2 =	vadd.f32 v2, v3;
	_ =	sdelay $0x1  }
0x393: {  	(v2sf) =	vpush v2, $0x0  }
0x394: {  	(v2sf) =	vpush v2, $0x1  }
0x395: {  	(v2sf) =	vpush v2, $0x2  }
0x396: {  	(v2sf) =	vpush v2, $0x3  }
0x397: {  	(v2sf) =	vpush v2, $0x4  }
0x398: {  	(v2sf) =	vpush v2, $0x5  }
0x399: {  	(v2sf) =	vpush v2, $0x6  }
0x39a: {  	(v2sf) =	vpush v2, $0x7  }
0x39b: {  	(v2sf) =	vpush v2, $0x8  }
0x39c: {  	(v2sf) =	vpush v2, $0x9  }
0x39d: {  	(v2sf) =	vpush v2, $0xA  }
0x39e: {  	(v2sf) =	vpush v2, $0xB  }
0x39f: {  	(v2sf) =	vpush v2, $0xC  }
0x3a0: {  	(v2sf) =	vpush v2, $0xD  }
0x3a1: {  	(v2sf) =	vpush v2, $0xE  }
0x3a2: {  	s19 =	spop (v2sf);
	(v2sf) =	vpush v2, $0xF  }
0x3a3: {  	s11 =	spop (v2sf)  }
0x3a4: {  	s12 =	spop (v2sf)  }
0x3a5: {  	s13 =	spop (v2sf)  }
0x3a6: {  	s14 =	spop (v2sf)  }
0x3a7: {  	s15 =	spop (v2sf)  }
0x3a8: {  	s16 =	spop (v2sf)  }
0x3a9: {  	s10 =	sadd.f32 s11, s19;
	s17 =	spop (v2sf)  }
0x3aa: {  	s12 =	sadd.f32 s13, s12;
	s18 =	spop (v2sf)  }
0x3ab: {  	s14 =	sadd.f32 s15, s14;
	s20 =	spop (v2sf)  }
0x3ac: {  	s10 =	sadd.f32 s12, s10;
	s13 =	spop (v2sf)  }
0x3ad: {  	s16 =	sadd.f32 s17, s16;
	s19 =	spop (v2sf)  }
0x3ae: {  	s11 =	sadd.f32 s20, s18;
	s17 =	spop (v2sf)  }
0x3af: {  	s18 =	sadd.f32 s16, s14;
	s20 =	spop (v2sf)  }
0x3b0: {  	s13 =	sadd.f32 s19, s13;
	s19 =	spop (v2sf)  }
0x3b1: {  	s17 =	sadd.f32 s20, s17;
	s20 =	spop (v2sf)  }
0x3b2: {  	s15 =	sadd.f32 s20, s19  }
0x3b3: {  	s11 =	sadd.f32 s13, s11  }
0x3b4: {  	s19 =	sadd.f32 s15, s17  }
0x3b5: {  	s10 =	sadd.f32 s18, s10  }
0x3b6: {  	s11 =	sadd.f32 s19, s11;
	_ =	sdelay $0x1  }
0x3b7: {  	s10 =	sadd.f32 s11, s10  }
0x3b8: {  	s20 =	sand.u32 $0xF, s7  }
0x3b9: {  	v2 =	vmov s20;
	s10 =	ssub.f32 $1.200000000e+01, s10  }
0x3ba: {  	v3 =	vimm.f32 $0.0e+00;
	vm15 =	veq.s32 v2, v1  }
0x3bb: {  	p1 =	sne.s32 s20, $0xF;
	s11 =	simm.s32 $0x200;
	v2 =	vsel vm15, s10, v3;
	s10 =	simm.s32 $0x13AF1  }
.LBB2_8:
0x3bc: {  	s12 =	sshra.s32 s11, $0x2;
	[tilespmem:s10+$0x0] =	vst @!p1 v2  }
0x3bd: {  	v3 =	vld [tilespmem:s12+$0x49F0]  }
0x3be: {  	v4 =	vld [tilespmem:s12+$0x49D0]  }
0x3bf: {  	v5 =	vld [tilespmem:s12+$0x49E0]  }
0x3c0: {  	s8 =	sadd.s32 $0x10, s8;
	v6 =	vld [tilespmem:s12+$0x49C0]  }
0x3c1: {  	v7 =	vld [tilespmem:s8+$0x0]  }
0x3c2: {  	v8 =	vld [tilespmem:s12+$0x9C0]  }
0x3c3: {  	v9 =	vld [tilespmem:s12+$0x9D0]  }
0x3c4: {  	v10 =	vld [tilespmem:s12+$0x9E0]  }
0x3c5: {  	v11 =	vld [tilespmem:s12+$0x9F0]  }
0x3c6: {  	v4 =	vmul.f32 v4, v7  }
0x3c7: {  	v6 =	vmul.f32 v6, v7;
	v8 =	vmul.f32 v8, v7  }
0x3c8: {  	v7 =	vmul.f32 v9, v7;
	v3 =	vadd.f32 v3, v4  }
0x3c9: {  	v5 =	vadd.f32 v5, v6;
	v4 =	vadd.f32 v10, v8  }
0x3ca: {  	v6 =	vadd.f32 v11, v7;
	v7 =	vmul.f32 $1.591549370e-01, v3  }
0x3cb: {  	v9 =	vmul.f32 $1.591549370e-01, v5;
	v8 =	vmul.f32 $1.591549370e-01, v4  }
0x3cc: {  	v10 =	vmul.f32 $1.591549370e-01, v6  }
0x3cd: {  	vm1 =	vge.f32 v9, $0.0e+00;
	vm2 =	vge.f32 v7, $0.0e+00;
	vm0 =	vge.f32 v8, $0.0e+00  }
0x3ce: {  	v12 =	vsel vm2, $0x3F000000, v0;
	v11 =	vsel vm0, $0x3F000000, v0;
	vm0 =	vge.f32 v10, $0.0e+00  }
0x3cf: {  	v7 =	vadd.f32 v12, v7;
	v8 =	vadd.f32 v11, v8;
	v11 =	vsel vm1, $0x3F000000, v0  }
0x3d0: {  	v9 =	vadd.f32 v11, v9;
	v11 =	vsel vm0, $0x3F000000, v0  }
0x3d1: {  	v7 =	vtrunc.f32 v7;
	v8 =	vtrunc.f32 v8;
	v10 =	vadd.f32 v11, v10  }
0x3d2: {  	s11 =	sadd.s32 $0x200, s11;
	v8 =	vcvt.f32.s32 v8;
	v9 =	vtrunc.f32 v9  }
0x3d3: {  	p0 =	sne.s32 s11, $0x10000;
	v9 =	vcvt.f32.s32 v9;
	v10 =	vtrunc.f32 v10  }
0x3d4: {  	v8 =	vcvt.s32.f32 v8;
	v10 =	vcvt.f32.s32 v10  }
0x3d5: {  	v7 =	vcvt.f32.s32 v7;
	v9 =	vcvt.s32.f32 v9  }
0x3d6: {  	v8 =	vmul.f32 $6.283185480e+00, v8;
	v10 =	vcvt.s32.f32 v10  }
0x3d7: {  	v7 =	vcvt.s32.f32 v7;
	v9 =	vmul.f32 $6.283185480e+00, v9  }
0x3d8: {  	v4 =	vsub.f32 v4, v8;
	v8 =	vmul.f32 $6.283185480e+00, v10  }
0x3d9: {  	v7 =	vmul.f32 $6.283185480e+00, v7;
	v5 =	vsub.f32 v5, v9  }
0x3da: {  	v9 =	vmul.f32 v4, v4;
	v6 =	vsub.f32 v6, v8  }
0x3db: {  	v3 =	vsub.f32 v3, v7;
	v8 =	vmul.f32 v5, v5  }
0x3dc: {  	v7 =	vmul.f32 $1.353326760e-10, v9;
	v10 =	vmul.f32 v6, v6  }
0x3dd: {  	v12 =	vmul.f32 v3, v3;
	v11 =	vmul.f32 $1.353326760e-10, v8  }
0x3de: {  	v7 =	vadd.f32 $-2.470160960e-08, v7;
	v13 =	vmul.f32 $1.353326760e-10, v10  }
0x3df: {  	v14 =	vmul.f32 $1.353326760e-10, v12;
	v11 =	vadd.f32 $-2.470160960e-08, v11  }
0x3e0: {  	v7 =	vmul.f32 v7, v9;
	v13 =	vadd.f32 $-2.470160960e-08, v13  }
0x3e1: {  	v14 =	vadd.f32 $-2.470160960e-08, v14;
	v11 =	vmul.f32 v11, v8  }
0x3e2: {  	v7 =	vadd.f32 $2.753229180e-06, v7;
	v13 =	vmul.f32 v13, v10  }
0x3e3: {  	v14 =	vmul.f32 v14, v12;
	v11 =	vadd.f32 $2.753229180e-06, v11  }
0x3e4: {  	s9 =	sadd.s32 $0x60, s9;
	v15 =	vld [tilespmem:s12+$0x49B0];
	v7 =	vmul.f32 v7, v9;
	v13 =	vadd.f32 $2.753229180e-06, v13  }
0x3e5: {  	v14 =	vadd.f32 $2.753229180e-06, v14;
	v16 =	vld [tilespmem:s9+$0x0];
	v11 =	vmul.f32 v11, v8  }
0x3e6: {  	v17 =	vld [tilespmem:s12+$0x9B0];
	v7 =	vadd.f32 $-1.984031110e-04, v7;
	v13 =	vmul.f32 v13, v10  }
0x3e7: {  	v14 =	vmul.f32 v14, v12;
	v18 =	vld [tilespmem:s12+$0x49A0];
	v11 =	vadd.f32 $-1.984031110e-04, v11  }
0x3e8: {  	v19 =	vld [tilespmem:s9+$0xFFFFFFF0];
	v7 =	vmul.f32 v7, v9;
	v13 =	vadd.f32 $-1.984031110e-04, v13  }
0x3e9: {  	v14 =	vadd.f32 $-1.984031110e-04, v14;
	v20 =	vld [tilespmem:s12+$0x9A0];
	v11 =	vmul.f32 v11, v8  }
0x3ea: {  	v21 =	vld [tilespmem:s9+$0xFFFFFFE0];
	v7 =	vadd.f32 $8.333314210e-03, v7;
	v13 =	vmul.f32 v13, v10  }
0x3eb: {  	v14 =	vmul.f32 v14, v12;
	v22 =	vld [tilespmem:s12+$0x990];
	v11 =	vadd.f32 $8.333314210e-03, v11  }
0x3ec: {  	v23 =	vld [tilespmem:s9+$0xFFFFFFD0];
	v7 =	vmul.f32 v7, v9;
	v13 =	vadd.f32 $8.333314210e-03, v13  }
0x3ed: {  	v14 =	vadd.f32 $8.333314210e-03, v14;
	v16 =	vadd.f32 v16, v17;
	v24 =	vld [tilespmem:s12+$0x980];
	v11 =	vmul.f32 v11, v8  }
0x3ee: {  	v17 =	vld [tilespmem:s12+$0x4990];
	v19 =	vadd.f32 v19, v20;
	v7 =	vadd.f32 $-1.666666570e-01, v7;
	v13 =	vmul.f32 v13, v10  }
0x3ef: {  	v14 =	vmul.f32 v14, v12;
	v15 =	vsub.f32 v16, v15;
	v20 =	vld [tilespmem:s12+$0x4980];
	v11 =	vadd.f32 $-1.666666570e-01, v11  }
0x3f0: {  	v16 =	vsub.f32 v19, v18;
	v7 =	vmul.f32 v7, v9;
	v9 =	vadd.f32 $-1.666666570e-01, v13;
	v13 =	vld [tilespmem:s12+$0x8990]  }
0x3f1: {  	v18 =	vadd.f32 v21, v22;
	v19 =	vld [tilespmem:s12+$0x8980];
	v8 =	vmul.f32 v11, v8;
	v11 =	vadd.f32 $-1.666666570e-01, v14  }
0x3f2: {  	v14 =	vadd.f32 v23, v24;
	v7 =	vadd.f32 $1.000000000e+00, v7;
	v21 =	vld [tilespmem:s9+$0x10];
	v9 =	vmul.f32 v9, v10  }
0x3f3: {  	v10 =	vsub.f32 v18, v17;
	v8 =	vadd.f32 $1.000000000e+00, v8;
	v17 =	vld [tilespmem:s12+$0xC980];
	v11 =	vmul.f32 v11, v12  }
0x3f4: {  	v12 =	vsub.f32 v14, v20;
	v4 =	vmul.f32 v7, v4;
	v7 =	vadd.f32 $1.000000000e+00, v9;
	v9 =	vld [tilespmem:s9+$0x20]  }
0x3f5: {  	v10 =	vand.u32 $0x7FFFFFFF, v10;
	v5 =	vmul.f32 v8, v5;
	v8 =	vadd.f32 $1.000000000e+00, v11;
	v11 =	vld [tilespmem:s12+$0xC990]  }
0x3f6: {  	v12 =	vand.u32 $0x7FFFFFFF, v12;
	v4 =	vmul.f32 v4, v19;
	v6 =	vmul.f32 v7, v6  }
0x3f7: {  	v7 =	vadd.f32 v10, v12;
	v10 =	vand.u32 $0x7FFFFFFF, v16;
	v3 =	vmul.f32 v8, v3  }
0x3f8: {  	v5 =	vmul.f32 v5, v17;
	v4 =	vadd.f32 v4, v21;
	v6 =	vmul.f32 v6, v13  }
0x3f9: {  	v8 =	vand.u32 $0x7FFFFFFF, v15;
	v7 =	vadd.f32 v10, v7  }
0x3fa: {  	v4 =	vsub.f32 v4, v5;
	v3 =	vmul.f32 v3, v11;
	v5 =	vadd.f32 v6, v9  }
0x3fb: {  	v6 =	vadd.f32 v8, v7  }
0x3fc: {  	v4 =	vand.u32 $0x7FFFFFFF, v4;
	v3 =	vsub.f32 v5, v3  }
0x3fd: {  	v4 =	vadd.f32 v4, v6  }
0x3fe: {  	v3 =	vand.u32 $0x7FFFFFFF, v3  }
0x3ff: {  	v3 =	vadd.f32 v3, v4;
	_ =	sdelay $0x1  }
0x400: {  	(v2sf) =	vpush v3, $0x0  }
0x401: {  	(v2sf) =	vpush v3, $0x1  }
0x402: {  	(v2sf) =	vpush v3, $0x2  }
0x403: {  	(v2sf) =	vpush v3, $0x3  }
0x404: {  	(v2sf) =	vpush v3, $0x4  }
0x405: {  	(v2sf) =	vpush v3, $0x5  }
0x406: {  	(v2sf) =	vpush v3, $0x6  }
0x407: {  	(v2sf) =	vpush v3, $0x7  }
0x408: {  	(v2sf) =	vpush v3, $0x8  }
0x409: {  	(v2sf) =	vpush v3, $0x9  }
0x40a: {  	(v2sf) =	vpush v3, $0xA  }
0x40b: {  	(v2sf) =	vpush v3, $0xB  }
0x40c: {  	(v2sf) =	vpush v3, $0xC  }
0x40d: {  	(v2sf) =	vpush v3, $0xD  }
0x40e: {  	(v2sf) =	vpush v3, $0xE  }
0x40f: {  	s12 =	spop (v2sf);
	(v2sf) =	vpush v3, $0xF  }
0x410: {  	s13 =	spop (v2sf)  }
0x411: {  	s14 =	spop (v2sf)  }
0x412: {  	s15 =	spop (v2sf)  }
0x413: {  	s16 =	spop (v2sf)  }
0x414: {  	s17 =	spop (v2sf)  }
0x415: {  	s18 =	spop (v2sf)  }
0x416: {  	s19 =	spop (v2sf)  }
0x417: {  	s20 =	spop (v2sf)  }
0x418: {  	s12 =	sadd.f32 s13, s12;
	s13 =	spop (v2sf)  }
0x419: {  	s14 =	sadd.f32 s15, s14;
	s15 =	spop (v2sf)  }
0x41a: {  	s16 =	sadd.f32 s17, s16;
	s17 =	spop (v2sf)  }
0x41b: {  	s18 =	sadd.f32 s19, s18;
	s19 =	spop (v2sf)  }
0x41c: {  	s13 =	sadd.f32 s13, s20;
	s20 =	spop (v2sf)  }
0x41d: {  	s15 =	sadd.f32 s17, s15;
	s17 =	spop (v2sf)  }
0x41e: {  	s19 =	sadd.f32 s20, s19;
	s20 =	spop (v2sf)  }
0x41f: {  	s17 =	sadd.f32 s20, s17  }
0x420: {  	s12 =	sadd.f32 s14, s12  }
0x421: {  	s14 =	sadd.f32 s18, s16  }
0x422: {  	s13 =	sadd.f32 s15, s13  }
0x423: {  	s15 =	sadd.f32 s17, s19  }
0x424: {  	s12 =	sadd.f32 s14, s12  }
0x425: {  	s13 =	sadd.f32 s15, s13;
	_ =	sdelay $0x1  }
.Ltmp3:
0x426: {  	s7 =	sadd.s32 $0x1, s7;
	s12 =	sadd.f32 s13, s12;
	(pc) =	sbr.rel @p0 .LBB2_8-.Ltmp3, $4  }
0x427: {  	s13 =	sand.u32 $0xF, s7  }
0x428: {  	v3 =	vmov s13;
	s12 =	ssub.f32 $1.200000000e+01, s12  }
0x429: {  	vm0 =	veq.s32 v3, v1  }
0x42a: {  	s10 =	sadd.s32 $0x1, s10;
	p1 =	sne.s32 s13, $0xF;
	v2 =	vsel vm0, s12, v2  }
0x42b: {  	s6 =	sadd.s32 $0x1, s6  }
0x42c: {  	p0 =	sne.s32 s6, s23  }
.Ltmp4:
0x42d: {  	[tilespmem:s10+$0x0] =	vst @!p1 v2;
	s7 =	simm.s32 $0x13980;
	(pc) =	sbr.rel @p0 .LBB2_1-.Ltmp4, $4  }
0x42e: {  	[hbm4b:s22+s1] =	stream.linear.scatter [tilespmem:s7], [sflag:$0x2], $0x200, $0x38;
	[tilespmem:$0x13B80] =	vst v63  }
0x42f: {  	_ =	swait.ge [sflag:s24], $0x200  }
0x430: {  	[sflag:s24] =	ssyncset.done $0x0  }
0x431: {  	[sflag:s24] =	ssyncadd.s32 $0xFFFFFE00  }
0x432: {  	_ =	sfence.sel $0x180000  }
0x433: {  	[bflag:$0x0] =	sbarrier.arrive $0xFFFF  }
0x434: {  	_ =	strace $0x90000047  }
0x435: {  	s0 =	stileid.u32;
	[bflag:$0x2] =	sbarrier.arrive $0xFFFF  }
0x436: {  	p0 =	sne.s32 s0, $0x0;
	s0 =	rddreg [dreg:$0x2]  }
0x437: {  	s0 =	sadd.s32 @!p0 $0x100000, s0  }
0x438: {  	[sflag:s0] =	ssyncadd.tile.s32 @!p0 $0x1;
	_ =	shalt  }
.Lfunc_end2:
_tile_overlayer_lowered:
.L_overlay_start_2:
0x439: {  	(tag) =	ssettag $0x2  }
0x43a: {  	s0 =	rddreg [dreg:$0x0];
	s2 =	stileid.u32  }
0x43b: {  	s1 =	rddreg [dreg:$0x1];
	p0 =	sne.s32 s2, $0x0  }
0x43c: {  	s3 =	rddreg [dreg:$0x2];
	[bflag:$0x3] =	sbarrier.arrive $0xFFFF;
	s2 =	simm.s32 @!p0 $0x1C02  }
0x43d: {  	[timem:s3], [sflag:s2] =	dma.local @!p0 [hbm:s0], s1  }
0x43e: {  	s0 =	simm.s32 @!p0 $0x2  }
0x43f: {  	_ =	swait.ge @!p0 [sflag:s0], s1  }
0x440: {  	s1 =	ssub.s32 @!p0 $0x0, s1;
	[sflag:s0] =	ssyncset.done @!p0 $0x0  }
0x441: {  	[sflag:s0] =	ssyncadd.s32 @!p0 s1  }
0x442: {  	[bflag:$0x3] =	sbarrier.arrive $0xFFFF  }
0x443: {  	_ =	shalt  }

</sc_bundles>
